<compile_context>
chip_gen: v7x
topology: tpu7x:2x2x1
jax: 0.10.2.dev20260603
libtpu: 0.0.44.dev20260713+nightly
codegen_flags: <defaults>
</compile_context>

<pallas_src>
import functools

import jax
import jax.numpy as jnp
from jax import lax
from jax.experimental import pallas as pl
from jax.experimental.pallas import tpu as pltpu
from jax.experimental.pallas import tpu_sc as plsc

N_NODES = 10000
N_EDGES = 160000
D = 256
DH = D // 2

NUM_TILES = 16
CHUNK = 128
EDGES_PER_TILE = 10240
NCHUNK = EDGES_PER_TILE // CHUNK
NCHUNK_P = NCHUNK + 2
E_PAD = NUM_TILES * EDGES_PER_TILE
N_PAD = 10112
NR = N_PAD // 2
NR_PAD = 5120

_mesh = plsc.VectorSubcoreMesh(
    core_axis_name="c", subcore_axis_name="s", num_cores=2, num_subcores=NUM_TILES
)


_SC_OUT_TYPE = [
        jax.ShapeDtypeStruct((NR_PAD, DH), jnp.float32),
        jax.ShapeDtypeStruct((NR_PAD, DH), jnp.float32),
        jax.ShapeDtypeStruct((NR_PAD, DH), jnp.float32),
        jax.ShapeDtypeStruct((NR_PAD, DH), jnp.float32),
        jax.ShapeDtypeStruct((CHUNK, CHUNK), jnp.float32),
        jax.ShapeDtypeStruct((CHUNK, CHUNK), jnp.float32),
]
_SC_SCRATCH = [
        pltpu.VMEM((1, CHUNK), jnp.int32),
        pltpu.VMEM((1, CHUNK), jnp.int32),
        pltpu.VMEM((1, CHUNK), jnp.int32),
        pltpu.VMEM((1, CHUNK), jnp.int32),
        pltpu.VMEM((CHUNK, DH), jnp.float32),
        pltpu.VMEM((CHUNK, DH), jnp.float32),
        pltpu.VMEM((CHUNK, CHUNK), jnp.float32),
        pltpu.VMEM((1, CHUNK), jnp.int32),
        pltpu.VMEM_SHARED((NR_PAD, DH), jnp.float32),
        pltpu.VMEM_SHARED((CHUNK, CHUNK), jnp.float32),
        pltpu.SemaphoreType.DMA,
        pltpu.SemaphoreType.DMA,
        pltpu.SemaphoreType.DMA,
        pltpu.SemaphoreType.DMA,
]


def _sc_agg_body(fts_lo, fts_hi, u4, v3, z_agg, iota_in,
            a_l0, a_l1, a_h0, a_h1, cnt0, cnt1,
            u_a, v_a, u_b, v_b, buf_a, buf_b, hist, iota_v, agg_s, cnt_g,
            sem_a, sem_b, sem_ia, sem_ib):
    c = lax.axis_index("c")
    sid = lax.axis_index("s")
    zrows = NR_PAD // NUM_TILES
    crows = CHUNK // NUM_TILES

    pltpu.sync_copy(iota_in, iota_v)
    ones16 = jnp.ones((16,), jnp.float32)

    def zero_hist(i, carry):
        for k in range(CHUNK // 16):
            hist[i, pl.ds(k * 16, 16)] = jnp.zeros((16,), jnp.float32)
        return carry

    lax.fori_loop(0, CHUNK, zero_hist, 0)
    pltpu.sync_copy(z_agg.at[pl.ds(sid * crows, crows)],
                    cnt_g.at[pl.ds(sid * crows, crows), pl.ds(0, CHUNK)])

    def one_pass(r, fts_h, agg_out, cnt_out):
        pltpu.sync_copy(z_agg.at[pl.ds(sid * zrows, zrows)],
                        agg_s.at[pl.ds(sid * zrows, zrows)])
        plsc.subcore_barrier()
        do_hist = cnt_out is not None

        def idx_start(g, u_d, v_d, sem_i):
            pltpu.async_copy(u4.at[r, sid, pl.ds(g, 1)], u_d, sem_i)
            pltpu.async_copy(v3.at[sid, pl.ds(g, 1)], v_d, sem_i)

        def idx_wait(u_d, v_d, sem_i):
            pltpu.make_async_copy(u4.at[r, sid, pl.ds(0, 1)], u_d, sem_i).wait()
            pltpu.make_async_copy(v3.at[sid, pl.ds(0, 1)], v_d, sem_i).wait()

        def gather_wait(v_d, buf, sem_g):
            pltpu.make_async_copy(fts_h.at[v_d.at[0]], buf, sem_g).wait()

        def half(g_next, u_c, v_c, buf_c, sem_c, u_n, v_n, buf_n, sem_n,
                 sem_in, sem_ic):
            idx_wait(u_n, v_n, sem_in)
            gather_wait(v_c, buf_c, sem_c)
            pltpu.async_copy(fts_h.at[v_n.at[0]], buf_n, sem_n)
            pltpu.sync_copy(buf_c, agg_s.at[u_c.at[0]], add=True)
            if do_hist:
                for k in range(CHUNK // 16):
                    u16 = u_c[0, pl.ds(k * 16, 16)]
                    rows = lax.shift_right_logical(u16, 7)
                    cols = lax.bitwise_and(u16, 127)
                    plsc.addupdate_scatter(hist, (rows, cols), ones16)
            idx_start(g_next + 1, u_c, v_c, sem_ic)

        pltpu.sync_copy(u4.at[r, sid, pl.ds(0, 1)], u_a)
        pltpu.sync_copy(v3.at[sid, pl.ds(0, 1)], v_a)
        pltpu.async_copy(fts_h.at[v_a.at[0]], buf_a, sem_a)
        idx_start(1, u_b, v_b, sem_ib)

        def pair(p, carry):
            g = 2 * p
            half(g + 1, u_a, v_a, buf_a, sem_a, u_b, v_b, buf_b, sem_b,
                 sem_ib, sem_ia)
            half(g + 2, u_b, v_b, buf_b, sem_b, u_a, v_a, buf_a, sem_a,
                 sem_ia, sem_ib)
            return carry

        lax.fori_loop(0, NCHUNK // 2, pair, 0)
        idx_wait(u_b, v_b, sem_ib)
        gather_wait(v_a, buf_a, sem_a)
        if do_hist:
            pltpu.sync_copy(hist, cnt_g.at[iota_v.at[0]], add=True)
        plsc.subcore_barrier()
        pltpu.sync_copy(agg_s.at[pl.ds(sid * zrows, zrows)],
                        agg_out.at[pl.ds(sid * zrows, zrows)])
        if do_hist:
            pltpu.sync_copy(cnt_g.at[pl.ds(sid * crows, crows)],
                            cnt_out.at[pl.ds(sid * crows, crows)])

    @pl.when(c == 0)
    def _():
        one_pass(0, fts_lo, a_l0, cnt0)
        one_pass(1, fts_lo, a_l1, None)

    @pl.when(c == 1)
    def _():
        one_pass(0, fts_hi, a_h0, None)
        one_pass(1, fts_hi, a_h1, cnt1)


_sc_agg = pl.kernel(_sc_agg_body, out_type=_SC_OUT_TYPE, mesh=_mesh,
                    scratch_types=_SC_SCRATCH,
                    compiler_params=pltpu.CompilerParams(
                        needs_layout_passes=False))


BN = 1264


def _dense(fts, agg_lo, agg_hi, cnt, wlt, wr_lo, wr_hi, out_ref):
    inv = 1.0 / jnp.maximum(cnt[:, 0:1], 1.0)
    h = jnp.dot(fts[...], wlt[...], preferred_element_type=jnp.float32)
    agg_h = (jnp.dot(agg_lo[...], wr_lo[...], preferred_element_type=jnp.float32)
             + jnp.dot(agg_hi[...], wr_hi[...], preferred_element_type=jnp.float32))
    h = h + agg_h * inv
    nrm = lax.rsqrt(jnp.sum(h * h, axis=1, keepdims=True))
    out_ref[...] = h * nrm


_dense_call = pl.pallas_call(
    _dense,
    grid=(N_PAD // BN,),
    in_specs=[
        pl.BlockSpec((BN, D), lambda i: (i, 0)),
        pl.BlockSpec((BN, DH), lambda i: (i, 0)),
        pl.BlockSpec((BN, DH), lambda i: (i, 0)),
        pl.BlockSpec((BN, 1), lambda i: (i, 0)),
        pl.BlockSpec((D, D), lambda i: (0, 0)),
        pl.BlockSpec((DH, D), lambda i: (0, 0)),
        pl.BlockSpec((DH, D), lambda i: (0, 0)),
    ],
    out_specs=pl.BlockSpec((BN, D), lambda i: (i, 0)),
    out_shape=jax.ShapeDtypeStruct((N_PAD, D), jnp.float32),
)


def kernel(fts, edge_index, W_l, W_r):
    ei = edge_index.astype(jnp.int32)
    u = ei[0]
    v = ei[1]
    npad = E_PAD - N_EDGES
    u_pad = jnp.concatenate([u, jnp.full((npad,), N_NODES, jnp.int32)])
    v_pad = jnp.concatenate([v, jnp.zeros((npad,), jnp.int32)])
    dummy = jnp.int32(NR_PAD - 1)
    u_r0 = jnp.where(u_pad < NR, u_pad, dummy)
    u_r1_raw = u_pad - NR
    u_r1 = jnp.where((u_r1_raw >= 0) & (u_r1_raw < NR_PAD - 1), u_r1_raw, dummy)
    u4 = jnp.stack([u_r0, u_r1]).reshape(2, NUM_TILES, NCHUNK, CHUNK)
    u4 = jnp.pad(u4, ((0, 0), (0, 0), (0, NCHUNK_P - NCHUNK), (0, 0)))
    v3 = v_pad.reshape(NUM_TILES, NCHUNK, CHUNK)
    v3 = jnp.pad(v3, ((0, 0), (0, NCHUNK_P - NCHUNK), (0, 0)))
    fts_p = jnp.concatenate([fts, jnp.zeros((N_PAD - N_NODES, D), jnp.float32)])
    fts_lo = fts_p[:, :DH]
    fts_hi = fts_p[:, DH:]
    z_agg = jnp.zeros((NR_PAD, DH), jnp.float32)
    iota_in = jnp.arange(CHUNK, dtype=jnp.int32).reshape(1, CHUNK)

    a_l0, a_l1, a_h0, a_h1, c0, c1 = _sc_agg(fts_lo, fts_hi, u4, v3, z_agg,
                                             iota_in)

    agg_lo = jnp.concatenate([a_l0[:NR], a_l1[:NR]])
    agg_hi = jnp.concatenate([a_h0[:NR], a_h1[:NR]])
    cnt = jnp.concatenate([c0.reshape(-1)[:NR], c1.reshape(-1)[:NR]])[:, None]

    wlt = W_l.T
    wrt = W_r.T
    out = _dense_call(fts_p, agg_lo, agg_hi, cnt, wlt, wrt[:DH], wrt[DH:])
    return out[:N_NODES]

# --- scband reference (transcript-rebuilt; emitter-appended) ---
"""Pipeline reference for scband-graph-sage-mean-85048942395936 (READ-ONLY COPY).

The authoritative reference and input builder live on the scoring server;
editing this copy changes nothing except your own understanding.
"""

import jax, jax.numpy as jnp
import numpy as np

N_NODES = 10000
N_EDGES = 160000
D = 256

def setup_inputs(seed: int = 0) -> dict:
    key = jax.random.key(seed)
    k1, k2, k3, k4 = jax.random.split(key, 4)
    fts = jax.random.normal(k1, (N_NODES, D), dtype=jnp.float32)
    edge_index = jax.random.randint(k2, (2, N_EDGES), 0, N_NODES, dtype=jnp.int64)
    # torch.nn.Linear default init: U(-1/sqrt(in), 1/sqrt(in)); weight shape [out, in]
    bound = 1.0 / np.sqrt(D)
    W_l = jax.random.uniform(k3, (D, D), minval=-bound, maxval=bound, dtype=jnp.float32)
    W_r = jax.random.uniform(k4, (D, D), minval=-bound, maxval=bound, dtype=jnp.float32)
    return {"fts": fts, "edge_index": edge_index, "W_l": W_l, "W_r": W_r}

def reference(fts, edge_index, W_l, W_r):
    n = fts.shape[0]
    u = edge_index[0]
    v = edge_index[1]
    # gather neighbor features along edges, then mean-aggregate into destination u
    msgs = jnp.take(fts, v, axis=0)
    agg_sum = jax.ops.segment_sum(msgs, u, num_segments=n)
    counts = jax.ops.segment_sum(jnp.ones((edge_index.shape[1],), dtype=fts.dtype), u, num_segments=n)
    aggregate = agg_sum / jnp.maximum(counts, 1.0)[:, None]
    # linear_l(fts) + linear_r(aggregate); torch Linear: x @ W.T
    out = fts @ W_l.T + aggregate @ W_r.T
    # normalize=True: divide by L2 norm over feature dim
    out = out / jnp.linalg.norm(out, axis=1)[:, None]
    return out

if __name__ == "__main__":
    import jax
    _d = setup_inputs()
    print(jax.jit(kernel)(*tuple(_d.values())))

</pallas_src>

<mosaic_0001>
#map = affine_map<(d0, d1) -> (0, 0)>
#map1 = affine_map<(d0, d1) -> (0, 0, 0, 0)>
#map2 = affine_map<(d0, d1) -> (0, 0, 0)>
module attributes {stable_mosaic.version = 14 : i64} {
  func.func @_sc_agg_body(%arg0: i32, %arg1: i32, %arg2: memref<10112x128xf32, #tpu.memory_space<hbm>>, %arg3: memref<10112x128xf32, #tpu.memory_space<hbm>>, %arg4: memref<2x16x82x128xi32, #tpu.memory_space<hbm>>, %arg5: memref<16x82x128xi32, #tpu.memory_space<hbm>>, %arg6: memref<5120x128xf32, #tpu.memory_space<hbm>>, %arg7: memref<1x128xi32, #tpu.memory_space<hbm>>, %arg8: memref<5120x128xf32, #tpu.memory_space<hbm>>, %arg9: memref<5120x128xf32, #tpu.memory_space<hbm>>, %arg10: memref<5120x128xf32, #tpu.memory_space<hbm>>, %arg11: memref<5120x128xf32, #tpu.memory_space<hbm>>, %arg12: memref<128x128xf32, #tpu.memory_space<hbm>>, %arg13: memref<128x128xf32, #tpu.memory_space<hbm>>, %arg14: memref<1x128xi32, #tpu.memory_space<vmem>>, %arg15: memref<1x128xi32, #tpu.memory_space<vmem>>, %arg16: memref<1x128xi32, #tpu.memory_space<vmem>>, %arg17: memref<1x128xi32, #tpu.memory_space<vmem>>, %arg18: memref<128x128xf32, #tpu.memory_space<vmem>>, %arg19: memref<128x128xf32, #tpu.memory_space<vmem>>, %arg20: memref<128x128xf32, #tpu.memory_space<vmem>>, %arg21: memref<1x128xi32, #tpu.memory_space<vmem>>, %arg22: memref<5120x128xf32, #tpu.memory_space<vmem_shared>>, %arg23: memref<128x128xf32, #tpu.memory_space<vmem_shared>>, %arg24: memref<!tpu.dma_semaphore, #tpu.memory_space<semaphore_mem>>, %arg25: memref<!tpu.dma_semaphore, #tpu.memory_space<semaphore_mem>>, %arg26: memref<!tpu.dma_semaphore, #tpu.memory_space<semaphore_mem>>, %arg27: memref<!tpu.dma_semaphore, #tpu.memory_space<semaphore_mem>>) attributes {dimension_semantics = [#tpu.dimension_semantics<core_parallel>, #tpu.dimension_semantics<subcore_parallel>], iteration_bounds = array<i64: 2, 16>, scalar_prefetch = 0 : i64, scratch_operands = 14 : i64, tpu.core_type = #tpu.core_type<sc_vector_subcore>, window_params = [{transform_indices = #map}, {transform_indices = #map}, {transform_indices = #map1}, {transform_indices = #map2}, {transform_indices = #map}, {transform_indices = #map}, {transform_indices = #map}, {transform_indices = #map}, {transform_indices = #map}, {transform_indices = #map}, {transform_indices = #map}, {transform_indices = #map}]} {
    "tpu.region"() ({
      %run_scoped3A = tpu.sem_alloc : memref<!tpu.dma_semaphore, #tpu.memory_space<semaphore_mem>>
      tpu.enqueue_dma source(%arg7 : memref<1x128xi32, #tpu.memory_space<hbm>>) target(%arg21 : memref<1x128xi32, #tpu.memory_space<vmem>>) target_semaphore(%run_scoped3A : memref<!tpu.dma_semaphore, #tpu.memory_space<semaphore_mem>>)
      tpu.wait_dma2 semaphore(%run_scoped3A : memref<!tpu.dma_semaphore, #tpu.memory_space<semaphore_mem>>) src(%arg7 : memref<1x128xi32, #tpu.memory_space<hbm>>) dst(%arg21 : memref<1x128xi32, #tpu.memory_space<vmem>>)
      tpu.yield
    }) : () -> ()
    %broadcast_in_dim3A = arith.constant 1.000000e+00 : f32
    %broadcast_in_dim3A_0 = vector.broadcast %broadcast_in_dim3A : f32 to vector<16xf32>
    %scan3A = arith.constant 0 : i32
    %scan3A_1 = arith.constant 0 : i32
    %scan3A_2 = arith.constant 128 : i32
    %scan3A_3 = arith.addi %scan3A_1, %scan3A_2 : i32
    %scan3A_4 = arith.constant 1 : i32
    scf.for %scan3A_16 = %scan3A_1 to %scan3A_3 step %scan3A_4  : i32 {
      %broadcast_in_dim3A_17 = arith.constant 0.000000e+00 : f32
      %broadcast_in_dim3A_18 = vector.broadcast %broadcast_in_dim3A_17 : f32 to vector<16xf32>
      %swap3A = arith.index_cast %scan3A_16 : i32 to index
      %swap3A_19 = arith.constant 0 : index
      %swap3A_20 = tpu.vector_load %arg20[%swap3A, %swap3A_19] {strides = array<i32>} : memref<128x128xf32, #tpu.memory_space<vmem>>, vector<16xf32>,
      tpu.vector_store %arg20[%swap3A, %swap3A_19], %broadcast_in_dim3A_18 {strides = array<i32>} : memref<128x128xf32, #tpu.memory_space<vmem>>, vector<16xf32>,
      %broadcast_in_dim3A_21 = arith.constant 0.000000e+00 : f32
      %broadcast_in_dim3A_22 = vector.broadcast %broadcast_in_dim3A_21 : f32 to vector<16xf32>
      %swap3A_23 = arith.index_cast %scan3A_16 : i32 to index
      %swap3A_24 = arith.constant 16 : index
      %swap3A_25 = tpu.vector_load %arg20[%swap3A_23, %swap3A_24] {strides = array<i32>} : memref<128x128xf32, #tpu.memory_space<vmem>>, vector<16xf32>,
      tpu.vector_store %arg20[%swap3A_23, %swap3A_24], %broadcast_in_dim3A_22 {strides = array<i32>} : memref<128x128xf32, #tpu.memory_space<vmem>>, vector<16xf32>,
      %broadcast_in_dim3A_26 = arith.constant 0.000000e+00 : f32
      %broadcast_in_dim3A_27 = vector.broadcast %broadcast_in_dim3A_26 : f32 to vector<16xf32>
      %swap3A_28 = arith.index_cast %scan3A_16 : i32 to index
      %swap3A_29 = arith.constant 32 : index
      %swap3A_30 = tpu.vector_load %arg20[%swap3A_28, %swap3A_29] {strides = array<i32>} : memref<128x128xf32, #tpu.memory_space<vmem>>, vector<16xf32>,
      tpu.vector_store %arg20[%swap3A_28, %swap3A_29], %broadcast_in_dim3A_27 {strides = array<i32>} : memref<128x128xf32, #tpu.memory_space<vmem>>, vector<16xf32>,
      %broadcast_in_dim3A_31 = arith.constant 0.000000e+00 : f32
      %broadcast_in_dim3A_32 = vector.broadcast %broadcast_in_dim3A_31 : f32 to vector<16xf32>
      %swap3A_33 = arith.index_cast %scan3A_16 : i32 to index
      %swap3A_34 = arith.constant 48 : index
      %swap3A_35 = tpu.vector_load %arg20[%swap3A_33, %swap3A_34] {strides = array<i32>} : memref<128x128xf32, #tpu.memory_space<vmem>>, vector<16xf32>,
      tpu.vector_store %arg20[%swap3A_33, %swap3A_34], %broadcast_in_dim3A_32 {strides = array<i32>} : memref<128x128xf32, #tpu.memory_space<vmem>>, vector<16xf32>,
      %broadcast_in_dim3A_36 = arith.constant 0.000000e+00 : f32
      %broadcast_in_dim3A_37 = vector.broadcast %broadcast_in_dim3A_36 : f32 to vector<16xf32>
      %swap3A_38 = arith.index_cast %scan3A_16 : i32 to index
      %swap3A_39 = arith.constant 64 : index
      %swap3A_40 = tpu.vector_load %arg20[%swap3A_38, %swap3A_39] {strides = array<i32>} : memref<128x128xf32, #tpu.memory_space<vmem>>, vector<16xf32>,
      tpu.vector_store %arg20[%swap3A_38, %swap3A_39], %broadcast_in_dim3A_37 {strides = array<i32>} : memref<128x128xf32, #tpu.memory_space<vmem>>, vector<16xf32>,
      %broadcast_in_dim3A_41 = arith.constant 0.000000e+00 : f32
      %broadcast_in_dim3A_42 = vector.broadcast %broadcast_in_dim3A_41 : f32 to vector<16xf32>
      %swap3A_43 = arith.index_cast %scan3A_16 : i32 to index
      %swap3A_44 = arith.constant 80 : index
      %swap3A_45 = tpu.vector_load %arg20[%swap3A_43, %swap3A_44] {strides = array<i32>} : memref<128x128xf32, #tpu.memory_space<vmem>>, vector<16xf32>,
      tpu.vector_store %arg20[%swap3A_43, %swap3A_44], %broadcast_in_dim3A_42 {strides = array<i32>} : memref<128x128xf32, #tpu.memory_space<vmem>>, vector<16xf32>,
      %broadcast_in_dim3A_46 = arith.constant 0.000000e+00 : f32
      %broadcast_in_dim3A_47 = vector.broadcast %broadcast_in_dim3A_46 : f32 to vector<16xf32>
      %swap3A_48 = arith.index_cast %scan3A_16 : i32 to index
      %swap3A_49 = arith.constant 96 : index
      %swap3A_50 = tpu.vector_load %arg20[%swap3A_48, %swap3A_49] {strides = array<i32>} : memref<128x128xf32, #tpu.memory_space<vmem>>, vector<16xf32>,
      tpu.vector_store %arg20[%swap3A_48, %swap3A_49], %broadcast_in_dim3A_47 {strides = array<i32>} : memref<128x128xf32, #tpu.memory_space<vmem>>, vector<16xf32>,
      %broadcast_in_dim3A_51 = arith.constant 0.000000e+00 : f32
      %broadcast_in_dim3A_52 = vector.broadcast %broadcast_in_dim3A_51 : f32 to vector<16xf32>
      %swap3A_53 = arith.index_cast %scan3A_16 : i32 to index
      %swap3A_54 = arith.constant 112 : index
      %swap3A_55 = tpu.vector_load %arg20[%swap3A_53, %swap3A_54] {strides = array<i32>} : memref<128x128xf32, #tpu.memory_space<vmem>>, vector<16xf32>,
      tpu.vector_store %arg20[%swap3A_53, %swap3A_54], %broadcast_in_dim3A_52 {strides = array<i32>} : memref<128x128xf32, #tpu.memory_space<vmem>>, vector<16xf32>,
    }
    %scan3A_5 = arith.constant 128 : i32
    %mul3A = arith.constant 8 : i32
    %mul3A_6 = arith.muli %arg1, %mul3A : i32
    %mul3A_7 = arith.constant 8 : i32
    %mul3A_8 = arith.muli %arg1, %mul3A_7 : i32
    "tpu.region"() ({
      %run_scoped3A = tpu.sem_alloc : memref<!tpu.dma_semaphore, #tpu.memory_space<semaphore_mem>>
      %dma_start3A = arith.constant 0 : i32
      %dma_start3A_16 = tpu.memref_slice %arg23[%mul3A_8, %dma_start3A] : memref<128x128xf32, #tpu.memory_space<vmem_shared>> -> memref<8x128xf32, #tpu.memory_space<vmem_shared>>
      %dma_start3A_17 = arith.constant 0 : i32
      %dma_start3A_18 = tpu.memref_slice %arg6[%mul3A_6, %dma_start3A_17] : memref<5120x128xf32, #tpu.memory_space<hbm>> -> memref<8x128xf32, #tpu.memory_space<hbm>>
      tpu.enqueue_dma source(%dma_start3A_18 : memref<8x128xf32, #tpu.memory_space<hbm>>) target(%dma_start3A_16 : memref<8x128xf32, #tpu.memory_space<vmem_shared>>) target_semaphore(%run_scoped3A : memref<!tpu.dma_semaphore, #tpu.memory_space<semaphore_mem>>)
      %dma_wait3A = arith.constant 0 : i32
      %dma_wait3A_19 = tpu.memref_slice %arg23[%mul3A_8, %dma_wait3A] : memref<128x128xf32, #tpu.memory_space<vmem_shared>> -> memref<8x128xf32, #tpu.memory_space<vmem_shared>>
      %dma_wait3A_20 = arith.constant 0 : i32
      %dma_wait3A_21 = tpu.memref_slice %arg6[%mul3A_6, %dma_wait3A_20] : memref<5120x128xf32, #tpu.memory_space<hbm>> -> memref<8x128xf32, #tpu.memory_space<hbm>>
      tpu.wait_dma2 semaphore(%run_scoped3A : memref<!tpu.dma_semaphore, #tpu.memory_space<semaphore_mem>>) src(%dma_wait3A_21 : memref<8x128xf32, #tpu.memory_space<hbm>>) dst(%dma_wait3A_19 : memref<8x128xf32, #tpu.memory_space<vmem_shared>>)
      tpu.yield
    }) : () -> ()
    %eq3A = arith.constant 0 : i32
    %eq3A_9 = arith.cmpi eq, %arg0, %eq3A : i32
    %convert_element_type3A = arith.extui %eq3A_9 : i1 to i32
    %cond3A = arith.constant 0 : i32
    %cond3A_10 = arith.cmpi ne, %convert_element_type3A, %cond3A : i32
    scf.if %cond3A_10 {
      %mul3A_16 = arith.constant 320 : i32
      %mul3A_17 = arith.muli %arg1, %mul3A_16 : i32
      %mul3A_18 = arith.constant 320 : i32
      %mul3A_19 = arith.muli %arg1, %mul3A_18 : i32
      "tpu.region"() ({
        %run_scoped3A_147 = tpu.sem_alloc : memref<!tpu.dma_semaphore, #tpu.memory_space<semaphore_mem>>
        %dma_start3A_148 = arith.constant 0 : i32
        %dma_start3A_149 = tpu.memref_slice %arg22[%mul3A_19, %dma_start3A_148] : memref<5120x128xf32, #tpu.memory_space<vmem_shared>> -> memref<320x128xf32, #tpu.memory_space<vmem_shared>>
        %dma_start3A_150 = arith.constant 0 : i32
        %dma_start3A_151 = tpu.memref_slice %arg6[%mul3A_17, %dma_start3A_150] : memref<5120x128xf32, #tpu.memory_space<hbm>> -> memref<320x128xf32, #tpu.memory_space<hbm>>
        tpu.enqueue_dma source(%dma_start3A_151 : memref<320x128xf32, #tpu.memory_space<hbm>>) target(%dma_start3A_149 : memref<320x128xf32, #tpu.memory_space<vmem_shared>>) target_semaphore(%run_scoped3A_147 : memref<!tpu.dma_semaphore, #tpu.memory_space<semaphore_mem>>)
        %dma_wait3A_152 = arith.constant 0 : i32
        %dma_wait3A_153 = tpu.memref_slice %arg22[%mul3A_19, %dma_wait3A_152] : memref<5120x128xf32, #tpu.memory_space<vmem_shared>> -> memref<320x128xf32, #tpu.memory_space<vmem_shared>>
        %dma_wait3A_154 = arith.constant 0 : i32
        %dma_wait3A_155 = tpu.memref_slice %arg6[%mul3A_17, %dma_wait3A_154] : memref<5120x128xf32, #tpu.memory_space<hbm>> -> memref<320x128xf32, #tpu.memory_space<hbm>>
        tpu.wait_dma2 semaphore(%run_scoped3A_147 : memref<!tpu.dma_semaphore, #tpu.memory_space<semaphore_mem>>) src(%dma_wait3A_155 : memref<320x128xf32, #tpu.memory_space<hbm>>) dst(%dma_wait3A_153 : memref<320x128xf32, #tpu.memory_space<vmem_shared>>)
        tpu.yield
      }) : () -> ()
      %barrier3A = arith.constant 0 : index
      tpu.barrier barrier_id(%barrier3A)
      %run_scoped3A = arith.constant 0 : i32
      "tpu.region"() ({
        %run_scoped3A_147 = tpu.sem_alloc : memref<!tpu.dma_semaphore, #tpu.memory_space<semaphore_mem>>
        %dma_start3A_148 = arith.constant 0 : i32
        %dma_start3A_149 = arith.constant 0 : i32
        %dma_start3A_150 = tpu.memref_slice %arg4[%run_scoped3A, %arg1, %dma_start3A_148, %dma_start3A_149] : memref<2x16x82x128xi32, #tpu.memory_space<hbm>> -> memref<1x1x1x128xi32, #tpu.memory_space<hbm>>
        %dma_start3A_151 = tpu.memref_squeeze %dma_start3A_150 : memref<1x1x1x128xi32, #tpu.memory_space<hbm>> -> memref<1x128xi32, #tpu.memory_space<hbm>>
        %dma_start3A_152 = arith.constant 0 : i32
        %dma_start3A_153 = arith.constant 0 : i32
        %dma_start3A_154 = tpu.memref_slice %arg4[%run_scoped3A, %arg1, %dma_start3A_152, %dma_start3A_153] : memref<2x16x82x128xi32, #tpu.memory_space<hbm>> -> memref<1x1x1x128xi32, #tpu.memory_space<hbm>>
        %dma_start3A_155 = tpu.memref_squeeze %dma_start3A_154 : memref<1x1x1x128xi32, #tpu.memory_space<hbm>> -> memref<1x128xi32, #tpu.memory_space<hbm>>
        tpu.enqueue_dma source(%dma_start3A_155 : memref<1x128xi32, #tpu.memory_space<hbm>>) target(%arg14 : memref<1x128xi32, #tpu.memory_space<vmem>>) target_semaphore(%run_scoped3A_147 : memref<!tpu.dma_semaphore, #tpu.memory_space<semaphore_mem>>)
        %dma_wait3A_156 = arith.constant 0 : i32
        %dma_wait3A_157 = arith.constant 0 : i32
        %dma_wait3A_158 = tpu.memref_slice %arg4[%run_scoped3A, %arg1, %dma_wait3A_156, %dma_wait3A_157] : memref<2x16x82x128xi32, #tpu.memory_space<hbm>> -> memref<1x1x1x128xi32, #tpu.memory_space<hbm>>
        %dma_wait3A_159 = tpu.memref_squeeze %dma_wait3A_158 : memref<1x1x1x128xi32, #tpu.memory_space<hbm>> -> memref<1x128xi32, #tpu.memory_space<hbm>>
        %dma_wait3A_160 = arith.constant 0 : i32
        %dma_wait3A_161 = arith.constant 0 : i32
        %dma_wait3A_162 = tpu.memref_slice %arg4[%run_scoped3A, %arg1, %dma_wait3A_160, %dma_wait3A_161] : memref<2x16x82x128xi32, #tpu.memory_space<hbm>> -> memref<1x1x1x128xi32, #tpu.memory_space<hbm>>
        %dma_wait3A_163 = tpu.memref_squeeze %dma_wait3A_162 : memref<1x1x1x128xi32, #tpu.memory_space<hbm>> -> memref<1x128xi32, #tpu.memory_space<hbm>>
        tpu.wait_dma2 semaphore(%run_scoped3A_147 : memref<!tpu.dma_semaphore, #tpu.memory_space<semaphore_mem>>) src(%dma_wait3A_163 : memref<1x128xi32, #tpu.memory_space<hbm>>) dst(%arg14 : memref<1x128xi32, #tpu.memory_space<vmem>>)
        tpu.yield
      }) : () -> ()
      "tpu.region"() ({
        %run_scoped3A_147 = tpu.sem_alloc : memref<!tpu.dma_semaphore, #tpu.memory_space<semaphore_mem>>
        %dma_start3A_148 = arith.constant 0 : i32
        %dma_start3A_149 = arith.constant 0 : i32
        %dma_start3A_150 = tpu.memref_slice %arg5[%arg1, %dma_start3A_148, %dma_start3A_149] : memref<16x82x128xi32, #tpu.memory_space<hbm>> -> memref<1x1x128xi32, #tpu.memory_space<hbm>>
        %dma_start3A_151 = tpu.memref_squeeze %dma_start3A_150 : memref<1x1x128xi32, #tpu.memory_space<hbm>> -> memref<1x128xi32, #tpu.memory_space<hbm>>
        %dma_start3A_152 = arith.constant 0 : i32
        %dma_start3A_153 = arith.constant 0 : i32
        %dma_start3A_154 = tpu.memref_slice %arg5[%arg1, %dma_start3A_152, %dma_start3A_153] : memref<16x82x128xi32, #tpu.memory_space<hbm>> -> memref<1x1x128xi32, #tpu.memory_space<hbm>>
        %dma_start3A_155 = tpu.memref_squeeze %dma_start3A_154 : memref<1x1x128xi32, #tpu.memory_space<hbm>> -> memref<1x128xi32, #tpu.memory_space<hbm>>
        tpu.enqueue_dma source(%dma_start3A_155 : memref<1x128xi32, #tpu.memory_space<hbm>>) target(%arg15 : memref<1x128xi32, #tpu.memory_space<vmem>>) target_semaphore(%run_scoped3A_147 : memref<!tpu.dma_semaphore, #tpu.memory_space<semaphore_mem>>)
        %dma_wait3A_156 = arith.constant 0 : i32
        %dma_wait3A_157 = arith.constant 0 : i32
        %dma_wait3A_158 = tpu.memref_slice %arg5[%arg1, %dma_wait3A_156, %dma_wait3A_157] : memref<16x82x128xi32, #tpu.memory_space<hbm>> -> memref<1x1x128xi32, #tpu.memory_space<hbm>>
        %dma_wait3A_159 = tpu.memref_squeeze %dma_wait3A_158 : memref<1x1x128xi32, #tpu.memory_space<hbm>> -> memref<1x128xi32, #tpu.memory_space<hbm>>
        %dma_wait3A_160 = arith.constant 0 : i32
        %dma_wait3A_161 = arith.constant 0 : i32
        %dma_wait3A_162 = tpu.memref_slice %arg5[%arg1, %dma_wait3A_160, %dma_wait3A_161] : memref<16x82x128xi32, #tpu.memory_space<hbm>> -> memref<1x1x128xi32, #tpu.memory_space<hbm>>
        %dma_wait3A_163 = tpu.memref_squeeze %dma_wait3A_162 : memref<1x1x128xi32, #tpu.memory_space<hbm>> -> memref<1x128xi32, #tpu.memory_space<hbm>>
        tpu.wait_dma2 semaphore(%run_scoped3A_147 : memref<!tpu.dma_semaphore, #tpu.memory_space<semaphore_mem>>) src(%dma_wait3A_163 : memref<1x128xi32, #tpu.memory_space<hbm>>) dst(%arg15 : memref<1x128xi32, #tpu.memory_space<vmem>>)
        tpu.yield
      }) : () -> ()
      %dma_start3A = arith.constant 0 : i32
      %dma_start3A_20 = arith.constant 0 : i32
      %dma_start3A_21 = tpu.memref_slice %arg15[%dma_start3A, %dma_start3A_20] : memref<1x128xi32, #tpu.memory_space<vmem>> -> memref<1x128xi32, #tpu.memory_space<vmem>>
      %dma_start3A_22 = tpu.memref_squeeze %dma_start3A_21 : memref<1x128xi32, #tpu.memory_space<vmem>> -> memref<128xi32, #tpu.memory_space<vmem>>
      %dma_start3A_23 = arith.constant 0 : i32
      %dma_start3A_24 = arith.constant 0 : i32
      %dma_start3A_25 = tpu.memref_slice %arg2[%dma_start3A_23, %dma_start3A_24] : memref<10112x128xf32, #tpu.memory_space<hbm>> -> memref<10112x128xf32, #tpu.memory_space<hbm>>
      tpu.enqueue_indirect_dma source(%dma_start3A_25 : memref<10112x128xf32, #tpu.memory_space<hbm>>) target(%arg18 : memref<128x128xf32, #tpu.memory_space<vmem>>) offsets(%dma_start3A_22 : memref<128xi32, #tpu.memory_space<vmem>>) semaphore(%arg24 : memref<!tpu.dma_semaphore, #tpu.memory_space<semaphore_mem>>)
      %dma_start3A_26 = arith.constant 0 : i32
      %dma_start3A_27 = arith.constant 1 : i32
      %dma_start3A_28 = arith.constant 0 : i32
      %dma_start3A_29 = tpu.memref_slice %arg4[%dma_start3A_26, %arg1, %dma_start3A_27, %dma_start3A_28] : memref<2x16x82x128xi32, #tpu.memory_space<hbm>> -> memref<1x1x1x128xi32, #tpu.memory_space<hbm>>
      %dma_start3A_30 = tpu.memref_squeeze %dma_start3A_29 : memref<1x1x1x128xi32, #tpu.memory_space<hbm>> -> memref<1x128xi32, #tpu.memory_space<hbm>>
      %dma_start3A_31 = arith.constant 1 : i32
      %dma_start3A_32 = arith.constant 0 : i32
      %dma_start3A_33 = tpu.memref_slice %arg4[%dma_start3A_26, %arg1, %dma_start3A_31, %dma_start3A_32] : memref<2x16x82x128xi32, #tpu.memory_space<hbm>> -> memref<1x1x1x128xi32, #tpu.memory_space<hbm>>
      %dma_start3A_34 = tpu.memref_squeeze %dma_start3A_33 : memref<1x1x1x128xi32, #tpu.memory_space<hbm>> -> memref<1x128xi32, #tpu.memory_space<hbm>>
      tpu.enqueue_dma source(%dma_start3A_34 : memref<1x128xi32, #tpu.memory_space<hbm>>) target(%arg16 : memref<1x128xi32, #tpu.memory_space<vmem>>) target_semaphore(%arg27 : memref<!tpu.dma_semaphore, #tpu.memory_space<semaphore_mem>>)
      %dma_start3A_35 = arith.constant 1 : i32
      %dma_start3A_36 = arith.constant 0 : i32
      %dma_start3A_37 = tpu.memref_slice %arg5[%arg1, %dma_start3A_35, %dma_start3A_36] : memref<16x82x128xi32, #tpu.memory_space<hbm>> -> memref<1x1x128xi32, #tpu.memory_space<hbm>>
      %dma_start3A_38 = tpu.memref_squeeze %dma_start3A_37 : memref<1x1x128xi32, #tpu.memory_space<hbm>> -> memref<1x128xi32, #tpu.memory_space<hbm>>
      %dma_start3A_39 = arith.constant 1 : i32
      %dma_start3A_40 = arith.constant 0 : i32
      %dma_start3A_41 = tpu.memref_slice %arg5[%arg1, %dma_start3A_39, %dma_start3A_40] : memref<16x82x128xi32, #tpu.memory_space<hbm>> -> memref<1x1x128xi32, #tpu.memory_space<hbm>>
      %dma_start3A_42 = tpu.memref_squeeze %dma_start3A_41 : memref<1x1x128xi32, #tpu.memory_space<hbm>> -> memref<1x128xi32, #tpu.memory_space<hbm>>
      tpu.enqueue_dma source(%dma_start3A_42 : memref<1x128xi32, #tpu.memory_space<hbm>>) target(%arg17 : memref<1x128xi32, #tpu.memory_space<vmem>>) target_semaphore(%arg27 : memref<!tpu.dma_semaphore, #tpu.memory_space<semaphore_mem>>)
      %scan3A_43 = arith.constant 0 : i32
      %scan3A_44 = arith.constant 0 : i32
      %scan3A_45 = arith.constant 40 : i32
      %scan3A_46 = arith.addi %scan3A_44, %scan3A_45 : i32
      %scan3A_47 = arith.constant 1 : i32
      scf.for %scan3A_147 = %scan3A_44 to %scan3A_46 step %scan3A_47  : i32 {
        %mul3A_148 = arith.constant 2 : i32
        %mul3A_149 = arith.muli %mul3A_148, %scan3A_147 : i32
        %add3A = arith.constant 1 : i32
        %add3A_150 = arith.addi %mul3A_149, %add3A : i32
        %dma_wait3A_151 = arith.constant 0 : i32
        %dma_wait3A_152 = arith.constant 0 : i32
        %dma_wait3A_153 = arith.constant 0 : i32
        %dma_wait3A_154 = tpu.memref_slice %arg4[%dma_wait3A_151, %arg1, %dma_wait3A_152, %dma_wait3A_153] : memref<2x16x82x128xi32, #tpu.memory_space<hbm>> -> memref<1x1x1x128xi32, #tpu.memory_space<hbm>>
        %dma_wait3A_155 = tpu.memref_squeeze %dma_wait3A_154 : memref<1x1x1x128xi32, #tpu.memory_space<hbm>> -> memref<1x128xi32, #tpu.memory_space<hbm>>
        %dma_wait3A_156 = arith.constant 0 : i32
        %dma_wait3A_157 = arith.constant 0 : i32
        %dma_wait3A_158 = tpu.memref_slice %arg4[%dma_wait3A_151, %arg1, %dma_wait3A_156, %dma_wait3A_157] : memref<2x16x82x128xi32, #tpu.memory_space<hbm>> -> memref<1x1x1x128xi32, #tpu.memory_space<hbm>>
        %dma_wait3A_159 = tpu.memref_squeeze %dma_wait3A_158 : memref<1x1x1x128xi32, #tpu.memory_space<hbm>> -> memref<1x128xi32, #tpu.memory_space<hbm>>
        tpu.wait_dma2 semaphore(%arg27 : memref<!tpu.dma_semaphore, #tpu.memory_space<semaphore_mem>>) src(%dma_wait3A_159 : memref<1x128xi32, #tpu.memory_space<hbm>>) dst(%arg16 : memref<1x128xi32, #tpu.memory_space<vmem>>)
        %dma_wait3A_160 = arith.constant 0 : i32
        %dma_wait3A_161 = arith.constant 0 : i32
        %dma_wait3A_162 = tpu.memref_slice %arg5[%arg1, %dma_wait3A_160, %dma_wait3A_161] : memref<16x82x128xi32, #tpu.memory_space<hbm>> -> memref<1x1x128xi32, #tpu.memory_space<hbm>>
        %dma_wait3A_163 = tpu.memref_squeeze %dma_wait3A_162 : memref<1x1x128xi32, #tpu.memory_space<hbm>> -> memref<1x128xi32, #tpu.memory_space<hbm>>
        %dma_wait3A_164 = arith.constant 0 : i32
        %dma_wait3A_165 = arith.constant 0 : i32
        %dma_wait3A_166 = tpu.memref_slice %arg5[%arg1, %dma_wait3A_164, %dma_wait3A_165] : memref<16x82x128xi32, #tpu.memory_space<hbm>> -> memref<1x1x128xi32, #tpu.memory_space<hbm>>
        %dma_wait3A_167 = tpu.memref_squeeze %dma_wait3A_166 : memref<1x1x128xi32, #tpu.memory_space<hbm>> -> memref<1x128xi32, #tpu.memory_space<hbm>>
        tpu.wait_dma2 semaphore(%arg27 : memref<!tpu.dma_semaphore, #tpu.memory_space<semaphore_mem>>) src(%dma_wait3A_167 : memref<1x128xi32, #tpu.memory_space<hbm>>) dst(%arg17 : memref<1x128xi32, #tpu.memory_space<vmem>>)
        %dma_wait3A_168 = arith.constant 0 : i32
        %dma_wait3A_169 = arith.constant 0 : i32
        %dma_wait3A_170 = tpu.memref_slice %arg15[%dma_wait3A_168, %dma_wait3A_169] : memref<1x128xi32, #tpu.memory_space<vmem>> -> memref<1x128xi32, #tpu.memory_space<vmem>>
        %dma_wait3A_171 = tpu.memref_squeeze %dma_wait3A_170 : memref<1x128xi32, #tpu.memory_space<vmem>> -> memref<128xi32, #tpu.memory_space<vmem>>
        %dma_wait3A_172 = arith.constant 0 : i32
        %dma_wait3A_173 = arith.constant 0 : i32
        %dma_wait3A_174 = tpu.memref_slice %arg2[%dma_wait3A_172, %dma_wait3A_173] : memref<10112x128xf32, #tpu.memory_space<hbm>> -> memref<10112x128xf32, #tpu.memory_space<hbm>>
        tpu.wait_indirect_dma semaphore(%arg24 : memref<!tpu.dma_semaphore, #tpu.memory_space<semaphore_mem>>) src(%dma_wait3A_174 : memref<10112x128xf32, #tpu.memory_space<hbm>>) dst(%arg18 : memref<128x128xf32, #tpu.memory_space<vmem>>)
        %dma_start3A_175 = arith.constant 0 : i32
        %dma_start3A_176 = arith.constant 0 : i32
        %dma_start3A_177 = tpu.memref_slice %arg17[%dma_start3A_175, %dma_start3A_176] : memref<1x128xi32, #tpu.memory_space<vmem>> -> memref<1x128xi32, #tpu.memory_space<vmem>>
        %dma_start3A_178 = tpu.memref_squeeze %dma_start3A_177 : memref<1x128xi32, #tpu.memory_space<vmem>> -> memref<128xi32, #tpu.memory_space<vmem>>
        %dma_start3A_179 = arith.constant 0 : i32
        %dma_start3A_180 = arith.constant 0 : i32
        %dma_start3A_181 = tpu.memref_slice %arg2[%dma_start3A_179, %dma_start3A_180] : memref<10112x128xf32, #tpu.memory_space<hbm>> -> memref<10112x128xf32, #tpu.memory_space<hbm>>
        tpu.enqueue_indirect_dma source(%dma_start3A_181 : memref<10112x128xf32, #tpu.memory_space<hbm>>) target(%arg19 : memref<128x128xf32, #tpu.memory_space<vmem>>) offsets(%dma_start3A_178 : memref<128xi32, #tpu.memory_space<vmem>>) semaphore(%arg25 : memref<!tpu.dma_semaphore, #tpu.memory_space<semaphore_mem>>)
        %run_scoped3A_182 = arith.constant 0 : i32
        "tpu.region"() ({
          %run_scoped3A_404 = tpu.sem_alloc : memref<!tpu.dma_semaphore, #tpu.memory_space<semaphore_mem>>
          %dma_start3A_405 = arith.constant 0 : i32
          %dma_start3A_406 = tpu.memref_slice %arg14[%run_scoped3A_182, %dma_start3A_405] : memref<1x128xi32, #tpu.memory_space<vmem>> -> memref<1x128xi32, #tpu.memory_space<vmem>>
          %dma_start3A_407 = tpu.memref_squeeze %dma_start3A_406 : memref<1x128xi32, #tpu.memory_space<vmem>> -> memref<128xi32, #tpu.memory_space<vmem>>
          %dma_start3A_408 = arith.constant 0 : i32
          %dma_start3A_409 = arith.constant 0 : i32
          %dma_start3A_410 = tpu.memref_slice %arg22[%dma_start3A_408, %dma_start3A_409] : memref<5120x128xf32, #tpu.memory_space<vmem_shared>> -> memref<5120x128xf32, #tpu.memory_space<vmem_shared>>
          tpu.enqueue_indirect_dma source(%arg18 : memref<128x128xf32, #tpu.memory_space<vmem>>) target(%dma_start3A_410 : memref<5120x128xf32, #tpu.memory_space<vmem_shared>>) offsets(%dma_start3A_407 : memref<128xi32, #tpu.memory_space<vmem>>) semaphore(%run_scoped3A_404 : memref<!tpu.dma_semaphore, #tpu.memory_space<semaphore_mem>>) {add = true}
          %dma_wait3A_411 = arith.constant 0 : i32
          %dma_wait3A_412 = tpu.memref_slice %arg14[%run_scoped3A_182, %dma_wait3A_411] : memref<1x128xi32, #tpu.memory_space<vmem>> -> memref<1x128xi32, #tpu.memory_space<vmem>>
          %dma_wait3A_413 = tpu.memref_squeeze %dma_wait3A_412 : memref<1x128xi32, #tpu.memory_space<vmem>> -> memref<128xi32, #tpu.memory_space<vmem>>
          %dma_wait3A_414 = arith.constant 0 : i32
          %dma_wait3A_415 = arith.constant 0 : i32
          %dma_wait3A_416 = tpu.memref_slice %arg22[%dma_wait3A_414, %dma_wait3A_415] : memref<5120x128xf32, #tpu.memory_space<vmem_shared>> -> memref<5120x128xf32, #tpu.memory_space<vmem_shared>>
          tpu.wait_indirect_dma semaphore(%run_scoped3A_404 : memref<!tpu.dma_semaphore, #tpu.memory_space<semaphore_mem>>) src(%arg18 : memref<128x128xf32, #tpu.memory_space<vmem>>) dst(%dma_wait3A_416 : memref<5120x128xf32, #tpu.memory_space<vmem_shared>>)
          tpu.yield
        }) : () -> ()
        %get3A = arith.constant 0 : i32
        %get3A_183 = arith.index_cast %get3A : i32 to index
        %get3A_184 = arith.constant 0 : index
        %get3A_185 = tpu.vector_load %arg14[%get3A_183, %get3A_184] {strides = array<i32>} : memref<1x128xi32, #tpu.memory_space<vmem>>, vector<16xi32>,
        %shift_right_logical3A = arith.constant 7 : i32
        %shift_right_logical3A_186 = vector.broadcast %shift_right_logical3A : i32 to vector<16xi32>
        %shift_right_logical3A_187 = arith.shrui %get3A_185, %shift_right_logical3A_186 : vector<16xi32>
        %and3A = arith.constant 127 : i32
        %and3A_188 = vector.broadcast %and3A : i32 to vector<16xi32>
        %and3A_189 = arith.andi %get3A_185, %and3A_188 : vector<16xi32>
        tpu.vector_store_idx %arg20[%shift_right_logical3A_187, %and3A_189], %broadcast_in_dim3A_0 {add = true} : memref<128x128xf32, #tpu.memory_space<vmem>>[vector<16xi32>, vector<16xi32>], vector<16xf32>,
        %get3A_190 = arith.constant 0 : i32
        %get3A_191 = arith.index_cast %get3A_190 : i32 to index
        %get3A_192 = arith.constant 16 : index
        %get3A_193 = tpu.vector_load %arg14[%get3A_191, %get3A_192] {strides = array<i32>} : memref<1x128xi32, #tpu.memory_space<vmem>>, vector<16xi32>,
        %shift_right_logical3A_194 = arith.constant 7 : i32
        %shift_right_logical3A_195 = vector.broadcast %shift_right_logical3A_194 : i32 to vector<16xi32>
        %shift_right_logical3A_196 = arith.shrui %get3A_193, %shift_right_logical3A_195 : vector<16xi32>
        %and3A_197 = arith.constant 127 : i32
        %and3A_198 = vector.broadcast %and3A_197 : i32 to vector<16xi32>
        %and3A_199 = arith.andi %get3A_193, %and3A_198 : vector<16xi32>
        tpu.vector_store_idx %arg20[%shift_right_logical3A_196, %and3A_199], %broadcast_in_dim3A_0 {add = true} : memref<128x128xf32, #tpu.memory_space<vmem>>[vector<16xi32>, vector<16xi32>], vector<16xf32>,
        %get3A_200 = arith.constant 0 : i32
        %get3A_201 = arith.index_cast %get3A_200 : i32 to index
        %get3A_202 = arith.constant 32 : index
        %get3A_203 = tpu.vector_load %arg14[%get3A_201, %get3A_202] {strides = array<i32>} : memref<1x128xi32, #tpu.memory_space<vmem>>, vector<16xi32>,
        %shift_right_logical3A_204 = arith.constant 7 : i32
        %shift_right_logical3A_205 = vector.broadcast %shift_right_logical3A_204 : i32 to vector<16xi32>
        %shift_right_logical3A_206 = arith.shrui %get3A_203, %shift_right_logical3A_205 : vector<16xi32>
        %and3A_207 = arith.constant 127 : i32
        %and3A_208 = vector.broadcast %and3A_207 : i32 to vector<16xi32>
        %and3A_209 = arith.andi %get3A_203, %and3A_208 : vector<16xi32>
        tpu.vector_store_idx %arg20[%shift_right_logical3A_206, %and3A_209], %broadcast_in_dim3A_0 {add = true} : memref<128x128xf32, #tpu.memory_space<vmem>>[vector<16xi32>, vector<16xi32>], vector<16xf32>,
        %get3A_210 = arith.constant 0 : i32
        %get3A_211 = arith.index_cast %get3A_210 : i32 to index
        %get3A_212 = arith.constant 48 : index
        %get3A_213 = tpu.vector_load %arg14[%get3A_211, %get3A_212] {strides = array<i32>} : memref<1x128xi32, #tpu.memory_space<vmem>>, vector<16xi32>,
        %shift_right_logical3A_214 = arith.constant 7 : i32
        %shift_right_logical3A_215 = vector.broadcast %shift_right_logical3A_214 : i32 to vector<16xi32>
        %shift_right_logical3A_216 = arith.shrui %get3A_213, %shift_right_logical3A_215 : vector<16xi32>
        %and3A_217 = arith.constant 127 : i32
        %and3A_218 = vector.broadcast %and3A_217 : i32 to vector<16xi32>
        %and3A_219 = arith.andi %get3A_213, %and3A_218 : vector<16xi32>
        tpu.vector_store_idx %arg20[%shift_right_logical3A_216, %and3A_219], %broadcast_in_dim3A_0 {add = true} : memref<128x128xf32, #tpu.memory_space<vmem>>[vector<16xi32>, vector<16xi32>], vector<16xf32>,
        %get3A_220 = arith.constant 0 : i32
        %get3A_221 = arith.index_cast %get3A_220 : i32 to index
        %get3A_222 = arith.constant 64 : index
        %get3A_223 = tpu.vector_load %arg14[%get3A_221, %get3A_222] {strides = array<i32>} : memref<1x128xi32, #tpu.memory_space<vmem>>, vector<16xi32>,
        %shift_right_logical3A_224 = arith.constant 7 : i32
        %shift_right_logical3A_225 = vector.broadcast %shift_right_logical3A_224 : i32 to vector<16xi32>
        %shift_right_logical3A_226 = arith.shrui %get3A_223, %shift_right_logical3A_225 : vector<16xi32>
        %and3A_227 = arith.constant 127 : i32
        %and3A_228 = vector.broadcast %and3A_227 : i32 to vector<16xi32>
        %and3A_229 = arith.andi %get3A_223, %and3A_228 : vector<16xi32>
        tpu.vector_store_idx %arg20[%shift_right_logical3A_226, %and3A_229], %broadcast_in_dim3A_0 {add = true} : memref<128x128xf32, #tpu.memory_space<vmem>>[vector<16xi32>, vector<16xi32>], vector<16xf32>,
        %get3A_230 = arith.constant 0 : i32
        %get3A_231 = arith.index_cast %get3A_230 : i32 to index
        %get3A_232 = arith.constant 80 : index
        %get3A_233 = tpu.vector_load %arg14[%get3A_231, %get3A_232] {strides = array<i32>} : memref<1x128xi32, #tpu.memory_space<vmem>>, vector<16xi32>,
        %shift_right_logical3A_234 = arith.constant 7 : i32
        %shift_right_logical3A_235 = vector.broadcast %shift_right_logical3A_234 : i32 to vector<16xi32>
        %shift_right_logical3A_236 = arith.shrui %get3A_233, %shift_right_logical3A_235 : vector<16xi32>
        %and3A_237 = arith.constant 127 : i32
        %and3A_238 = vector.broadcast %and3A_237 : i32 to vector<16xi32>
        %and3A_239 = arith.andi %get3A_233, %and3A_238 : vector<16xi32>
        tpu.vector_store_idx %arg20[%shift_right_logical3A_236, %and3A_239], %broadcast_in_dim3A_0 {add = true} : memref<128x128xf32, #tpu.memory_space<vmem>>[vector<16xi32>, vector<16xi32>], vector<16xf32>,
        %get3A_240 = arith.constant 0 : i32
        %get3A_241 = arith.index_cast %get3A_240 : i32 to index
        %get3A_242 = arith.constant 96 : index
        %get3A_243 = tpu.vector_load %arg14[%get3A_241, %get3A_242] {strides = array<i32>} : memref<1x128xi32, #tpu.memory_space<vmem>>, vector<16xi32>,
        %shift_right_logical3A_244 = arith.constant 7 : i32
        %shift_right_logical3A_245 = vector.broadcast %shift_right_logical3A_244 : i32 to vector<16xi32>
        %shift_right_logical3A_246 = arith.shrui %get3A_243, %shift_right_logical3A_245 : vector<16xi32>
        %and3A_247 = arith.constant 127 : i32
        %and3A_248 = vector.broadcast %and3A_247 : i32 to vector<16xi32>
        %and3A_249 = arith.andi %get3A_243, %and3A_248 : vector<16xi32>
        tpu.vector_store_idx %arg20[%shift_right_logical3A_246, %and3A_249], %broadcast_in_dim3A_0 {add = true} : memref<128x128xf32, #tpu.memory_space<vmem>>[vector<16xi32>, vector<16xi32>], vector<16xf32>,
        %get3A_250 = arith.constant 0 : i32
        %get3A_251 = arith.index_cast %get3A_250 : i32 to index
        %get3A_252 = arith.constant 112 : index
        %get3A_253 = tpu.vector_load %arg14[%get3A_251, %get3A_252] {strides = array<i32>} : memref<1x128xi32, #tpu.memory_space<vmem>>, vector<16xi32>,
        %shift_right_logical3A_254 = arith.constant 7 : i32
        %shift_right_logical3A_255 = vector.broadcast %shift_right_logical3A_254 : i32 to vector<16xi32>
        %shift_right_logical3A_256 = arith.shrui %get3A_253, %shift_right_logical3A_255 : vector<16xi32>
        %and3A_257 = arith.constant 127 : i32
        %and3A_258 = vector.broadcast %and3A_257 : i32 to vector<16xi32>
        %and3A_259 = arith.andi %get3A_253, %and3A_258 : vector<16xi32>
        tpu.vector_store_idx %arg20[%shift_right_logical3A_256, %and3A_259], %broadcast_in_dim3A_0 {add = true} : memref<128x128xf32, #tpu.memory_space<vmem>>[vector<16xi32>, vector<16xi32>], vector<16xf32>,
        %add3A_260 = arith.constant 1 : i32
        %add3A_261 = arith.addi %add3A_150, %add3A_260 : i32
        %dma_start3A_262 = arith.constant 0 : i32
        %dma_start3A_263 = arith.constant 0 : i32
        %dma_start3A_264 = tpu.memref_slice %arg4[%dma_start3A_262, %arg1, %add3A_261, %dma_start3A_263] : memref<2x16x82x128xi32, #tpu.memory_space<hbm>> -> memref<1x1x1x128xi32, #tpu.memory_space<hbm>>
        %dma_start3A_265 = tpu.memref_squeeze %dma_start3A_264 : memref<1x1x1x128xi32, #tpu.memory_space<hbm>> -> memref<1x128xi32, #tpu.memory_space<hbm>>
        %dma_start3A_266 = arith.constant 0 : i32
        %dma_start3A_267 = tpu.memref_slice %arg4[%dma_start3A_262, %arg1, %add3A_261, %dma_start3A_266] : memref<2x16x82x128xi32, #tpu.memory_space<hbm>> -> memref<1x1x1x128xi32, #tpu.memory_space<hbm>>
        %dma_start3A_268 = tpu.memref_squeeze %dma_start3A_267 : memref<1x1x1x128xi32, #tpu.memory_space<hbm>> -> memref<1x128xi32, #tpu.memory_space<hbm>>
        tpu.enqueue_dma source(%dma_start3A_268 : memref<1x128xi32, #tpu.memory_space<hbm>>) target(%arg14 : memref<1x128xi32, #tpu.memory_space<vmem>>) target_semaphore(%arg26 : memref<!tpu.dma_semaphore, #tpu.memory_space<semaphore_mem>>)
        %dma_start3A_269 = arith.constant 0 : i32
        %dma_start3A_270 = tpu.memref_slice %arg5[%arg1, %add3A_261, %dma_start3A_269] : memref<16x82x128xi32, #tpu.memory_space<hbm>> -> memref<1x1x128xi32, #tpu.memory_space<hbm>>
        %dma_start3A_271 = tpu.memref_squeeze %dma_start3A_270 : memref<1x1x128xi32, #tpu.memory_space<hbm>> -> memref<1x128xi32, #tpu.memory_space<hbm>>
        %dma_start3A_272 = arith.constant 0 : i32
        %dma_start3A_273 = tpu.memref_slice %arg5[%arg1, %add3A_261, %dma_start3A_272] : memref<16x82x128xi32, #tpu.memory_space<hbm>> -> memref<1x1x128xi32, #tpu.memory_space<hbm>>
        %dma_start3A_274 = tpu.memref_squeeze %dma_start3A_273 : memref<1x1x128xi32, #tpu.memory_space<hbm>> -> memref<1x128xi32, #tpu.memory_space<hbm>>
        tpu.enqueue_dma source(%dma_start3A_274 : memref<1x128xi32, #tpu.memory_space<hbm>>) target(%arg15 : memref<1x128xi32, #tpu.memory_space<vmem>>) target_semaphore(%arg26 : memref<!tpu.dma_semaphore, #tpu.memory_space<semaphore_mem>>)
        %add3A_275 = arith.constant 2 : i32
        %add3A_276 = arith.addi %mul3A_149, %add3A_275 : i32
        %dma_wait3A_277 = arith.constant 0 : i32
        %dma_wait3A_278 = arith.constant 0 : i32
        %dma_wait3A_279 = arith.constant 0 : i32
        %dma_wait3A_280 = tpu.memref_slice %arg4[%dma_wait3A_277, %arg1, %dma_wait3A_278, %dma_wait3A_279] : memref<2x16x82x128xi32, #tpu.memory_space<hbm>> -> memref<1x1x1x128xi32, #tpu.memory_space<hbm>>
        %dma_wait3A_281 = tpu.memref_squeeze %dma_wait3A_280 : memref<1x1x1x128xi32, #tpu.memory_space<hbm>> -> memref<1x128xi32, #tpu.memory_space<hbm>>
        %dma_wait3A_282 = arith.constant 0 : i32
        %dma_wait3A_283 = arith.constant 0 : i32
        %dma_wait3A_284 = tpu.memref_slice %arg4[%dma_wait3A_277, %arg1, %dma_wait3A_282, %dma_wait3A_283] : memref<2x16x82x128xi32, #tpu.memory_space<hbm>> -> memref<1x1x1x128xi32, #tpu.memory_space<hbm>>
        %dma_wait3A_285 = tpu.memref_squeeze %dma_wait3A_284 : memref<1x1x1x128xi32, #tpu.memory_space<hbm>> -> memref<1x128xi32, #tpu.memory_space<hbm>>
        tpu.wait_dma2 semaphore(%arg26 : memref<!tpu.dma_semaphore, #tpu.memory_space<semaphore_mem>>) src(%dma_wait3A_285 : memref<1x128xi32, #tpu.memory_space<hbm>>) dst(%arg14 : memref<1x128xi32, #tpu.memory_space<vmem>>)
        %dma_wait3A_286 = arith.constant 0 : i32
        %dma_wait3A_287 = arith.constant 0 : i32
        %dma_wait3A_288 = tpu.memref_slice %arg5[%arg1, %dma_wait3A_286, %dma_wait3A_287] : memref<16x82x128xi32, #tpu.memory_space<hbm>> -> memref<1x1x128xi32, #tpu.memory_space<hbm>>
        %dma_wait3A_289 = tpu.memref_squeeze %dma_wait3A_288 : memref<1x1x128xi32, #tpu.memory_space<hbm>> -> memref<1x128xi32, #tpu.memory_space<hbm>>
        %dma_wait3A_290 = arith.constant 0 : i32
        %dma_wait3A_291 = arith.constant 0 : i32
        %dma_wait3A_292 = tpu.memref_slice %arg5[%arg1, %dma_wait3A_290, %dma_wait3A_291] : memref<16x82x128xi32, #tpu.memory_space<hbm>> -> memref<1x1x128xi32, #tpu.memory_space<hbm>>
        %dma_wait3A_293 = tpu.memref_squeeze %dma_wait3A_292 : memref<1x1x128xi32, #tpu.memory_space<hbm>> -> memref<1x128xi32, #tpu.memory_space<hbm>>
        tpu.wait_dma2 semaphore(%arg26 : memref<!tpu.dma_semaphore, #tpu.memory_space<semaphore_mem>>) src(%dma_wait3A_293 : memref<1x128xi32, #tpu.memory_space<hbm>>) dst(%arg15 : memref<1x128xi32, #tpu.memory_space<vmem>>)
        %dma_wait3A_294 = arith.constant 0 : i32
        %dma_wait3A_295 = arith.constant 0 : i32
        %dma_wait3A_296 = tpu.memref_slice %arg17[%dma_wait3A_294, %dma_wait3A_295] : memref<1x128xi32, #tpu.memory_space<vmem>> -> memref<1x128xi32, #tpu.memory_space<vmem>>
        %dma_wait3A_297 = tpu.memref_squeeze %dma_wait3A_296 : memref<1x128xi32, #tpu.memory_space<vmem>> -> memref<128xi32, #tpu.memory_space<vmem>>
        %dma_wait3A_298 = arith.constant 0 : i32
        %dma_wait3A_299 = arith.constant 0 : i32
        %dma_wait3A_300 = tpu.memref_slice %arg2[%dma_wait3A_298, %dma_wait3A_299] : memref<10112x128xf32, #tpu.memory_space<hbm>> -> memref<10112x128xf32, #tpu.memory_space<hbm>>
        tpu.wait_indirect_dma semaphore(%arg25 : memref<!tpu.dma_semaphore, #tpu.memory_space<semaphore_mem>>) src(%dma_wait3A_300 : memref<10112x128xf32, #tpu.memory_space<hbm>>) dst(%arg19 : memref<128x128xf32, #tpu.memory_space<vmem>>)
        %dma_start3A_301 = arith.constant 0 : i32
        %dma_start3A_302 = arith.constant 0 : i32
        %dma_start3A_303 = tpu.memref_slice %arg15[%dma_start3A_301, %dma_start3A_302] : memref<1x128xi32, #tpu.memory_space<vmem>> -> memref<1x128xi32, #tpu.memory_space<vmem>>
        %dma_start3A_304 = tpu.memref_squeeze %dma_start3A_303 : memref<1x128xi32, #tpu.memory_space<vmem>> -> memref<128xi32, #tpu.memory_space<vmem>>
        %dma_start3A_305 = arith.constant 0 : i32
        %dma_start3A_306 = arith.constant 0 : i32
        %dma_start3A_307 = tpu.memref_slice %arg2[%dma_start3A_305, %dma_start3A_306] : memref<10112x128xf32, #tpu.memory_space<hbm>> -> memref<10112x128xf32, #tpu.memory_space<hbm>>
        tpu.enqueue_indirect_dma source(%dma_start3A_307 : memref<10112x128xf32, #tpu.memory_space<hbm>>) target(%arg18 : memref<128x128xf32, #tpu.memory_space<vmem>>) offsets(%dma_start3A_304 : memref<128xi32, #tpu.memory_space<vmem>>) semaphore(%arg24 : memref<!tpu.dma_semaphore, #tpu.memory_space<semaphore_mem>>)
        %run_scoped3A_308 = arith.constant 0 : i32
        "tpu.region"() ({
          %run_scoped3A_404 = tpu.sem_alloc : memref<!tpu.dma_semaphore, #tpu.memory_space<semaphore_mem>>
          %dma_start3A_405 = arith.constant 0 : i32
          %dma_start3A_406 = tpu.memref_slice %arg16[%run_scoped3A_308, %dma_start3A_405] : memref<1x128xi32, #tpu.memory_space<vmem>> -> memref<1x128xi32, #tpu.memory_space<vmem>>
          %dma_start3A_407 = tpu.memref_squeeze %dma_start3A_406 : memref<1x128xi32, #tpu.memory_space<vmem>> -> memref<128xi32, #tpu.memory_space<vmem>>
          %dma_start3A_408 = arith.constant 0 : i32
          %dma_start3A_409 = arith.constant 0 : i32
          %dma_start3A_410 = tpu.memref_slice %arg22[%dma_start3A_408, %dma_start3A_409] : memref<5120x128xf32, #tpu.memory_space<vmem_shared>> -> memref<5120x128xf32, #tpu.memory_space<vmem_shared>>
          tpu.enqueue_indirect_dma source(%arg19 : memref<128x128xf32, #tpu.memory_space<vmem>>) target(%dma_start3A_410 : memref<5120x128xf32, #tpu.memory_space<vmem_shared>>) offsets(%dma_start3A_407 : memref<128xi32, #tpu.memory_space<vmem>>) semaphore(%run_scoped3A_404 : memref<!tpu.dma_semaphore, #tpu.memory_space<semaphore_mem>>) {add = true}
          %dma_wait3A_411 = arith.constant 0 : i32
          %dma_wait3A_412 = tpu.memref_slice %arg16[%run_scoped3A_308, %dma_wait3A_411] : memref<1x128xi32, #tpu.memory_space<vmem>> -> memref<1x128xi32, #tpu.memory_space<vmem>>
          %dma_wait3A_413 = tpu.memref_squeeze %dma_wait3A_412 : memref<1x128xi32, #tpu.memory_space<vmem>> -> memref<128xi32, #tpu.memory_space<vmem>>
          %dma_wait3A_414 = arith.constant 0 : i32
          %dma_wait3A_415 = arith.constant 0 : i32
          %dma_wait3A_416 = tpu.memref_slice %arg22[%dma_wait3A_414, %dma_wait3A_415] : memref<5120x128xf32, #tpu.memory_space<vmem_shared>> -> memref<5120x128xf32, #tpu.memory_space<vmem_shared>>
          tpu.wait_indirect_dma semaphore(%run_scoped3A_404 : memref<!tpu.dma_semaphore, #tpu.memory_space<semaphore_mem>>) src(%arg19 : memref<128x128xf32, #tpu.memory_space<vmem>>) dst(%dma_wait3A_416 : memref<5120x128xf32, #tpu.memory_space<vmem_shared>>)
          tpu.yield
        }) : () -> ()
        %get3A_309 = arith.constant 0 : i32
        %get3A_310 = arith.index_cast %get3A_309 : i32 to index
        %get3A_311 = arith.constant 0 : index
        %get3A_312 = tpu.vector_load %arg16[%get3A_310, %get3A_311] {strides = array<i32>} : memref<1x128xi32, #tpu.memory_space<vmem>>, vector<16xi32>,
        %shift_right_logical3A_313 = arith.constant 7 : i32
        %shift_right_logical3A_314 = vector.broadcast %shift_right_logical3A_313 : i32 to vector<16xi32>
        %shift_right_logical3A_315 = arith.shrui %get3A_312, %shift_right_logical3A_314 : vector<16xi32>
        %and3A_316 = arith.constant 127 : i32
        %and3A_317 = vector.broadcast %and3A_316 : i32 to vector<16xi32>
        %and3A_318 = arith.andi %get3A_312, %and3A_317 : vector<16xi32>
        tpu.vector_store_idx %arg20[%shift_right_logical3A_315, %and3A_318], %broadcast_in_dim3A_0 {add = true} : memref<128x128xf32, #tpu.memory_space<vmem>>[vector<16xi32>, vector<16xi32>], vector<16xf32>,
        %get3A_319 = arith.constant 0 : i32
        %get3A_320 = arith.index_cast %get3A_319 : i32 to index
        %get3A_321 = arith.constant 16 : index
        %get3A_322 = tpu.vector_load %arg16[%get3A_320, %get3A_321] {strides = array<i32>} : memref<1x128xi32, #tpu.memory_space<vmem>>, vector<16xi32>,
        %shift_right_logical3A_323 = arith.constant 7 : i32
        %shift_right_logical3A_324 = vector.broadcast %shift_right_logical3A_323 : i32 to vector<16xi32>
        %shift_right_logical3A_325 = arith.shrui %get3A_322, %shift_right_logical3A_324 : vector<16xi32>
        %and3A_326 = arith.constant 127 : i32
        %and3A_327 = vector.broadcast %and3A_326 : i32 to vector<16xi32>
        %and3A_328 = arith.andi %get3A_322, %and3A_327 : vector<16xi32>
        tpu.vector_store_idx %arg20[%shift_right_logical3A_325, %and3A_328], %broadcast_in_dim3A_0 {add = true} : memref<128x128xf32, #tpu.memory_space<vmem>>[vector<16xi32>, vector<16xi32>], vector<16xf32>,
        %get3A_329 = arith.constant 0 : i32
        %get3A_330 = arith.index_cast %get3A_329 : i32 to index
        %get3A_331 = arith.constant 32 : index
        %get3A_332 = tpu.vector_load %arg16[%get3A_330, %get3A_331] {strides = array<i32>} : memref<1x128xi32, #tpu.memory_space<vmem>>, vector<16xi32>,
        %shift_right_logical3A_333 = arith.constant 7 : i32
        %shift_right_logical3A_334 = vector.broadcast %shift_right_logical3A_333 : i32 to vector<16xi32>
        %shift_right_logical3A_335 = arith.shrui %get3A_332, %shift_right_logical3A_334 : vector<16xi32>
        %and3A_336 = arith.constant 127 : i32
        %and3A_337 = vector.broadcast %and3A_336 : i32 to vector<16xi32>
        %and3A_338 = arith.andi %get3A_332, %and3A_337 : vector<16xi32>
        tpu.vector_store_idx %arg20[%shift_right_logical3A_335, %and3A_338], %broadcast_in_dim3A_0 {add = true} : memref<128x128xf32, #tpu.memory_space<vmem>>[vector<16xi32>, vector<16xi32>], vector<16xf32>,
        %get3A_339 = arith.constant 0 : i32
        %get3A_340 = arith.index_cast %get3A_339 : i32 to index
        %get3A_341 = arith.constant 48 : index
        %get3A_342 = tpu.vector_load %arg16[%get3A_340, %get3A_341] {strides = array<i32>} : memref<1x128xi32, #tpu.memory_space<vmem>>, vector<16xi32>,
        %shift_right_logical3A_343 = arith.constant 7 : i32
        %shift_right_logical3A_344 = vector.broadcast %shift_right_logical3A_343 : i32 to vector<16xi32>
        %shift_right_logical3A_345 = arith.shrui %get3A_342, %shift_right_logical3A_344 : vector<16xi32>
        %and3A_346 = arith.constant 127 : i32
        %and3A_347 = vector.broadcast %and3A_346 : i32 to vector<16xi32>
        %and3A_348 = arith.andi %get3A_342, %and3A_347 : vector<16xi32>
        tpu.vector_store_idx %arg20[%shift_right_logical3A_345, %and3A_348], %broadcast_in_dim3A_0 {add = true} : memref<128x128xf32, #tpu.memory_space<vmem>>[vector<16xi32>, vector<16xi32>], vector<16xf32>,
        %get3A_349 = arith.constant 0 : i32
        %get3A_350 = arith.index_cast %get3A_349 : i32 to index
        %get3A_351 = arith.constant 64 : index
        %get3A_352 = tpu.vector_load %arg16[%get3A_350, %get3A_351] {strides = array<i32>} : memref<1x128xi32, #tpu.memory_space<vmem>>, vector<16xi32>,
        %shift_right_logical3A_353 = arith.constant 7 : i32
        %shift_right_logical3A_354 = vector.broadcast %shift_right_logical3A_353 : i32 to vector<16xi32>
        %shift_right_logical3A_355 = arith.shrui %get3A_352, %shift_right_logical3A_354 : vector<16xi32>
        %and3A_356 = arith.constant 127 : i32
        %and3A_357 = vector.broadcast %and3A_356 : i32 to vector<16xi32>
        %and3A_358 = arith.andi %get3A_352, %and3A_357 : vector<16xi32>
        tpu.vector_store_idx %arg20[%shift_right_logical3A_355, %and3A_358], %broadcast_in_dim3A_0 {add = true} : memref<128x128xf32, #tpu.memory_space<vmem>>[vector<16xi32>, vector<16xi32>], vector<16xf32>,
        %get3A_359 = arith.constant 0 : i32
        %get3A_360 = arith.index_cast %get3A_359 : i32 to index
        %get3A_361 = arith.constant 80 : index
        %get3A_362 = tpu.vector_load %arg16[%get3A_360, %get3A_361] {strides = array<i32>} : memref<1x128xi32, #tpu.memory_space<vmem>>, vector<16xi32>,
        %shift_right_logical3A_363 = arith.constant 7 : i32
        %shift_right_logical3A_364 = vector.broadcast %shift_right_logical3A_363 : i32 to vector<16xi32>
        %shift_right_logical3A_365 = arith.shrui %get3A_362, %shift_right_logical3A_364 : vector<16xi32>
        %and3A_366 = arith.constant 127 : i32
        %and3A_367 = vector.broadcast %and3A_366 : i32 to vector<16xi32>
        %and3A_368 = arith.andi %get3A_362, %and3A_367 : vector<16xi32>
        tpu.vector_store_idx %arg20[%shift_right_logical3A_365, %and3A_368], %broadcast_in_dim3A_0 {add = true} : memref<128x128xf32, #tpu.memory_space<vmem>>[vector<16xi32>, vector<16xi32>], vector<16xf32>,
        %get3A_369 = arith.constant 0 : i32
        %get3A_370 = arith.index_cast %get3A_369 : i32 to index
        %get3A_371 = arith.constant 96 : index
        %get3A_372 = tpu.vector_load %arg16[%get3A_370, %get3A_371] {strides = array<i32>} : memref<1x128xi32, #tpu.memory_space<vmem>>, vector<16xi32>,
        %shift_right_logical3A_373 = arith.constant 7 : i32
        %shift_right_logical3A_374 = vector.broadcast %shift_right_logical3A_373 : i32 to vector<16xi32>
        %shift_right_logical3A_375 = arith.shrui %get3A_372, %shift_right_logical3A_374 : vector<16xi32>
        %and3A_376 = arith.constant 127 : i32
        %and3A_377 = vector.broadcast %and3A_376 : i32 to vector<16xi32>
        %and3A_378 = arith.andi %get3A_372, %and3A_377 : vector<16xi32>
        tpu.vector_store_idx %arg20[%shift_right_logical3A_375, %and3A_378], %broadcast_in_dim3A_0 {add = true} : memref<128x128xf32, #tpu.memory_space<vmem>>[vector<16xi32>, vector<16xi32>], vector<16xf32>,
        %get3A_379 = arith.constant 0 : i32
        %get3A_380 = arith.index_cast %get3A_379 : i32 to index
        %get3A_381 = arith.constant 112 : index
        %get3A_382 = tpu.vector_load %arg16[%get3A_380, %get3A_381] {strides = array<i32>} : memref<1x128xi32, #tpu.memory_space<vmem>>, vector<16xi32>,
        %shift_right_logical3A_383 = arith.constant 7 : i32
        %shift_right_logical3A_384 = vector.broadcast %shift_right_logical3A_383 : i32 to vector<16xi32>
        %shift_right_logical3A_385 = arith.shrui %get3A_382, %shift_right_logical3A_384 : vector<16xi32>
        %and3A_386 = arith.constant 127 : i32
        %and3A_387 = vector.broadcast %and3A_386 : i32 to vector<16xi32>
        %and3A_388 = arith.andi %get3A_382, %and3A_387 : vector<16xi32>
        tpu.vector_store_idx %arg20[%shift_right_logical3A_385, %and3A_388], %broadcast_in_dim3A_0 {add = true} : memref<128x128xf32, #tpu.memory_space<vmem>>[vector<16xi32>, vector<16xi32>], vector<16xf32>,
        %add3A_389 = arith.constant 1 : i32
        %add3A_390 = arith.addi %add3A_276, %add3A_389 : i32
        %dma_start3A_391 = arith.constant 0 : i32
        %dma_start3A_392 = arith.constant 0 : i32
        %dma_start3A_393 = tpu.memref_slice %arg4[%dma_start3A_391, %arg1, %add3A_390, %dma_start3A_392] : memref<2x16x82x128xi32, #tpu.memory_space<hbm>> -> memref<1x1x1x128xi32, #tpu.memory_space<hbm>>
        %dma_start3A_394 = tpu.memref_squeeze %dma_start3A_393 : memref<1x1x1x128xi32, #tpu.memory_space<hbm>> -> memref<1x128xi32, #tpu.memory_space<hbm>>
        %dma_start3A_395 = arith.constant 0 : i32
        %dma_start3A_396 = tpu.memref_slice %arg4[%dma_start3A_391, %arg1, %add3A_390, %dma_start3A_395] : memref<2x16x82x128xi32, #tpu.memory_space<hbm>> -> memref<1x1x1x128xi32, #tpu.memory_space<hbm>>
        %dma_start3A_397 = tpu.memref_squeeze %dma_start3A_396 : memref<1x1x1x128xi32, #tpu.memory_space<hbm>> -> memref<1x128xi32, #tpu.memory_space<hbm>>
        tpu.enqueue_dma source(%dma_start3A_397 : memref<1x128xi32, #tpu.memory_space<hbm>>) target(%arg16 : memref<1x128xi32, #tpu.memory_space<vmem>>) target_semaphore(%arg27 : memref<!tpu.dma_semaphore, #tpu.memory_space<semaphore_mem>>)
        %dma_start3A_398 = arith.constant 0 : i32
        %dma_start3A_399 = tpu.memref_slice %arg5[%arg1, %add3A_390, %dma_start3A_398] : memref<16x82x128xi32, #tpu.memory_space<hbm>> -> memref<1x1x128xi32, #tpu.memory_space<hbm>>
        %dma_start3A_400 = tpu.memref_squeeze %dma_start3A_399 : memref<1x1x128xi32, #tpu.memory_space<hbm>> -> memref<1x128xi32, #tpu.memory_space<hbm>>
        %dma_start3A_401 = arith.constant 0 : i32
        %dma_start3A_402 = tpu.memref_slice %arg5[%arg1, %add3A_390, %dma_start3A_401] : memref<16x82x128xi32, #tpu.memory_space<hbm>> -> memref<1x1x128xi32, #tpu.memory_space<hbm>>
        %dma_start3A_403 = tpu.memref_squeeze %dma_start3A_402 : memref<1x1x128xi32, #tpu.memory_space<hbm>> -> memref<1x128xi32, #tpu.memory_space<hbm>>
        tpu.enqueue_dma source(%dma_start3A_403 : memref<1x128xi32, #tpu.memory_space<hbm>>) target(%arg17 : memref<1x128xi32, #tpu.memory_space<vmem>>) target_semaphore(%arg27 : memref<!tpu.dma_semaphore, #tpu.memory_space<semaphore_mem>>)
      }
      %scan3A_48 = arith.constant 40 : i32
      %dma_wait3A = arith.constant 0 : i32
      %dma_wait3A_49 = arith.constant 0 : i32
      %dma_wait3A_50 = arith.constant 0 : i32
      %dma_wait3A_51 = tpu.memref_slice %arg4[%dma_wait3A, %arg1, %dma_wait3A_49, %dma_wait3A_50] : memref<2x16x82x128xi32, #tpu.memory_space<hbm>> -> memref<1x1x1x128xi32, #tpu.memory_space<hbm>>
      %dma_wait3A_52 = tpu.memref_squeeze %dma_wait3A_51 : memref<1x1x1x128xi32, #tpu.memory_space<hbm>> -> memref<1x128xi32, #tpu.memory_space<hbm>>
      %dma_wait3A_53 = arith.constant 0 : i32
      %dma_wait3A_54 = arith.constant 0 : i32
      %dma_wait3A_55 = tpu.memref_slice %arg4[%dma_wait3A, %arg1, %dma_wait3A_53, %dma_wait3A_54] : memref<2x16x82x128xi32, #tpu.memory_space<hbm>> -> memref<1x1x1x128xi32, #tpu.memory_space<hbm>>
      %dma_wait3A_56 = tpu.memref_squeeze %dma_wait3A_55 : memref<1x1x1x128xi32, #tpu.memory_space<hbm>> -> memref<1x128xi32, #tpu.memory_space<hbm>>
      tpu.wait_dma2 semaphore(%arg27 : memref<!tpu.dma_semaphore, #tpu.memory_space<semaphore_mem>>) src(%dma_wait3A_56 : memref<1x128xi32, #tpu.memory_space<hbm>>) dst(%arg16 : memref<1x128xi32, #tpu.memory_space<vmem>>)
      %dma_wait3A_57 = arith.constant 0 : i32
      %dma_wait3A_58 = arith.constant 0 : i32
      %dma_wait3A_59 = tpu.memref_slice %arg5[%arg1, %dma_wait3A_57, %dma_wait3A_58] : memref<16x82x128xi32, #tpu.memory_space<hbm>> -> memref<1x1x128xi32, #tpu.memory_space<hbm>>
      %dma_wait3A_60 = tpu.memref_squeeze %dma_wait3A_59 : memref<1x1x128xi32, #tpu.memory_space<hbm>> -> memref<1x128xi32, #tpu.memory_space<hbm>>
      %dma_wait3A_61 = arith.constant 0 : i32
      %dma_wait3A_62 = arith.constant 0 : i32
      %dma_wait3A_63 = tpu.memref_slice %arg5[%arg1, %dma_wait3A_61, %dma_wait3A_62] : memref<16x82x128xi32, #tpu.memory_space<hbm>> -> memref<1x1x128xi32, #tpu.memory_space<hbm>>
      %dma_wait3A_64 = tpu.memref_squeeze %dma_wait3A_63 : memref<1x1x128xi32, #tpu.memory_space<hbm>> -> memref<1x128xi32, #tpu.memory_space<hbm>>
      tpu.wait_dma2 semaphore(%arg27 : memref<!tpu.dma_semaphore, #tpu.memory_space<semaphore_mem>>) src(%dma_wait3A_64 : memref<1x128xi32, #tpu.memory_space<hbm>>) dst(%arg17 : memref<1x128xi32, #tpu.memory_space<vmem>>)
      %dma_wait3A_65 = arith.constant 0 : i32
      %dma_wait3A_66 = arith.constant 0 : i32
      %dma_wait3A_67 = tpu.memref_slice %arg15[%dma_wait3A_65, %dma_wait3A_66] : memref<1x128xi32, #tpu.memory_space<vmem>> -> memref<1x128xi32, #tpu.memory_space<vmem>>
      %dma_wait3A_68 = tpu.memref_squeeze %dma_wait3A_67 : memref<1x128xi32, #tpu.memory_space<vmem>> -> memref<128xi32, #tpu.memory_space<vmem>>
      %dma_wait3A_69 = arith.constant 0 : i32
      %dma_wait3A_70 = arith.constant 0 : i32
      %dma_wait3A_71 = tpu.memref_slice %arg2[%dma_wait3A_69, %dma_wait3A_70] : memref<10112x128xf32, #tpu.memory_space<hbm>> -> memref<10112x128xf32, #tpu.memory_space<hbm>>
      tpu.wait_indirect_dma semaphore(%arg24 : memref<!tpu.dma_semaphore, #tpu.memory_space<semaphore_mem>>) src(%dma_wait3A_71 : memref<10112x128xf32, #tpu.memory_space<hbm>>) dst(%arg18 : memref<128x128xf32, #tpu.memory_space<vmem>>)
      %run_scoped3A_72 = arith.constant 0 : i32
      "tpu.region"() ({
        %run_scoped3A_147 = tpu.sem_alloc : memref<!tpu.dma_semaphore, #tpu.memory_space<semaphore_mem>>
        %dma_start3A_148 = arith.constant 0 : i32
        %dma_start3A_149 = tpu.memref_slice %arg21[%run_scoped3A_72, %dma_start3A_148] : memref<1x128xi32, #tpu.memory_space<vmem>> -> memref<1x128xi32, #tpu.memory_space<vmem>>
        %dma_start3A_150 = tpu.memref_squeeze %dma_start3A_149 : memref<1x128xi32, #tpu.memory_space<vmem>> -> memref<128xi32, #tpu.memory_space<vmem>>
        %dma_start3A_151 = arith.constant 0 : i32
        %dma_start3A_152 = arith.constant 0 : i32
        %dma_start3A_153 = tpu.memref_slice %arg23[%dma_start3A_151, %dma_start3A_152] : memref<128x128xf32, #tpu.memory_space<vmem_shared>> -> memref<128x128xf32, #tpu.memory_space<vmem_shared>>
        tpu.enqueue_indirect_dma source(%arg20 : memref<128x128xf32, #tpu.memory_space<vmem>>) target(%dma_start3A_153 : memref<128x128xf32, #tpu.memory_space<vmem_shared>>) offsets(%dma_start3A_150 : memref<128xi32, #tpu.memory_space<vmem>>) semaphore(%run_scoped3A_147 : memref<!tpu.dma_semaphore, #tpu.memory_space<semaphore_mem>>) {add = true}
        %dma_wait3A_154 = arith.constant 0 : i32
        %dma_wait3A_155 = tpu.memref_slice %arg21[%run_scoped3A_72, %dma_wait3A_154] : memref<1x128xi32, #tpu.memory_space<vmem>> -> memref<1x128xi32, #tpu.memory_space<vmem>>
        %dma_wait3A_156 = tpu.memref_squeeze %dma_wait3A_155 : memref<1x128xi32, #tpu.memory_space<vmem>> -> memref<128xi32, #tpu.memory_space<vmem>>
        %dma_wait3A_157 = arith.constant 0 : i32
        %dma_wait3A_158 = arith.constant 0 : i32
        %dma_wait3A_159 = tpu.memref_slice %arg23[%dma_wait3A_157, %dma_wait3A_158] : memref<128x128xf32, #tpu.memory_space<vmem_shared>> -> memref<128x128xf32, #tpu.memory_space<vmem_shared>>
        tpu.wait_indirect_dma semaphore(%run_scoped3A_147 : memref<!tpu.dma_semaphore, #tpu.memory_space<semaphore_mem>>) src(%arg20 : memref<128x128xf32, #tpu.memory_space<vmem>>) dst(%dma_wait3A_159 : memref<128x128xf32, #tpu.memory_space<vmem_shared>>)
        tpu.yield
      }) : () -> ()
      %barrier3A_73 = arith.constant 0 : index
      tpu.barrier barrier_id(%barrier3A_73)
      %mul3A_74 = arith.constant 320 : i32
      %mul3A_75 = arith.muli %arg1, %mul3A_74 : i32
      %mul3A_76 = arith.constant 320 : i32
      %mul3A_77 = arith.muli %arg1, %mul3A_76 : i32
      "tpu.region"() ({
        %run_scoped3A_147 = tpu.sem_alloc : memref<!tpu.dma_semaphore, #tpu.memory_space<semaphore_mem>>
        %dma_start3A_148 = arith.constant 0 : i32
        %dma_start3A_149 = tpu.memref_slice %arg8[%mul3A_77, %dma_start3A_148] : memref<5120x128xf32, #tpu.memory_space<hbm>> -> memref<320x128xf32, #tpu.memory_space<hbm>>
        %dma_start3A_150 = arith.constant 0 : i32
        %dma_start3A_151 = tpu.memref_slice %arg22[%mul3A_75, %dma_start3A_150] : memref<5120x128xf32, #tpu.memory_space<vmem_shared>> -> memref<320x128xf32, #tpu.memory_space<vmem_shared>>
        tpu.enqueue_dma source(%dma_start3A_151 : memref<320x128xf32, #tpu.memory_space<vmem_shared>>) target(%dma_start3A_149 : memref<320x128xf32, #tpu.memory_space<hbm>>) target_semaphore(%run_scoped3A_147 : memref<!tpu.dma_semaphore, #tpu.memory_space<semaphore_mem>>)
        %dma_wait3A_152 = arith.constant 0 : i32
        %dma_wait3A_153 = tpu.memref_slice %arg8[%mul3A_77, %dma_wait3A_152] : memref<5120x128xf32, #tpu.memory_space<hbm>> -> memref<320x128xf32, #tpu.memory_space<hbm>>
        %dma_wait3A_154 = arith.constant 0 : i32
        %dma_wait3A_155 = tpu.memref_slice %arg22[%mul3A_75, %dma_wait3A_154] : memref<5120x128xf32, #tpu.memory_space<vmem_shared>> -> memref<320x128xf32, #tpu.memory_space<vmem_shared>>
        tpu.wait_dma2 semaphore(%run_scoped3A_147 : memref<!tpu.dma_semaphore, #tpu.memory_space<semaphore_mem>>) src(%dma_wait3A_155 : memref<320x128xf32, #tpu.memory_space<vmem_shared>>) dst(%dma_wait3A_153 : memref<320x128xf32, #tpu.memory_space<hbm>>)
        tpu.yield
      }) : () -> ()
      %mul3A_78 = arith.constant 8 : i32
      %mul3A_79 = arith.muli %arg1, %mul3A_78 : i32
      %mul3A_80 = arith.constant 8 : i32
      %mul3A_81 = arith.muli %arg1, %mul3A_80 : i32
      "tpu.region"() ({
        %run_scoped3A_147 = tpu.sem_alloc : memref<!tpu.dma_semaphore, #tpu.memory_space<semaphore_mem>>
        %dma_start3A_148 = arith.constant 0 : i32
        %dma_start3A_149 = tpu.memref_slice %arg12[%mul3A_81, %dma_start3A_148] : memref<128x128xf32, #tpu.memory_space<hbm>> -> memref<8x128xf32, #tpu.memory_space<hbm>>
        %dma_start3A_150 = arith.constant 0 : i32
        %dma_start3A_151 = tpu.memref_slice %arg23[%mul3A_79, %dma_start3A_150] : memref<128x128xf32, #tpu.memory_space<vmem_shared>> -> memref<8x128xf32, #tpu.memory_space<vmem_shared>>
        tpu.enqueue_dma source(%dma_start3A_151 : memref<8x128xf32, #tpu.memory_space<vmem_shared>>) target(%dma_start3A_149 : memref<8x128xf32, #tpu.memory_space<hbm>>) target_semaphore(%run_scoped3A_147 : memref<!tpu.dma_semaphore, #tpu.memory_space<semaphore_mem>>)
        %dma_wait3A_152 = arith.constant 0 : i32
        %dma_wait3A_153 = tpu.memref_slice %arg12[%mul3A_81, %dma_wait3A_152] : memref<128x128xf32, #tpu.memory_space<hbm>> -> memref<8x128xf32, #tpu.memory_space<hbm>>
        %dma_wait3A_154 = arith.constant 0 : i32
        %dma_wait3A_155 = tpu.memref_slice %arg23[%mul3A_79, %dma_wait3A_154] : memref<128x128xf32, #tpu.memory_space<vmem_shared>> -> memref<8x128xf32, #tpu.memory_space<vmem_shared>>
        tpu.wait_dma2 semaphore(%run_scoped3A_147 : memref<!tpu.dma_semaphore, #tpu.memory_space<semaphore_mem>>) src(%dma_wait3A_155 : memref<8x128xf32, #tpu.memory_space<vmem_shared>>) dst(%dma_wait3A_153 : memref<8x128xf32, #tpu.memory_space<hbm>>)
        tpu.yield
      }) : () -> ()
      %mul3A_82 = arith.constant 320 : i32
      %mul3A_83 = arith.muli %arg1, %mul3A_82 : i32
      %mul3A_84 = arith.constant 320 : i32
      %mul3A_85 = arith.muli %arg1, %mul3A_84 : i32
      "tpu.region"() ({
        %run_scoped3A_147 = tpu.sem_alloc : memref<!tpu.dma_semaphore, #tpu.memory_space<semaphore_mem>>
        %dma_start3A_148 = arith.constant 0 : i32
        %dma_start3A_149 = tpu.memref_slice %arg22[%mul3A_85, %dma_start3A_148] : memref<5120x128xf32, #tpu.memory_space<vmem_shared>> -> memref<320x128xf32, #tpu.memory_space<vmem_shared>>
        %dma_start3A_150 = arith.constant 0 : i32
        %dma_start3A_151 = tpu.memref_slice %arg6[%mul3A_83, %dma_start3A_150] : memref<5120x128xf32, #tpu.memory_space<hbm>> -> memref<320x128xf32, #tpu.memory_space<hbm>>
        tpu.enqueue_dma source(%dma_start3A_151 : memref<320x128xf32, #tpu.memory_space<hbm>>) target(%dma_start3A_149 : memref<320x128xf32, #tpu.memory_space<vmem_shared>>) target_semaphore(%run_scoped3A_147 : memref<!tpu.dma_semaphore, #tpu.memory_space<semaphore_mem>>)
        %dma_wait3A_152 = arith.constant 0 : i32
        %dma_wait3A_153 = tpu.memref_slice %arg22[%mul3A_85, %dma_wait3A_152] : memref<5120x128xf32, #tpu.memory_space<vmem_shared>> -> memref<320x128xf32, #tpu.memory_space<vmem_shared>>
        %dma_wait3A_154 = arith.constant 0 : i32
        %dma_wait3A_155 = tpu.memref_slice %arg6[%mul3A_83, %dma_wait3A_154] : memref<5120x128xf32, #tpu.memory_space<hbm>> -> memref<320x128xf32, #tpu.memory_space<hbm>>
        tpu.wait_dma2 semaphore(%run_scoped3A_147 : memref<!tpu.dma_semaphore, #tpu.memory_space<semaphore_mem>>) src(%dma_wait3A_155 : memref<320x128xf32, #tpu.memory_space<hbm>>) dst(%dma_wait3A_153 : memref<320x128xf32, #tpu.memory_space<vmem_shared>>)
        tpu.yield
      }) : () -> ()
      %barrier3A_86 = arith.constant 0 : index
      tpu.barrier barrier_id(%barrier3A_86)
      %run_scoped3A_87 = arith.constant 1 : i32
      "tpu.region"() ({
        %run_scoped3A_147 = tpu.sem_alloc : memref<!tpu.dma_semaphore, #tpu.memory_space<semaphore_mem>>
        %dma_start3A_148 = arith.constant 0 : i32
        %dma_start3A_149 = arith.constant 0 : i32
        %dma_start3A_150 = tpu.memref_slice %arg4[%run_scoped3A_87, %arg1, %dma_start3A_148, %dma_start3A_149] : memref<2x16x82x128xi32, #tpu.memory_space<hbm>> -> memref<1x1x1x128xi32, #tpu.memory_space<hbm>>
        %dma_start3A_151 = tpu.memref_squeeze %dma_start3A_150 : memref<1x1x1x128xi32, #tpu.memory_space<hbm>> -> memref<1x128xi32, #tpu.memory_space<hbm>>
        %dma_start3A_152 = arith.constant 0 : i32
        %dma_start3A_153 = arith.constant 0 : i32
        %dma_start3A_154 = tpu.memref_slice %arg4[%run_scoped3A_87, %arg1, %dma_start3A_152, %dma_start3A_153] : memref<2x16x82x128xi32, #tpu.memory_space<hbm>> -> memref<1x1x1x128xi32, #tpu.memory_space<hbm>>
        %dma_start3A_155 = tpu.memref_squeeze %dma_start3A_154 : memref<1x1x1x128xi32, #tpu.memory_space<hbm>> -> memref<1x128xi32, #tpu.memory_space<hbm>>
        tpu.enqueue_dma source(%dma_start3A_155 : memref<1x128xi32, #tpu.memory_space<hbm>>) target(%arg14 : memref<1x128xi32, #tpu.memory_space<vmem>>) target_semaphore(%run_scoped3A_147 : memref<!tpu.dma_semaphore, #tpu.memory_space<semaphore_mem>>)
        %dma_wait3A_156 = arith.constant 0 : i32
        %dma_wait3A_157 = arith.constant 0 : i32
        %dma_wait3A_158 = tpu.memref_slice %arg4[%run_scoped3A_87, %arg1, %dma_wait3A_156, %dma_wait3A_157] : memref<2x16x82x128xi32, #tpu.memory_space<hbm>> -> memref<1x1x1x128xi32, #tpu.memory_space<hbm>>
        %dma_wait3A_159 = tpu.memref_squeeze %dma_wait3A_158 : memref<1x1x1x128xi32, #tpu.memory_space<hbm>> -> memref<1x128xi32, #tpu.memory_space<hbm>>
        %dma_wait3A_160 = arith.constant 0 : i32
        %dma_wait3A_161 = arith.constant 0 : i32
        %dma_wait3A_162 = tpu.memref_slice %arg4[%run_scoped3A_87, %arg1, %dma_wait3A_160, %dma_wait3A_161] : memref<2x16x82x128xi32, #tpu.memory_space<hbm>> -> memref<1x1x1x128xi32, #tpu.memory_space<hbm>>
        %dma_wait3A_163 = tpu.memref_squeeze %dma_wait3A_162 : memref<1x1x1x128xi32, #tpu.memory_space<hbm>> -> memref<1x128xi32, #tpu.memory_space<hbm>>
        tpu.wait_dma2 semaphore(%run_scoped3A_147 : memref<!tpu.dma_semaphore, #tpu.memory_space<semaphore_mem>>) src(%dma_wait3A_163 : memref<1x128xi32, #tpu.memory_space<hbm>>) dst(%arg14 : memref<1x128xi32, #tpu.memory_space<vmem>>)
        tpu.yield
      }) : () -> ()
      "tpu.region"() ({
        %run_scoped3A_147 = tpu.sem_alloc : memref<!tpu.dma_semaphore, #tpu.memory_space<semaphore_mem>>
        %dma_start3A_148 = arith.constant 0 : i32
        %dma_start3A_149 = arith.constant 0 : i32
        %dma_start3A_150 = tpu.memref_slice %arg5[%arg1, %dma_start3A_148, %dma_start3A_149] : memref<16x82x128xi32, #tpu.memory_space<hbm>> -> memref<1x1x128xi32, #tpu.memory_space<hbm>>
        %dma_start3A_151 = tpu.memref_squeeze %dma_start3A_150 : memref<1x1x128xi32, #tpu.memory_space<hbm>> -> memref<1x128xi32, #tpu.memory_space<hbm>>
        %dma_start3A_152 = arith.constant 0 : i32
        %dma_start3A_153 = arith.constant 0 : i32
        %dma_start3A_154 = tpu.memref_slice %arg5[%arg1, %dma_start3A_152, %dma_start3A_153] : memref<16x82x128xi32, #tpu.memory_space<hbm>> -> memref<1x1x128xi32, #tpu.memory_space<hbm>>
        %dma_start3A_155 = tpu.memref_squeeze %dma_start3A_154 : memref<1x1x128xi32, #tpu.memory_space<hbm>> -> memref<1x128xi32, #tpu.memory_space<hbm>>
        tpu.enqueue_dma source(%dma_start3A_155 : memref<1x128xi32, #tpu.memory_space<hbm>>) target(%arg15 : memref<1x128xi32, #tpu.memory_space<vmem>>) target_semaphore(%run_scoped3A_147 : memref<!tpu.dma_semaphore, #tpu.memory_space<semaphore_mem>>)
        %dma_wait3A_156 = arith.constant 0 : i32
        %dma_wait3A_157 = arith.constant 0 : i32
        %dma_wait3A_158 = tpu.memref_slice %arg5[%arg1, %dma_wait3A_156, %dma_wait3A_157] : memref<16x82x128xi32, #tpu.memory_space<hbm>> -> memref<1x1x128xi32, #tpu.memory_space<hbm>>
        %dma_wait3A_159 = tpu.memref_squeeze %dma_wait3A_158 : memref<1x1x128xi32, #tpu.memory_space<hbm>> -> memref<1x128xi32, #tpu.memory_space<hbm>>
        %dma_wait3A_160 = arith.constant 0 : i32
        %dma_wait3A_161 = arith.constant 0 : i32
        %dma_wait3A_162 = tpu.memref_slice %arg5[%arg1, %dma_wait3A_160, %dma_wait3A_161] : memref<16x82x128xi32, #tpu.memory_space<hbm>> -> memref<1x1x128xi32, #tpu.memory_space<hbm>>
        %dma_wait3A_163 = tpu.memref_squeeze %dma_wait3A_162 : memref<1x1x128xi32, #tpu.memory_space<hbm>> -> memref<1x128xi32, #tpu.memory_space<hbm>>
        tpu.wait_dma2 semaphore(%run_scoped3A_147 : memref<!tpu.dma_semaphore, #tpu.memory_space<semaphore_mem>>) src(%dma_wait3A_163 : memref<1x128xi32, #tpu.memory_space<hbm>>) dst(%arg15 : memref<1x128xi32, #tpu.memory_space<vmem>>)
        tpu.yield
      }) : () -> ()
      %dma_start3A_88 = arith.constant 0 : i32
      %dma_start3A_89 = arith.constant 0 : i32
      %dma_start3A_90 = tpu.memref_slice %arg15[%dma_start3A_88, %dma_start3A_89] : memref<1x128xi32, #tpu.memory_space<vmem>> -> memref<1x128xi32, #tpu.memory_space<vmem>>
      %dma_start3A_91 = tpu.memref_squeeze %dma_start3A_90 : memref<1x128xi32, #tpu.memory_space<vmem>> -> memref<128xi32, #tpu.memory_space<vmem>>
      %dma_start3A_92 = arith.constant 0 : i32
      %dma_start3A_93 = arith.constant 0 : i32
      %dma_start3A_94 = tpu.memref_slice %arg2[%dma_start3A_92, %dma_start3A_93] : memref<10112x128xf32, #tpu.memory_space<hbm>> -> memref<10112x128xf32, #tpu.memory_space<hbm>>
      tpu.enqueue_indirect_dma source(%dma_start3A_94 : memref<10112x128xf32, #tpu.memory_space<hbm>>) target(%arg18 : memref<128x128xf32, #tpu.memory_space<vmem>>) offsets(%dma_start3A_91 : memref<128xi32, #tpu.memory_space<vmem>>) semaphore(%arg24 : memref<!tpu.dma_semaphore, #tpu.memory_space<semaphore_mem>>)
      %dma_start3A_95 = arith.constant 1 : i32
      %dma_start3A_96 = arith.constant 1 : i32
      %dma_start3A_97 = arith.constant 0 : i32
      %dma_start3A_98 = tpu.memref_slice %arg4[%dma_start3A_95, %arg1, %dma_start3A_96, %dma_start3A_97] : memref<2x16x82x128xi32, #tpu.memory_space<hbm>> -> memref<1x1x1x128xi32, #tpu.memory_space<hbm>>
      %dma_start3A_99 = tpu.memref_squeeze %dma_start3A_98 : memref<1x1x1x128xi32, #tpu.memory_space<hbm>> -> memref<1x128xi32, #tpu.memory_space<hbm>>
      %dma_start3A_100 = arith.constant 1 : i32
      %dma_start3A_101 = arith.constant 0 : i32
      %dma_start3A_102 = tpu.memref_slice %arg4[%dma_start3A_95, %arg1, %dma_start3A_100, %dma_start3A_101] : memref<2x16x82x128xi32, #tpu.memory_space<hbm>> -> memref<1x1x1x128xi32, #tpu.memory_space<hbm>>
      %dma_start3A_103 = tpu.memref_squeeze %dma_start3A_102 : memref<1x1x1x128xi32, #tpu.memory_space<hbm>> -> memref<1x128xi32, #tpu.memory_space<hbm>>
      tpu.enqueue_dma source(%dma_start3A_103 : memref<1x128xi32, #tpu.memory_space<hbm>>) target(%arg16 : memref<1x128xi32, #tpu.memory_space<vmem>>) target_semaphore(%arg27 : memref<!tpu.dma_semaphore, #tpu.memory_space<semaphore_mem>>)
      %dma_start3A_104 = arith.constant 1 : i32
      %dma_start3A_105 = arith.constant 0 : i32
      %dma_start3A_106 = tpu.memref_slice %arg5[%arg1, %dma_start3A_104, %dma_start3A_105] : memref<16x82x128xi32, #tpu.memory_space<hbm>> -> memref<1x1x128xi32, #tpu.memory_space<hbm>>
      %dma_start3A_107 = tpu.memref_squeeze %dma_start3A_106 : memref<1x1x128xi32, #tpu.memory_space<hbm>> -> memref<1x128xi32, #tpu.memory_space<hbm>>
      %dma_start3A_108 = arith.constant 1 : i32
      %dma_start3A_109 = arith.constant 0 : i32
      %dma_start3A_110 = tpu.memref_slice %arg5[%arg1, %dma_start3A_108, %dma_start3A_109] : memref<16x82x128xi32, #tpu.memory_space<hbm>> -> memref<1x1x128xi32, #tpu.memory_space<hbm>>
      %dma_start3A_111 = tpu.memref_squeeze %dma_start3A_110 : memref<1x1x128xi32, #tpu.memory_space<hbm>> -> memref<1x128xi32, #tpu.memory_space<hbm>>
      tpu.enqueue_dma source(%dma_start3A_111 : memref<1x128xi32, #tpu.memory_space<hbm>>) target(%arg17 : memref<1x128xi32, #tpu.memory_space<vmem>>) target_semaphore(%arg27 : memref<!tpu.dma_semaphore, #tpu.memory_space<semaphore_mem>>)
      %scan3A_112 = arith.constant 0 : i32
      %scan3A_113 = arith.constant 0 : i32
      %scan3A_114 = arith.constant 40 : i32
      %scan3A_115 = arith.addi %scan3A_113, %scan3A_114 : i32
      %scan3A_116 = arith.constant 1 : i32
      scf.for %scan3A_147 = %scan3A_113 to %scan3A_115 step %scan3A_116  : i32 {
        %mul3A_148 = arith.constant 2 : i32
        %mul3A_149 = arith.muli %mul3A_148, %scan3A_147 : i32
        %add3A = arith.constant 1 : i32
        %add3A_150 = arith.addi %mul3A_149, %add3A : i32
        %dma_wait3A_151 = arith.constant 1 : i32
        %dma_wait3A_152 = arith.constant 0 : i32
        %dma_wait3A_153 = arith.constant 0 : i32
        %dma_wait3A_154 = tpu.memref_slice %arg4[%dma_wait3A_151, %arg1, %dma_wait3A_152, %dma_wait3A_153] : memref<2x16x82x128xi32, #tpu.memory_space<hbm>> -> memref<1x1x1x128xi32, #tpu.memory_space<hbm>>
        %dma_wait3A_155 = tpu.memref_squeeze %dma_wait3A_154 : memref<1x1x1x128xi32, #tpu.memory_space<hbm>> -> memref<1x128xi32, #tpu.memory_space<hbm>>
        %dma_wait3A_156 = arith.constant 0 : i32
        %dma_wait3A_157 = arith.constant 0 : i32
        %dma_wait3A_158 = tpu.memref_slice %arg4[%dma_wait3A_151, %arg1, %dma_wait3A_156, %dma_wait3A_157] : memref<2x16x82x128xi32, #tpu.memory_space<hbm>> -> memref<1x1x1x128xi32, #tpu.memory_space<hbm>>
        %dma_wait3A_159 = tpu.memref_squeeze %dma_wait3A_158 : memref<1x1x1x128xi32, #tpu.memory_space<hbm>> -> memref<1x128xi32, #tpu.memory_space<hbm>>
        tpu.wait_dma2 semaphore(%arg27 : memref<!tpu.dma_semaphore, #tpu.memory_space<semaphore_mem>>) src(%dma_wait3A_159 : memref<1x128xi32, #tpu.memory_space<hbm>>) dst(%arg16 : memref<1x128xi32, #tpu.memory_space<vmem>>)
        %dma_wait3A_160 = arith.constant 0 : i32
        %dma_wait3A_161 = arith.constant 0 : i32
        %dma_wait3A_162 = tpu.memref_slice %arg5[%arg1, %dma_wait3A_160, %dma_wait3A_161] : memref<16x82x128xi32, #tpu.memory_space<hbm>> -> memref<1x1x128xi32, #tpu.memory_space<hbm>>
        %dma_wait3A_163 = tpu.memref_squeeze %dma_wait3A_162 : memref<1x1x128xi32, #tpu.memory_space<hbm>> -> memref<1x128xi32, #tpu.memory_space<hbm>>
        %dma_wait3A_164 = arith.constant 0 : i32
        %dma_wait3A_165 = arith.constant 0 : i32
        %dma_wait3A_166 = tpu.memref_slice %arg5[%arg1, %dma_wait3A_164, %dma_wait3A_165] : memref<16x82x128xi32, #tpu.memory_space<hbm>> -> memref<1x1x128xi32, #tpu.memory_space<hbm>>
        %dma_wait3A_167 = tpu.memref_squeeze %dma_wait3A_166 : memref<1x1x128xi32, #tpu.memory_space<hbm>> -> memref<1x128xi32, #tpu.memory_space<hbm>>
        tpu.wait_dma2 semaphore(%arg27 : memref<!tpu.dma_semaphore, #tpu.memory_space<semaphore_mem>>) src(%dma_wait3A_167 : memref<1x128xi32, #tpu.memory_space<hbm>>) dst(%arg17 : memref<1x128xi32, #tpu.memory_space<vmem>>)
        %dma_wait3A_168 = arith.constant 0 : i32
        %dma_wait3A_169 = arith.constant 0 : i32
        %dma_wait3A_170 = tpu.memref_slice %arg15[%dma_wait3A_168, %dma_wait3A_169] : memref<1x128xi32, #tpu.memory_space<vmem>> -> memref<1x128xi32, #tpu.memory_space<vmem>>
        %dma_wait3A_171 = tpu.memref_squeeze %dma_wait3A_170 : memref<1x128xi32, #tpu.memory_space<vmem>> -> memref<128xi32, #tpu.memory_space<vmem>>
        %dma_wait3A_172 = arith.constant 0 : i32
        %dma_wait3A_173 = arith.constant 0 : i32
        %dma_wait3A_174 = tpu.memref_slice %arg2[%dma_wait3A_172, %dma_wait3A_173] : memref<10112x128xf32, #tpu.memory_space<hbm>> -> memref<10112x128xf32, #tpu.memory_space<hbm>>
        tpu.wait_indirect_dma semaphore(%arg24 : memref<!tpu.dma_semaphore, #tpu.memory_space<semaphore_mem>>) src(%dma_wait3A_174 : memref<10112x128xf32, #tpu.memory_space<hbm>>) dst(%arg18 : memref<128x128xf32, #tpu.memory_space<vmem>>)
        %dma_start3A_175 = arith.constant 0 : i32
        %dma_start3A_176 = arith.constant 0 : i32
        %dma_start3A_177 = tpu.memref_slice %arg17[%dma_start3A_175, %dma_start3A_176] : memref<1x128xi32, #tpu.memory_space<vmem>> -> memref<1x128xi32, #tpu.memory_space<vmem>>
        %dma_start3A_178 = tpu.memref_squeeze %dma_start3A_177 : memref<1x128xi32, #tpu.memory_space<vmem>> -> memref<128xi32, #tpu.memory_space<vmem>>
        %dma_start3A_179 = arith.constant 0 : i32
        %dma_start3A_180 = arith.constant 0 : i32
        %dma_start3A_181 = tpu.memref_slice %arg2[%dma_start3A_179, %dma_start3A_180] : memref<10112x128xf32, #tpu.memory_space<hbm>> -> memref<10112x128xf32, #tpu.memory_space<hbm>>
        tpu.enqueue_indirect_dma source(%dma_start3A_181 : memref<10112x128xf32, #tpu.memory_space<hbm>>) target(%arg19 : memref<128x128xf32, #tpu.memory_space<vmem>>) offsets(%dma_start3A_178 : memref<128xi32, #tpu.memory_space<vmem>>) semaphore(%arg25 : memref<!tpu.dma_semaphore, #tpu.memory_space<semaphore_mem>>)
        %run_scoped3A_182 = arith.constant 0 : i32
        "tpu.region"() ({
          %run_scoped3A_247 = tpu.sem_alloc : memref<!tpu.dma_semaphore, #tpu.memory_space<semaphore_mem>>
          %dma_start3A_248 = arith.constant 0 : i32
          %dma_start3A_249 = tpu.memref_slice %arg14[%run_scoped3A_182, %dma_start3A_248] : memref<1x128xi32, #tpu.memory_space<vmem>> -> memref<1x128xi32, #tpu.memory_space<vmem>>
          %dma_start3A_250 = tpu.memref_squeeze %dma_start3A_249 : memref<1x128xi32, #tpu.memory_space<vmem>> -> memref<128xi32, #tpu.memory_space<vmem>>
          %dma_start3A_251 = arith.constant 0 : i32
          %dma_start3A_252 = arith.constant 0 : i32
          %dma_start3A_253 = tpu.memref_slice %arg22[%dma_start3A_251, %dma_start3A_252] : memref<5120x128xf32, #tpu.memory_space<vmem_shared>> -> memref<5120x128xf32, #tpu.memory_space<vmem_shared>>
          tpu.enqueue_indirect_dma source(%arg18 : memref<128x128xf32, #tpu.memory_space<vmem>>) target(%dma_start3A_253 : memref<5120x128xf32, #tpu.memory_space<vmem_shared>>) offsets(%dma_start3A_250 : memref<128xi32, #tpu.memory_space<vmem>>) semaphore(%run_scoped3A_247 : memref<!tpu.dma_semaphore, #tpu.memory_space<semaphore_mem>>) {add = true}
          %dma_wait3A_254 = arith.constant 0 : i32
          %dma_wait3A_255 = tpu.memref_slice %arg14[%run_scoped3A_182, %dma_wait3A_254] : memref<1x128xi32, #tpu.memory_space<vmem>> -> memref<1x128xi32, #tpu.memory_space<vmem>>
          %dma_wait3A_256 = tpu.memref_squeeze %dma_wait3A_255 : memref<1x128xi32, #tpu.memory_space<vmem>> -> memref<128xi32, #tpu.memory_space<vmem>>
          %dma_wait3A_257 = arith.constant 0 : i32
          %dma_wait3A_258 = arith.constant 0 : i32
          %dma_wait3A_259 = tpu.memref_slice %arg22[%dma_wait3A_257, %dma_wait3A_258] : memref<5120x128xf32, #tpu.memory_space<vmem_shared>> -> memref<5120x128xf32, #tpu.memory_space<vmem_shared>>
          tpu.wait_indirect_dma semaphore(%run_scoped3A_247 : memref<!tpu.dma_semaphore, #tpu.memory_space<semaphore_mem>>) src(%arg18 : memref<128x128xf32, #tpu.memory_space<vmem>>) dst(%dma_wait3A_259 : memref<5120x128xf32, #tpu.memory_space<vmem_shared>>)
          tpu.yield
        }) : () -> ()
        %add3A_183 = arith.constant 1 : i32
        %add3A_184 = arith.addi %add3A_150, %add3A_183 : i32
        %dma_start3A_185 = arith.constant 1 : i32
        %dma_start3A_186 = arith.constant 0 : i32
        %dma_start3A_187 = tpu.memref_slice %arg4[%dma_start3A_185, %arg1, %add3A_184, %dma_start3A_186] : memref<2x16x82x128xi32, #tpu.memory_space<hbm>> -> memref<1x1x1x128xi32, #tpu.memory_space<hbm>>
        %dma_start3A_188 = tpu.memref_squeeze %dma_start3A_187 : memref<1x1x1x128xi32, #tpu.memory_space<hbm>> -> memref<1x128xi32, #tpu.memory_space<hbm>>
        %dma_start3A_189 = arith.constant 0 : i32
        %dma_start3A_190 = tpu.memref_slice %arg4[%dma_start3A_185, %arg1, %add3A_184, %dma_start3A_189] : memref<2x16x82x128xi32, #tpu.memory_space<hbm>> -> memref<1x1x1x128xi32, #tpu.memory_space<hbm>>
        %dma_start3A_191 = tpu.memref_squeeze %dma_start3A_190 : memref<1x1x1x128xi32, #tpu.memory_space<hbm>> -> memref<1x128xi32, #tpu.memory_space<hbm>>
        tpu.enqueue_dma source(%dma_start3A_191 : memref<1x128xi32, #tpu.memory_space<hbm>>) target(%arg14 : memref<1x128xi32, #tpu.memory_space<vmem>>) target_semaphore(%arg26 : memref<!tpu.dma_semaphore, #tpu.memory_space<semaphore_mem>>)
        %dma_start3A_192 = arith.constant 0 : i32
        %dma_start3A_193 = tpu.memref_slice %arg5[%arg1, %add3A_184, %dma_start3A_192] : memref<16x82x128xi32, #tpu.memory_space<hbm>> -> memref<1x1x128xi32, #tpu.memory_space<hbm>>
        %dma_start3A_194 = tpu.memref_squeeze %dma_start3A_193 : memref<1x1x128xi32, #tpu.memory_space<hbm>> -> memref<1x128xi32, #tpu.memory_space<hbm>>
        %dma_start3A_195 = arith.constant 0 : i32
        %dma_start3A_196 = tpu.memref_slice %arg5[%arg1, %add3A_184, %dma_start3A_195] : memref<16x82x128xi32, #tpu.memory_space<hbm>> -> memref<1x1x128xi32, #tpu.memory_space<hbm>>
        %dma_start3A_197 = tpu.memref_squeeze %dma_start3A_196 : memref<1x1x128xi32, #tpu.memory_space<hbm>> -> memref<1x128xi32, #tpu.memory_space<hbm>>
        tpu.enqueue_dma source(%dma_start3A_197 : memref<1x128xi32, #tpu.memory_space<hbm>>) target(%arg15 : memref<1x128xi32, #tpu.memory_space<vmem>>) target_semaphore(%arg26 : memref<!tpu.dma_semaphore, #tpu.memory_space<semaphore_mem>>)
        %add3A_198 = arith.constant 2 : i32
        %add3A_199 = arith.addi %mul3A_149, %add3A_198 : i32
        %dma_wait3A_200 = arith.constant 1 : i32
        %dma_wait3A_201 = arith.constant 0 : i32
        %dma_wait3A_202 = arith.constant 0 : i32
        %dma_wait3A_203 = tpu.memref_slice %arg4[%dma_wait3A_200, %arg1, %dma_wait3A_201, %dma_wait3A_202] : memref<2x16x82x128xi32, #tpu.memory_space<hbm>> -> memref<1x1x1x128xi32, #tpu.memory_space<hbm>>
        %dma_wait3A_204 = tpu.memref_squeeze %dma_wait3A_203 : memref<1x1x1x128xi32, #tpu.memory_space<hbm>> -> memref<1x128xi32, #tpu.memory_space<hbm>>
        %dma_wait3A_205 = arith.constant 0 : i32
        %dma_wait3A_206 = arith.constant 0 : i32
        %dma_wait3A_207 = tpu.memref_slice %arg4[%dma_wait3A_200, %arg1, %dma_wait3A_205, %dma_wait3A_206] : memref<2x16x82x128xi32, #tpu.memory_space<hbm>> -> memref<1x1x1x128xi32, #tpu.memory_space<hbm>>
        %dma_wait3A_208 = tpu.memref_squeeze %dma_wait3A_207 : memref<1x1x1x128xi32, #tpu.memory_space<hbm>> -> memref<1x128xi32, #tpu.memory_space<hbm>>
        tpu.wait_dma2 semaphore(%arg26 : memref<!tpu.dma_semaphore, #tpu.memory_space<semaphore_mem>>) src(%dma_wait3A_208 : memref<1x128xi32, #tpu.memory_space<hbm>>) dst(%arg14 : memref<1x128xi32, #tpu.memory_space<vmem>>)
        %dma_wait3A_209 = arith.constant 0 : i32
        %dma_wait3A_210 = arith.constant 0 : i32
        %dma_wait3A_211 = tpu.memref_slice %arg5[%arg1, %dma_wait3A_209, %dma_wait3A_210] : memref<16x82x128xi32, #tpu.memory_space<hbm>> -> memref<1x1x128xi32, #tpu.memory_space<hbm>>
        %dma_wait3A_212 = tpu.memref_squeeze %dma_wait3A_211 : memref<1x1x128xi32, #tpu.memory_space<hbm>> -> memref<1x128xi32, #tpu.memory_space<hbm>>
        %dma_wait3A_213 = arith.constant 0 : i32
        %dma_wait3A_214 = arith.constant 0 : i32
        %dma_wait3A_215 = tpu.memref_slice %arg5[%arg1, %dma_wait3A_213, %dma_wait3A_214] : memref<16x82x128xi32, #tpu.memory_space<hbm>> -> memref<1x1x128xi32, #tpu.memory_space<hbm>>
        %dma_wait3A_216 = tpu.memref_squeeze %dma_wait3A_215 : memref<1x1x128xi32, #tpu.memory_space<hbm>> -> memref<1x128xi32, #tpu.memory_space<hbm>>
        tpu.wait_dma2 semaphore(%arg26 : memref<!tpu.dma_semaphore, #tpu.memory_space<semaphore_mem>>) src(%dma_wait3A_216 : memref<1x128xi32, #tpu.memory_space<hbm>>) dst(%arg15 : memref<1x128xi32, #tpu.memory_space<vmem>>)
        %dma_wait3A_217 = arith.constant 0 : i32
        %dma_wait3A_218 = arith.constant 0 : i32
        %dma_wait3A_219 = tpu.memref_slice %arg17[%dma_wait3A_217, %dma_wait3A_218] : memref<1x128xi32, #tpu.memory_space<vmem>> -> memref<1x128xi32, #tpu.memory_space<vmem>>
        %dma_wait3A_220 = tpu.memref_squeeze %dma_wait3A_219 : memref<1x128xi32, #tpu.memory_space<vmem>> -> memref<128xi32, #tpu.memory_space<vmem>>
        %dma_wait3A_221 = arith.constant 0 : i32
        %dma_wait3A_222 = arith.constant 0 : i32
        %dma_wait3A_223 = tpu.memref_slice %arg2[%dma_wait3A_221, %dma_wait3A_222] : memref<10112x128xf32, #tpu.memory_space<hbm>> -> memref<10112x128xf32, #tpu.memory_space<hbm>>
        tpu.wait_indirect_dma semaphore(%arg25 : memref<!tpu.dma_semaphore, #tpu.memory_space<semaphore_mem>>) src(%dma_wait3A_223 : memref<10112x128xf32, #tpu.memory_space<hbm>>) dst(%arg19 : memref<128x128xf32, #tpu.memory_space<vmem>>)
        %dma_start3A_224 = arith.constant 0 : i32
        %dma_start3A_225 = arith.constant 0 : i32
        %dma_start3A_226 = tpu.memref_slice %arg15[%dma_start3A_224, %dma_start3A_225] : memref<1x128xi32, #tpu.memory_space<vmem>> -> memref<1x128xi32, #tpu.memory_space<vmem>>
        %dma_start3A_227 = tpu.memref_squeeze %dma_start3A_226 : memref<1x128xi32, #tpu.memory_space<vmem>> -> memref<128xi32, #tpu.memory_space<vmem>>
        %dma_start3A_228 = arith.constant 0 : i32
        %dma_start3A_229 = arith.constant 0 : i32
        %dma_start3A_230 = tpu.memref_slice %arg2[%dma_start3A_228, %dma_start3A_229] : memref<10112x128xf32, #tpu.memory_space<hbm>> -> memref<10112x128xf32, #tpu.memory_space<hbm>>
        tpu.enqueue_indirect_dma source(%dma_start3A_230 : memref<10112x128xf32, #tpu.memory_space<hbm>>) target(%arg18 : memref<128x128xf32, #tpu.memory_space<vmem>>) offsets(%dma_start3A_227 : memref<128xi32, #tpu.memory_space<vmem>>) semaphore(%arg24 : memref<!tpu.dma_semaphore, #tpu.memory_space<semaphore_mem>>)
        %run_scoped3A_231 = arith.constant 0 : i32
        "tpu.region"() ({
          %run_scoped3A_247 = tpu.sem_alloc : memref<!tpu.dma_semaphore, #tpu.memory_space<semaphore_mem>>
          %dma_start3A_248 = arith.constant 0 : i32
          %dma_start3A_249 = tpu.memref_slice %arg16[%run_scoped3A_231, %dma_start3A_248] : memref<1x128xi32, #tpu.memory_space<vmem>> -> memref<1x128xi32, #tpu.memory_space<vmem>>
          %dma_start3A_250 = tpu.memref_squeeze %dma_start3A_249 : memref<1x128xi32, #tpu.memory_space<vmem>> -> memref<128xi32, #tpu.memory_space<vmem>>
          %dma_start3A_251 = arith.constant 0 : i32
          %dma_start3A_252 = arith.constant 0 : i32
          %dma_start3A_253 = tpu.memref_slice %arg22[%dma_start3A_251, %dma_start3A_252] : memref<5120x128xf32, #tpu.memory_space<vmem_shared>> -> memref<5120x128xf32, #tpu.memory_space<vmem_shared>>
          tpu.enqueue_indirect_dma source(%arg19 : memref<128x128xf32, #tpu.memory_space<vmem>>) target(%dma_start3A_253 : memref<5120x128xf32, #tpu.memory_space<vmem_shared>>) offsets(%dma_start3A_250 : memref<128xi32, #tpu.memory_space<vmem>>) semaphore(%run_scoped3A_247 : memref<!tpu.dma_semaphore, #tpu.memory_space<semaphore_mem>>) {add = true}
          %dma_wait3A_254 = arith.constant 0 : i32
          %dma_wait3A_255 = tpu.memref_slice %arg16[%run_scoped3A_231, %dma_wait3A_254] : memref<1x128xi32, #tpu.memory_space<vmem>> -> memref<1x128xi32, #tpu.memory_space<vmem>>
          %dma_wait3A_256 = tpu.memref_squeeze %dma_wait3A_255 : memref<1x128xi32, #tpu.memory_space<vmem>> -> memref<128xi32, #tpu.memory_space<vmem>>
          %dma_wait3A_257 = arith.constant 0 : i32
          %dma_wait3A_258 = arith.constant 0 : i32
          %dma_wait3A_259 = tpu.memref_slice %arg22[%dma_wait3A_257, %dma_wait3A_258] : memref<5120x128xf32, #tpu.memory_space<vmem_shared>> -> memref<5120x128xf32, #tpu.memory_space<vmem_shared>>
          tpu.wait_indirect_dma semaphore(%run_scoped3A_247 : memref<!tpu.dma_semaphore, #tpu.memory_space<semaphore_mem>>) src(%arg19 : memref<128x128xf32, #tpu.memory_space<vmem>>) dst(%dma_wait3A_259 : memref<5120x128xf32, #tpu.memory_space<vmem_shared>>)
          tpu.yield
        }) : () -> ()
        %add3A_232 = arith.constant 1 : i32
        %add3A_233 = arith.addi %add3A_199, %add3A_232 : i32
        %dma_start3A_234 = arith.constant 1 : i32
        %dma_start3A_235 = arith.constant 0 : i32
        %dma_start3A_236 = tpu.memref_slice %arg4[%dma_start3A_234, %arg1, %add3A_233, %dma_start3A_235] : memref<2x16x82x128xi32, #tpu.memory_space<hbm>> -> memref<1x1x1x128xi32, #tpu.memory_space<hbm>>
        %dma_start3A_237 = tpu.memref_squeeze %dma_start3A_236 : memref<1x1x1x128xi32, #tpu.memory_space<hbm>> -> memref<1x128xi32, #tpu.memory_space<hbm>>
        %dma_start3A_238 = arith.constant 0 : i32
        %dma_start3A_239 = tpu.memref_slice %arg4[%dma_start3A_234, %arg1, %add3A_233, %dma_start3A_238] : memref<2x16x82x128xi32, #tpu.memory_space<hbm>> -> memref<1x1x1x128xi32, #tpu.memory_space<hbm>>
        %dma_start3A_240 = tpu.memref_squeeze %dma_start3A_239 : memref<1x1x1x128xi32, #tpu.memory_space<hbm>> -> memref<1x128xi32, #tpu.memory_space<hbm>>
        tpu.enqueue_dma source(%dma_start3A_240 : memref<1x128xi32, #tpu.memory_space<hbm>>) target(%arg16 : memref<1x128xi32, #tpu.memory_space<vmem>>) target_semaphore(%arg27 : memref<!tpu.dma_semaphore, #tpu.memory_space<semaphore_mem>>)
        %dma_start3A_241 = arith.constant 0 : i32
        %dma_start3A_242 = tpu.memref_slice %arg5[%arg1, %add3A_233, %dma_start3A_241] : memref<16x82x128xi32, #tpu.memory_space<hbm>> -> memref<1x1x128xi32, #tpu.memory_space<hbm>>
        %dma_start3A_243 = tpu.memref_squeeze %dma_start3A_242 : memref<1x1x128xi32, #tpu.memory_space<hbm>> -> memref<1x128xi32, #tpu.memory_space<hbm>>
        %dma_start3A_244 = arith.constant 0 : i32
        %dma_start3A_245 = tpu.memref_slice %arg5[%arg1, %add3A_233, %dma_start3A_244] : memref<16x82x128xi32, #tpu.memory_space<hbm>> -> memref<1x1x128xi32, #tpu.memory_space<hbm>>
        %dma_start3A_246 = tpu.memref_squeeze %dma_start3A_245 : memref<1x1x128xi32, #tpu.memory_space<hbm>> -> memref<1x128xi32, #tpu.memory_space<hbm>>
        tpu.enqueue_dma source(%dma_start3A_246 : memref<1x128xi32, #tpu.memory_space<hbm>>) target(%arg17 : memref<1x128xi32, #tpu.memory_space<vmem>>) target_semaphore(%arg27 : memref<!tpu.dma_semaphore, #tpu.memory_space<semaphore_mem>>)
      }
      %scan3A_117 = arith.constant 40 : i32
      %dma_wait3A_118 = arith.constant 1 : i32
      %dma_wait3A_119 = arith.constant 0 : i32
      %dma_wait3A_120 = arith.constant 0 : i32
      %dma_wait3A_121 = tpu.memref_slice %arg4[%dma_wait3A_118, %arg1, %dma_wait3A_119, %dma_wait3A_120] : memref<2x16x82x128xi32, #tpu.memory_space<hbm>> -> memref<1x1x1x128xi32, #tpu.memory_space<hbm>>
      %dma_wait3A_122 = tpu.memref_squeeze %dma_wait3A_121 : memref<1x1x1x128xi32, #tpu.memory_space<hbm>> -> memref<1x128xi32, #tpu.memory_space<hbm>>
      %dma_wait3A_123 = arith.constant 0 : i32
      %dma_wait3A_124 = arith.constant 0 : i32
      %dma_wait3A_125 = tpu.memref_slice %arg4[%dma_wait3A_118, %arg1, %dma_wait3A_123, %dma_wait3A_124] : memref<2x16x82x128xi32, #tpu.memory_space<hbm>> -> memref<1x1x1x128xi32, #tpu.memory_space<hbm>>
      %dma_wait3A_126 = tpu.memref_squeeze %dma_wait3A_125 : memref<1x1x1x128xi32, #tpu.memory_space<hbm>> -> memref<1x128xi32, #tpu.memory_space<hbm>>
      tpu.wait_dma2 semaphore(%arg27 : memref<!tpu.dma_semaphore, #tpu.memory_space<semaphore_mem>>) src(%dma_wait3A_126 : memref<1x128xi32, #tpu.memory_space<hbm>>) dst(%arg16 : memref<1x128xi32, #tpu.memory_space<vmem>>)
      %dma_wait3A_127 = arith.constant 0 : i32
      %dma_wait3A_128 = arith.constant 0 : i32
      %dma_wait3A_129 = tpu.memref_slice %arg5[%arg1, %dma_wait3A_127, %dma_wait3A_128] : memref<16x82x128xi32, #tpu.memory_space<hbm>> -> memref<1x1x128xi32, #tpu.memory_space<hbm>>
      %dma_wait3A_130 = tpu.memref_squeeze %dma_wait3A_129 : memref<1x1x128xi32, #tpu.memory_space<hbm>> -> memref<1x128xi32, #tpu.memory_space<hbm>>
      %dma_wait3A_131 = arith.constant 0 : i32
      %dma_wait3A_132 = arith.constant 0 : i32
      %dma_wait3A_133 = tpu.memref_slice %arg5[%arg1, %dma_wait3A_131, %dma_wait3A_132] : memref<16x82x128xi32, #tpu.memory_space<hbm>> -> memref<1x1x128xi32, #tpu.memory_space<hbm>>
      %dma_wait3A_134 = tpu.memref_squeeze %dma_wait3A_133 : memref<1x1x128xi32, #tpu.memory_space<hbm>> -> memref<1x128xi32, #tpu.memory_space<hbm>>
      tpu.wait_dma2 semaphore(%arg27 : memref<!tpu.dma_semaphore, #tpu.memory_space<semaphore_mem>>) src(%dma_wait3A_134 : memref<1x128xi32, #tpu.memory_space<hbm>>) dst(%arg17 : memref<1x128xi32, #tpu.memory_space<vmem>>)
      %dma_wait3A_135 = arith.constant 0 : i32
      %dma_wait3A_136 = arith.constant 0 : i32
      %dma_wait3A_137 = tpu.memref_slice %arg15[%dma_wait3A_135, %dma_wait3A_136] : memref<1x128xi32, #tpu.memory_space<vmem>> -> memref<1x128xi32, #tpu.memory_space<vmem>>
      %dma_wait3A_138 = tpu.memref_squeeze %dma_wait3A_137 : memref<1x128xi32, #tpu.memory_space<vmem>> -> memref<128xi32, #tpu.memory_space<vmem>>
      %dma_wait3A_139 = arith.constant 0 : i32
      %dma_wait3A_140 = arith.constant 0 : i32
      %dma_wait3A_141 = tpu.memref_slice %arg2[%dma_wait3A_139, %dma_wait3A_140] : memref<10112x128xf32, #tpu.memory_space<hbm>> -> memref<10112x128xf32, #tpu.memory_space<hbm>>
      tpu.wait_indirect_dma semaphore(%arg24 : memref<!tpu.dma_semaphore, #tpu.memory_space<semaphore_mem>>) src(%dma_wait3A_141 : memref<10112x128xf32, #tpu.memory_space<hbm>>) dst(%arg18 : memref<128x128xf32, #tpu.memory_space<vmem>>)
      %barrier3A_142 = arith.constant 0 : index
      tpu.barrier barrier_id(%barrier3A_142)
      %mul3A_143 = arith.constant 320 : i32
      %mul3A_144 = arith.muli %arg1, %mul3A_143 : i32
      %mul3A_145 = arith.constant 320 : i32
      %mul3A_146 = arith.muli %arg1, %mul3A_145 : i32
      "tpu.region"() ({
        %run_scoped3A_147 = tpu.sem_alloc : memref<!tpu.dma_semaphore, #tpu.memory_space<semaphore_mem>>
        %dma_start3A_148 = arith.constant 0 : i32
        %dma_start3A_149 = tpu.memref_slice %arg9[%mul3A_146, %dma_start3A_148] : memref<5120x128xf32, #tpu.memory_space<hbm>> -> memref<320x128xf32, #tpu.memory_space<hbm>>
        %dma_start3A_150 = arith.constant 0 : i32
        %dma_start3A_151 = tpu.memref_slice %arg22[%mul3A_144, %dma_start3A_150] : memref<5120x128xf32, #tpu.memory_space<vmem_shared>> -> memref<320x128xf32, #tpu.memory_space<vmem_shared>>
        tpu.enqueue_dma source(%dma_start3A_151 : memref<320x128xf32, #tpu.memory_space<vmem_shared>>) target(%dma_start3A_149 : memref<320x128xf32, #tpu.memory_space<hbm>>) target_semaphore(%run_scoped3A_147 : memref<!tpu.dma_semaphore, #tpu.memory_space<semaphore_mem>>)
        %dma_wait3A_152 = arith.constant 0 : i32
        %dma_wait3A_153 = tpu.memref_slice %arg9[%mul3A_146, %dma_wait3A_152] : memref<5120x128xf32, #tpu.memory_space<hbm>> -> memref<320x128xf32, #tpu.memory_space<hbm>>
        %dma_wait3A_154 = arith.constant 0 : i32
        %dma_wait3A_155 = tpu.memref_slice %arg22[%mul3A_144, %dma_wait3A_154] : memref<5120x128xf32, #tpu.memory_space<vmem_shared>> -> memref<320x128xf32, #tpu.memory_space<vmem_shared>>
        tpu.wait_dma2 semaphore(%run_scoped3A_147 : memref<!tpu.dma_semaphore, #tpu.memory_space<semaphore_mem>>) src(%dma_wait3A_155 : memref<320x128xf32, #tpu.memory_space<vmem_shared>>) dst(%dma_wait3A_153 : memref<320x128xf32, #tpu.memory_space<hbm>>)
        tpu.yield
      }) : () -> ()
    } else {
    }
    %eq3A_11 = arith.constant 1 : i32
    %eq3A_12 = arith.cmpi eq, %arg0, %eq3A_11 : i32
    %convert_element_type3A_13 = arith.extui %eq3A_12 : i1 to i32
    %cond3A_14 = arith.constant 0 : i32
    %cond3A_15 = arith.cmpi ne, %convert_element_type3A_13, %cond3A_14 : i32
    scf.if %cond3A_15 {
      %mul3A_16 = arith.constant 320 : i32
      %mul3A_17 = arith.muli %arg1, %mul3A_16 : i32
      %mul3A_18 = arith.constant 320 : i32
      %mul3A_19 = arith.muli %arg1, %mul3A_18 : i32
      "tpu.region"() ({
        %run_scoped3A_147 = tpu.sem_alloc : memref<!tpu.dma_semaphore, #tpu.memory_space<semaphore_mem>>
        %dma_start3A_148 = arith.constant 0 : i32
        %dma_start3A_149 = tpu.memref_slice %arg22[%mul3A_19, %dma_start3A_148] : memref<5120x128xf32, #tpu.memory_space<vmem_shared>> -> memref<320x128xf32, #tpu.memory_space<vmem_shared>>
        %dma_start3A_150 = arith.constant 0 : i32
        %dma_start3A_151 = tpu.memref_slice %arg6[%mul3A_17, %dma_start3A_150] : memref<5120x128xf32, #tpu.memory_space<hbm>> -> memref<320x128xf32, #tpu.memory_space<hbm>>
        tpu.enqueue_dma source(%dma_start3A_151 : memref<320x128xf32, #tpu.memory_space<hbm>>) target(%dma_start3A_149 : memref<320x128xf32, #tpu.memory_space<vmem_shared>>) target_semaphore(%run_scoped3A_147 : memref<!tpu.dma_semaphore, #tpu.memory_space<semaphore_mem>>)
        %dma_wait3A_152 = arith.constant 0 : i32
        %dma_wait3A_153 = tpu.memref_slice %arg22[%mul3A_19, %dma_wait3A_152] : memref<5120x128xf32, #tpu.memory_space<vmem_shared>> -> memref<320x128xf32, #tpu.memory_space<vmem_shared>>
        %dma_wait3A_154 = arith.constant 0 : i32
        %dma_wait3A_155 = tpu.memref_slice %arg6[%mul3A_17, %dma_wait3A_154] : memref<5120x128xf32, #tpu.memory_space<hbm>> -> memref<320x128xf32, #tpu.memory_space<hbm>>
        tpu.wait_dma2 semaphore(%run_scoped3A_147 : memref<!tpu.dma_semaphore, #tpu.memory_space<semaphore_mem>>) src(%dma_wait3A_155 : memref<320x128xf32, #tpu.memory_space<hbm>>) dst(%dma_wait3A_153 : memref<320x128xf32, #tpu.memory_space<vmem_shared>>)
        tpu.yield
      }) : () -> ()
      %barrier3A = arith.constant 0 : index
      tpu.barrier barrier_id(%barrier3A)
      %run_scoped3A = arith.constant 0 : i32
      "tpu.region"() ({
        %run_scoped3A_147 = tpu.sem_alloc : memref<!tpu.dma_semaphore, #tpu.memory_space<semaphore_mem>>
        %dma_start3A_148 = arith.constant 0 : i32
        %dma_start3A_149 = arith.constant 0 : i32
        %dma_start3A_150 = tpu.memref_slice %arg4[%run_scoped3A, %arg1, %dma_start3A_148, %dma_start3A_149] : memref<2x16x82x128xi32, #tpu.memory_space<hbm>> -> memref<1x1x1x128xi32, #tpu.memory_space<hbm>>
        %dma_start3A_151 = tpu.memref_squeeze %dma_start3A_150 : memref<1x1x1x128xi32, #tpu.memory_space<hbm>> -> memref<1x128xi32, #tpu.memory_space<hbm>>
        %dma_start3A_152 = arith.constant 0 : i32
        %dma_start3A_153 = arith.constant 0 : i32
        %dma_start3A_154 = tpu.memref_slice %arg4[%run_scoped3A, %arg1, %dma_start3A_152, %dma_start3A_153] : memref<2x16x82x128xi32, #tpu.memory_space<hbm>> -> memref<1x1x1x128xi32, #tpu.memory_space<hbm>>
        %dma_start3A_155 = tpu.memref_squeeze %dma_start3A_154 : memref<1x1x1x128xi32, #tpu.memory_space<hbm>> -> memref<1x128xi32, #tpu.memory_space<hbm>>
        tpu.enqueue_dma source(%dma_start3A_155 : memref<1x128xi32, #tpu.memory_space<hbm>>) target(%arg14 : memref<1x128xi32, #tpu.memory_space<vmem>>) target_semaphore(%run_scoped3A_147 : memref<!tpu.dma_semaphore, #tpu.memory_space<semaphore_mem>>)
        %dma_wait3A_156 = arith.constant 0 : i32
        %dma_wait3A_157 = arith.constant 0 : i32
        %dma_wait3A_158 = tpu.memref_slice %arg4[%run_scoped3A, %arg1, %dma_wait3A_156, %dma_wait3A_157] : memref<2x16x82x128xi32, #tpu.memory_space<hbm>> -> memref<1x1x1x128xi32, #tpu.memory_space<hbm>>
        %dma_wait3A_159 = tpu.memref_squeeze %dma_wait3A_158 : memref<1x1x1x128xi32, #tpu.memory_space<hbm>> -> memref<1x128xi32, #tpu.memory_space<hbm>>
        %dma_wait3A_160 = arith.constant 0 : i32
        %dma_wait3A_161 = arith.constant 0 : i32
        %dma_wait3A_162 = tpu.memref_slice %arg4[%run_scoped3A, %arg1, %dma_wait3A_160, %dma_wait3A_161] : memref<2x16x82x128xi32, #tpu.memory_space<hbm>> -> memref<1x1x1x128xi32, #tpu.memory_space<hbm>>
        %dma_wait3A_163 = tpu.memref_squeeze %dma_wait3A_162 : memref<1x1x1x128xi32, #tpu.memory_space<hbm>> -> memref<1x128xi32, #tpu.memory_space<hbm>>
        tpu.wait_dma2 semaphore(%run_scoped3A_147 : memref<!tpu.dma_semaphore, #tpu.memory_space<semaphore_mem>>) src(%dma_wait3A_163 : memref<1x128xi32, #tpu.memory_space<hbm>>) dst(%arg14 : memref<1x128xi32, #tpu.memory_space<vmem>>)
        tpu.yield
      }) : () -> ()
      "tpu.region"() ({
        %run_scoped3A_147 = tpu.sem_alloc : memref<!tpu.dma_semaphore, #tpu.memory_space<semaphore_mem>>
        %dma_start3A_148 = arith.constant 0 : i32
        %dma_start3A_149 = arith.constant 0 : i32
        %dma_start3A_150 = tpu.memref_slice %arg5[%arg1, %dma_start3A_148, %dma_start3A_149] : memref<16x82x128xi32, #tpu.memory_space<hbm>> -> memref<1x1x128xi32, #tpu.memory_space<hbm>>
        %dma_start3A_151 = tpu.memref_squeeze %dma_start3A_150 : memref<1x1x128xi32, #tpu.memory_space<hbm>> -> memref<1x128xi32, #tpu.memory_space<hbm>>
        %dma_start3A_152 = arith.constant 0 : i32
        %dma_start3A_153 = arith.constant 0 : i32
        %dma_start3A_154 = tpu.memref_slice %arg5[%arg1, %dma_start3A_152, %dma_start3A_153] : memref<16x82x128xi32, #tpu.memory_space<hbm>> -> memref<1x1x128xi32, #tpu.memory_space<hbm>>
        %dma_start3A_155 = tpu.memref_squeeze %dma_start3A_154 : memref<1x1x128xi32, #tpu.memory_space<hbm>> -> memref<1x128xi32, #tpu.memory_space<hbm>>
        tpu.enqueue_dma source(%dma_start3A_155 : memref<1x128xi32, #tpu.memory_space<hbm>>) target(%arg15 : memref<1x128xi32, #tpu.memory_space<vmem>>) target_semaphore(%run_scoped3A_147 : memref<!tpu.dma_semaphore, #tpu.memory_space<semaphore_mem>>)
        %dma_wait3A_156 = arith.constant 0 : i32
        %dma_wait3A_157 = arith.constant 0 : i32
        %dma_wait3A_158 = tpu.memref_slice %arg5[%arg1, %dma_wait3A_156, %dma_wait3A_157] : memref<16x82x128xi32, #tpu.memory_space<hbm>> -> memref<1x1x128xi32, #tpu.memory_space<hbm>>
        %dma_wait3A_159 = tpu.memref_squeeze %dma_wait3A_158 : memref<1x1x128xi32, #tpu.memory_space<hbm>> -> memref<1x128xi32, #tpu.memory_space<hbm>>
        %dma_wait3A_160 = arith.constant 0 : i32
        %dma_wait3A_161 = arith.constant 0 : i32
        %dma_wait3A_162 = tpu.memref_slice %arg5[%arg1, %dma_wait3A_160, %dma_wait3A_161] : memref<16x82x128xi32, #tpu.memory_space<hbm>> -> memref<1x1x128xi32, #tpu.memory_space<hbm>>
        %dma_wait3A_163 = tpu.memref_squeeze %dma_wait3A_162 : memref<1x1x128xi32, #tpu.memory_space<hbm>> -> memref<1x128xi32, #tpu.memory_space<hbm>>
        tpu.wait_dma2 semaphore(%run_scoped3A_147 : memref<!tpu.dma_semaphore, #tpu.memory_space<semaphore_mem>>) src(%dma_wait3A_163 : memref<1x128xi32, #tpu.memory_space<hbm>>) dst(%arg15 : memref<1x128xi32, #tpu.memory_space<vmem>>)
        tpu.yield
      }) : () -> ()
      %dma_start3A = arith.constant 0 : i32
      %dma_start3A_20 = arith.constant 0 : i32
      %dma_start3A_21 = tpu.memref_slice %arg15[%dma_start3A, %dma_start3A_20] : memref<1x128xi32, #tpu.memory_space<vmem>> -> memref<1x128xi32, #tpu.memory_space<vmem>>
      %dma_start3A_22 = tpu.memref_squeeze %dma_start3A_21 : memref<1x128xi32, #tpu.memory_space<vmem>> -> memref<128xi32, #tpu.memory_space<vmem>>
      %dma_start3A_23 = arith.constant 0 : i32
      %dma_start3A_24 = arith.constant 0 : i32
      %dma_start3A_25 = tpu.memref_slice %arg3[%dma_start3A_23, %dma_start3A_24] : memref<10112x128xf32, #tpu.memory_space<hbm>> -> memref<10112x128xf32, #tpu.memory_space<hbm>>
      tpu.enqueue_indirect_dma source(%dma_start3A_25 : memref<10112x128xf32, #tpu.memory_space<hbm>>) target(%arg18 : memref<128x128xf32, #tpu.memory_space<vmem>>) offsets(%dma_start3A_22 : memref<128xi32, #tpu.memory_space<vmem>>) semaphore(%arg24 : memref<!tpu.dma_semaphore, #tpu.memory_space<semaphore_mem>>)
      %dma_start3A_26 = arith.constant 0 : i32
      %dma_start3A_27 = arith.constant 1 : i32
      %dma_start3A_28 = arith.constant 0 : i32
      %dma_start3A_29 = tpu.memref_slice %arg4[%dma_start3A_26, %arg1, %dma_start3A_27, %dma_start3A_28] : memref<2x16x82x128xi32, #tpu.memory_space<hbm>> -> memref<1x1x1x128xi32, #tpu.memory_space<hbm>>
      %dma_start3A_30 = tpu.memref_squeeze %dma_start3A_29 : memref<1x1x1x128xi32, #tpu.memory_space<hbm>> -> memref<1x128xi32, #tpu.memory_space<hbm>>
      %dma_start3A_31 = arith.constant 1 : i32
      %dma_start3A_32 = arith.constant 0 : i32
      %dma_start3A_33 = tpu.memref_slice %arg4[%dma_start3A_26, %arg1, %dma_start3A_31, %dma_start3A_32] : memref<2x16x82x128xi32, #tpu.memory_space<hbm>> -> memref<1x1x1x128xi32, #tpu.memory_space<hbm>>
      %dma_start3A_34 = tpu.memref_squeeze %dma_start3A_33 : memref<1x1x1x128xi32, #tpu.memory_space<hbm>> -> memref<1x128xi32, #tpu.memory_space<hbm>>
      tpu.enqueue_dma source(%dma_start3A_34 : memref<1x128xi32, #tpu.memory_space<hbm>>) target(%arg16 : memref<1x128xi32, #tpu.memory_space<vmem>>) target_semaphore(%arg27 : memref<!tpu.dma_semaphore, #tpu.memory_space<semaphore_mem>>)
      %dma_start3A_35 = arith.constant 1 : i32
      %dma_start3A_36 = arith.constant 0 : i32
      %dma_start3A_37 = tpu.memref_slice %arg5[%arg1, %dma_start3A_35, %dma_start3A_36] : memref<16x82x128xi32, #tpu.memory_space<hbm>> -> memref<1x1x128xi32, #tpu.memory_space<hbm>>
      %dma_start3A_38 = tpu.memref_squeeze %dma_start3A_37 : memref<1x1x128xi32, #tpu.memory_space<hbm>> -> memref<1x128xi32, #tpu.memory_space<hbm>>
      %dma_start3A_39 = arith.constant 1 : i32
      %dma_start3A_40 = arith.constant 0 : i32
      %dma_start3A_41 = tpu.memref_slice %arg5[%arg1, %dma_start3A_39, %dma_start3A_40] : memref<16x82x128xi32, #tpu.memory_space<hbm>> -> memref<1x1x128xi32, #tpu.memory_space<hbm>>
      %dma_start3A_42 = tpu.memref_squeeze %dma_start3A_41 : memref<1x1x128xi32, #tpu.memory_space<hbm>> -> memref<1x128xi32, #tpu.memory_space<hbm>>
      tpu.enqueue_dma source(%dma_start3A_42 : memref<1x128xi32, #tpu.memory_space<hbm>>) target(%arg17 : memref<1x128xi32, #tpu.memory_space<vmem>>) target_semaphore(%arg27 : memref<!tpu.dma_semaphore, #tpu.memory_space<semaphore_mem>>)
      %scan3A_43 = arith.constant 0 : i32
      %scan3A_44 = arith.constant 0 : i32
      %scan3A_45 = arith.constant 40 : i32
      %scan3A_46 = arith.addi %scan3A_44, %scan3A_45 : i32
      %scan3A_47 = arith.constant 1 : i32
      scf.for %scan3A_147 = %scan3A_44 to %scan3A_46 step %scan3A_47  : i32 {
        %mul3A_148 = arith.constant 2 : i32
        %mul3A_149 = arith.muli %mul3A_148, %scan3A_147 : i32
        %add3A = arith.constant 1 : i32
        %add3A_150 = arith.addi %mul3A_149, %add3A : i32
        %dma_wait3A_151 = arith.constant 0 : i32
        %dma_wait3A_152 = arith.constant 0 : i32
        %dma_wait3A_153 = arith.constant 0 : i32
        %dma_wait3A_154 = tpu.memref_slice %arg4[%dma_wait3A_151, %arg1, %dma_wait3A_152, %dma_wait3A_153] : memref<2x16x82x128xi32, #tpu.memory_space<hbm>> -> memref<1x1x1x128xi32, #tpu.memory_space<hbm>>
        %dma_wait3A_155 = tpu.memref_squeeze %dma_wait3A_154 : memref<1x1x1x128xi32, #tpu.memory_space<hbm>> -> memref<1x128xi32, #tpu.memory_space<hbm>>
        %dma_wait3A_156 = arith.constant 0 : i32
        %dma_wait3A_157 = arith.constant 0 : i32
        %dma_wait3A_158 = tpu.memref_slice %arg4[%dma_wait3A_151, %arg1, %dma_wait3A_156, %dma_wait3A_157] : memref<2x16x82x128xi32, #tpu.memory_space<hbm>> -> memref<1x1x1x128xi32, #tpu.memory_space<hbm>>
        %dma_wait3A_159 = tpu.memref_squeeze %dma_wait3A_158 : memref<1x1x1x128xi32, #tpu.memory_space<hbm>> -> memref<1x128xi32, #tpu.memory_space<hbm>>
        tpu.wait_dma2 semaphore(%arg27 : memref<!tpu.dma_semaphore, #tpu.memory_space<semaphore_mem>>) src(%dma_wait3A_159 : memref<1x128xi32, #tpu.memory_space<hbm>>) dst(%arg16 : memref<1x128xi32, #tpu.memory_space<vmem>>)
        %dma_wait3A_160 = arith.constant 0 : i32
        %dma_wait3A_161 = arith.constant 0 : i32
        %dma_wait3A_162 = tpu.memref_slice %arg5[%arg1, %dma_wait3A_160, %dma_wait3A_161] : memref<16x82x128xi32, #tpu.memory_space<hbm>> -> memref<1x1x128xi32, #tpu.memory_space<hbm>>
        %dma_wait3A_163 = tpu.memref_squeeze %dma_wait3A_162 : memref<1x1x128xi32, #tpu.memory_space<hbm>> -> memref<1x128xi32, #tpu.memory_space<hbm>>
        %dma_wait3A_164 = arith.constant 0 : i32
        %dma_wait3A_165 = arith.constant 0 : i32
        %dma_wait3A_166 = tpu.memref_slice %arg5[%arg1, %dma_wait3A_164, %dma_wait3A_165] : memref<16x82x128xi32, #tpu.memory_space<hbm>> -> memref<1x1x128xi32, #tpu.memory_space<hbm>>
        %dma_wait3A_167 = tpu.memref_squeeze %dma_wait3A_166 : memref<1x1x128xi32, #tpu.memory_space<hbm>> -> memref<1x128xi32, #tpu.memory_space<hbm>>
        tpu.wait_dma2 semaphore(%arg27 : memref<!tpu.dma_semaphore, #tpu.memory_space<semaphore_mem>>) src(%dma_wait3A_167 : memref<1x128xi32, #tpu.memory_space<hbm>>) dst(%arg17 : memref<1x128xi32, #tpu.memory_space<vmem>>)
        %dma_wait3A_168 = arith.constant 0 : i32
        %dma_wait3A_169 = arith.constant 0 : i32
        %dma_wait3A_170 = tpu.memref_slice %arg15[%dma_wait3A_168, %dma_wait3A_169] : memref<1x128xi32, #tpu.memory_space<vmem>> -> memref<1x128xi32, #tpu.memory_space<vmem>>
        %dma_wait3A_171 = tpu.memref_squeeze %dma_wait3A_170 : memref<1x128xi32, #tpu.memory_space<vmem>> -> memref<128xi32, #tpu.memory_space<vmem>>
        %dma_wait3A_172 = arith.constant 0 : i32
        %dma_wait3A_173 = arith.constant 0 : i32
        %dma_wait3A_174 = tpu.memref_slice %arg3[%dma_wait3A_172, %dma_wait3A_173] : memref<10112x128xf32, #tpu.memory_space<hbm>> -> memref<10112x128xf32, #tpu.memory_space<hbm>>
        tpu.wait_indirect_dma semaphore(%arg24 : memref<!tpu.dma_semaphore, #tpu.memory_space<semaphore_mem>>) src(%dma_wait3A_174 : memref<10112x128xf32, #tpu.memory_space<hbm>>) dst(%arg18 : memref<128x128xf32, #tpu.memory_space<vmem>>)
        %dma_start3A_175 = arith.constant 0 : i32
        %dma_start3A_176 = arith.constant 0 : i32
        %dma_start3A_177 = tpu.memref_slice %arg17[%dma_start3A_175, %dma_start3A_176] : memref<1x128xi32, #tpu.memory_space<vmem>> -> memref<1x128xi32, #tpu.memory_space<vmem>>
        %dma_start3A_178 = tpu.memref_squeeze %dma_start3A_177 : memref<1x128xi32, #tpu.memory_space<vmem>> -> memref<128xi32, #tpu.memory_space<vmem>>
        %dma_start3A_179 = arith.constant 0 : i32
        %dma_start3A_180 = arith.constant 0 : i32
        %dma_start3A_181 = tpu.memref_slice %arg3[%dma_start3A_179, %dma_start3A_180] : memref<10112x128xf32, #tpu.memory_space<hbm>> -> memref<10112x128xf32, #tpu.memory_space<hbm>>
        tpu.enqueue_indirect_dma source(%dma_start3A_181 : memref<10112x128xf32, #tpu.memory_space<hbm>>) target(%arg19 : memref<128x128xf32, #tpu.memory_space<vmem>>) offsets(%dma_start3A_178 : memref<128xi32, #tpu.memory_space<vmem>>) semaphore(%arg25 : memref<!tpu.dma_semaphore, #tpu.memory_space<semaphore_mem>>)
        %run_scoped3A_182 = arith.constant 0 : i32
        "tpu.region"() ({
          %run_scoped3A_247 = tpu.sem_alloc : memref<!tpu.dma_semaphore, #tpu.memory_space<semaphore_mem>>
          %dma_start3A_248 = arith.constant 0 : i32
          %dma_start3A_249 = tpu.memref_slice %arg14[%run_scoped3A_182, %dma_start3A_248] : memref<1x128xi32, #tpu.memory_space<vmem>> -> memref<1x128xi32, #tpu.memory_space<vmem>>
          %dma_start3A_250 = tpu.memref_squeeze %dma_start3A_249 : memref<1x128xi32, #tpu.memory_space<vmem>> -> memref<128xi32, #tpu.memory_space<vmem>>
          %dma_start3A_251 = arith.constant 0 : i32
          %dma_start3A_252 = arith.constant 0 : i32
          %dma_start3A_253 = tpu.memref_slice %arg22[%dma_start3A_251, %dma_start3A_252] : memref<5120x128xf32, #tpu.memory_space<vmem_shared>> -> memref<5120x128xf32, #tpu.memory_space<vmem_shared>>
          tpu.enqueue_indirect_dma source(%arg18 : memref<128x128xf32, #tpu.memory_space<vmem>>) target(%dma_start3A_253 : memref<5120x128xf32, #tpu.memory_space<vmem_shared>>) offsets(%dma_start3A_250 : memref<128xi32, #tpu.memory_space<vmem>>) semaphore(%run_scoped3A_247 : memref<!tpu.dma_semaphore, #tpu.memory_space<semaphore_mem>>) {add = true}
          %dma_wait3A_254 = arith.constant 0 : i32
          %dma_wait3A_255 = tpu.memref_slice %arg14[%run_scoped3A_182, %dma_wait3A_254] : memref<1x128xi32, #tpu.memory_space<vmem>> -> memref<1x128xi32, #tpu.memory_space<vmem>>
          %dma_wait3A_256 = tpu.memref_squeeze %dma_wait3A_255 : memref<1x128xi32, #tpu.memory_space<vmem>> -> memref<128xi32, #tpu.memory_space<vmem>>
          %dma_wait3A_257 = arith.constant 0 : i32
          %dma_wait3A_258 = arith.constant 0 : i32
          %dma_wait3A_259 = tpu.memref_slice %arg22[%dma_wait3A_257, %dma_wait3A_258] : memref<5120x128xf32, #tpu.memory_space<vmem_shared>> -> memref<5120x128xf32, #tpu.memory_space<vmem_shared>>
          tpu.wait_indirect_dma semaphore(%run_scoped3A_247 : memref<!tpu.dma_semaphore, #tpu.memory_space<semaphore_mem>>) src(%arg18 : memref<128x128xf32, #tpu.memory_space<vmem>>) dst(%dma_wait3A_259 : memref<5120x128xf32, #tpu.memory_space<vmem_shared>>)
          tpu.yield
        }) : () -> ()
        %add3A_183 = arith.constant 1 : i32
        %add3A_184 = arith.addi %add3A_150, %add3A_183 : i32
        %dma_start3A_185 = arith.constant 0 : i32
        %dma_start3A_186 = arith.constant 0 : i32
        %dma_start3A_187 = tpu.memref_slice %arg4[%dma_start3A_185, %arg1, %add3A_184, %dma_start3A_186] : memref<2x16x82x128xi32, #tpu.memory_space<hbm>> -> memref<1x1x1x128xi32, #tpu.memory_space<hbm>>
        %dma_start3A_188 = tpu.memref_squeeze %dma_start3A_187 : memref<1x1x1x128xi32, #tpu.memory_space<hbm>> -> memref<1x128xi32, #tpu.memory_space<hbm>>
        %dma_start3A_189 = arith.constant 0 : i32
        %dma_start3A_190 = tpu.memref_slice %arg4[%dma_start3A_185, %arg1, %add3A_184, %dma_start3A_189] : memref<2x16x82x128xi32, #tpu.memory_space<hbm>> -> memref<1x1x1x128xi32, #tpu.memory_space<hbm>>
        %dma_start3A_191 = tpu.memref_squeeze %dma_start3A_190 : memref<1x1x1x128xi32, #tpu.memory_space<hbm>> -> memref<1x128xi32, #tpu.memory_space<hbm>>
        tpu.enqueue_dma source(%dma_start3A_191 : memref<1x128xi32, #tpu.memory_space<hbm>>) target(%arg14 : memref<1x128xi32, #tpu.memory_space<vmem>>) target_semaphore(%arg26 : memref<!tpu.dma_semaphore, #tpu.memory_space<semaphore_mem>>)
        %dma_start3A_192 = arith.constant 0 : i32
        %dma_start3A_193 = tpu.memref_slice %arg5[%arg1, %add3A_184, %dma_start3A_192] : memref<16x82x128xi32, #tpu.memory_space<hbm>> -> memref<1x1x128xi32, #tpu.memory_space<hbm>>
        %dma_start3A_194 = tpu.memref_squeeze %dma_start3A_193 : memref<1x1x128xi32, #tpu.memory_space<hbm>> -> memref<1x128xi32, #tpu.memory_space<hbm>>
        %dma_start3A_195 = arith.constant 0 : i32
        %dma_start3A_196 = tpu.memref_slice %arg5[%arg1, %add3A_184, %dma_start3A_195] : memref<16x82x128xi32, #tpu.memory_space<hbm>> -> memref<1x1x128xi32, #tpu.memory_space<hbm>>
        %dma_start3A_197 = tpu.memref_squeeze %dma_start3A_196 : memref<1x1x128xi32, #tpu.memory_space<hbm>> -> memref<1x128xi32, #tpu.memory_space<hbm>>
        tpu.enqueue_dma source(%dma_start3A_197 : memref<1x128xi32, #tpu.memory_space<hbm>>) target(%arg15 : memref<1x128xi32, #tpu.memory_space<vmem>>) target_semaphore(%arg26 : memref<!tpu.dma_semaphore, #tpu.memory_space<semaphore_mem>>)
        %add3A_198 = arith.constant 2 : i32
        %add3A_199 = arith.addi %mul3A_149, %add3A_198 : i32
        %dma_wait3A_200 = arith.constant 0 : i32
        %dma_wait3A_201 = arith.constant 0 : i32
        %dma_wait3A_202 = arith.constant 0 : i32
        %dma_wait3A_203 = tpu.memref_slice %arg4[%dma_wait3A_200, %arg1, %dma_wait3A_201, %dma_wait3A_202] : memref<2x16x82x128xi32, #tpu.memory_space<hbm>> -> memref<1x1x1x128xi32, #tpu.memory_space<hbm>>
        %dma_wait3A_204 = tpu.memref_squeeze %dma_wait3A_203 : memref<1x1x1x128xi32, #tpu.memory_space<hbm>> -> memref<1x128xi32, #tpu.memory_space<hbm>>
        %dma_wait3A_205 = arith.constant 0 : i32
        %dma_wait3A_206 = arith.constant 0 : i32
        %dma_wait3A_207 = tpu.memref_slice %arg4[%dma_wait3A_200, %arg1, %dma_wait3A_205, %dma_wait3A_206] : memref<2x16x82x128xi32, #tpu.memory_space<hbm>> -> memref<1x1x1x128xi32, #tpu.memory_space<hbm>>
        %dma_wait3A_208 = tpu.memref_squeeze %dma_wait3A_207 : memref<1x1x1x128xi32, #tpu.memory_space<hbm>> -> memref<1x128xi32, #tpu.memory_space<hbm>>
        tpu.wait_dma2 semaphore(%arg26 : memref<!tpu.dma_semaphore, #tpu.memory_space<semaphore_mem>>) src(%dma_wait3A_208 : memref<1x128xi32, #tpu.memory_space<hbm>>) dst(%arg14 : memref<1x128xi32, #tpu.memory_space<vmem>>)
        %dma_wait3A_209 = arith.constant 0 : i32
        %dma_wait3A_210 = arith.constant 0 : i32
        %dma_wait3A_211 = tpu.memref_slice %arg5[%arg1, %dma_wait3A_209, %dma_wait3A_210] : memref<16x82x128xi32, #tpu.memory_space<hbm>> -> memref<1x1x128xi32, #tpu.memory_space<hbm>>
        %dma_wait3A_212 = tpu.memref_squeeze %dma_wait3A_211 : memref<1x1x128xi32, #tpu.memory_space<hbm>> -> memref<1x128xi32, #tpu.memory_space<hbm>>
        %dma_wait3A_213 = arith.constant 0 : i32
        %dma_wait3A_214 = arith.constant 0 : i32
        %dma_wait3A_215 = tpu.memref_slice %arg5[%arg1, %dma_wait3A_213, %dma_wait3A_214] : memref<16x82x128xi32, #tpu.memory_space<hbm>> -> memref<1x1x128xi32, #tpu.memory_space<hbm>>
        %dma_wait3A_216 = tpu.memref_squeeze %dma_wait3A_215 : memref<1x1x128xi32, #tpu.memory_space<hbm>> -> memref<1x128xi32, #tpu.memory_space<hbm>>
        tpu.wait_dma2 semaphore(%arg26 : memref<!tpu.dma_semaphore, #tpu.memory_space<semaphore_mem>>) src(%dma_wait3A_216 : memref<1x128xi32, #tpu.memory_space<hbm>>) dst(%arg15 : memref<1x128xi32, #tpu.memory_space<vmem>>)
        %dma_wait3A_217 = arith.constant 0 : i32
        %dma_wait3A_218 = arith.constant 0 : i32
        %dma_wait3A_219 = tpu.memref_slice %arg17[%dma_wait3A_217, %dma_wait3A_218] : memref<1x128xi32, #tpu.memory_space<vmem>> -> memref<1x128xi32, #tpu.memory_space<vmem>>
        %dma_wait3A_220 = tpu.memref_squeeze %dma_wait3A_219 : memref<1x128xi32, #tpu.memory_space<vmem>> -> memref<128xi32, #tpu.memory_space<vmem>>
        %dma_wait3A_221 = arith.constant 0 : i32
        %dma_wait3A_222 = arith.constant 0 : i32
        %dma_wait3A_223 = tpu.memref_slice %arg3[%dma_wait3A_221, %dma_wait3A_222] : memref<10112x128xf32, #tpu.memory_space<hbm>> -> memref<10112x128xf32, #tpu.memory_space<hbm>>
        tpu.wait_indirect_dma semaphore(%arg25 : memref<!tpu.dma_semaphore, #tpu.memory_space<semaphore_mem>>) src(%dma_wait3A_223 : memref<10112x128xf32, #tpu.memory_space<hbm>>) dst(%arg19 : memref<128x128xf32, #tpu.memory_space<vmem>>)
        %dma_start3A_224 = arith.constant 0 : i32
        %dma_start3A_225 = arith.constant 0 : i32
        %dma_start3A_226 = tpu.memref_slice %arg15[%dma_start3A_224, %dma_start3A_225] : memref<1x128xi32, #tpu.memory_space<vmem>> -> memref<1x128xi32, #tpu.memory_space<vmem>>
        %dma_start3A_227 = tpu.memref_squeeze %dma_start3A_226 : memref<1x128xi32, #tpu.memory_space<vmem>> -> memref<128xi32, #tpu.memory_space<vmem>>
        %dma_start3A_228 = arith.constant 0 : i32
        %dma_start3A_229 = arith.constant 0 : i32
        %dma_start3A_230 = tpu.memref_slice %arg3[%dma_start3A_228, %dma_start3A_229] : memref<10112x128xf32, #tpu.memory_space<hbm>> -> memref<10112x128xf32, #tpu.memory_space<hbm>>
        tpu.enqueue_indirect_dma source(%dma_start3A_230 : memref<10112x128xf32, #tpu.memory_space<hbm>>) target(%arg18 : memref<128x128xf32, #tpu.memory_space<vmem>>) offsets(%dma_start3A_227 : memref<128xi32, #tpu.memory_space<vmem>>) semaphore(%arg24 : memref<!tpu.dma_semaphore, #tpu.memory_space<semaphore_mem>>)
        %run_scoped3A_231 = arith.constant 0 : i32
        "tpu.region"() ({
          %run_scoped3A_247 = tpu.sem_alloc : memref<!tpu.dma_semaphore, #tpu.memory_space<semaphore_mem>>
          %dma_start3A_248 = arith.constant 0 : i32
          %dma_start3A_249 = tpu.memref_slice %arg16[%run_scoped3A_231, %dma_start3A_248] : memref<1x128xi32, #tpu.memory_space<vmem>> -> memref<1x128xi32, #tpu.memory_space<vmem>>
          %dma_start3A_250 = tpu.memref_squeeze %dma_start3A_249 : memref<1x128xi32, #tpu.memory_space<vmem>> -> memref<128xi32, #tpu.memory_space<vmem>>
          %dma_start3A_251 = arith.constant 0 : i32
          %dma_start3A_252 = arith.constant 0 : i32
          %dma_start3A_253 = tpu.memref_slice %arg22[%dma_start3A_251, %dma_start3A_252] : memref<5120x128xf32, #tpu.memory_space<vmem_shared>> -> memref<5120x128xf32, #tpu.memory_space<vmem_shared>>
          tpu.enqueue_indirect_dma source(%arg19 : memref<128x128xf32, #tpu.memory_space<vmem>>) target(%dma_start3A_253 : memref<5120x128xf32, #tpu.memory_space<vmem_shared>>) offsets(%dma_start3A_250 : memref<128xi32, #tpu.memory_space<vmem>>) semaphore(%run_scoped3A_247 : memref<!tpu.dma_semaphore, #tpu.memory_space<semaphore_mem>>) {add = true}
          %dma_wait3A_254 = arith.constant 0 : i32
          %dma_wait3A_255 = tpu.memref_slice %arg16[%run_scoped3A_231, %dma_wait3A_254] : memref<1x128xi32, #tpu.memory_space<vmem>> -> memref<1x128xi32, #tpu.memory_space<vmem>>
          %dma_wait3A_256 = tpu.memref_squeeze %dma_wait3A_255 : memref<1x128xi32, #tpu.memory_space<vmem>> -> memref<128xi32, #tpu.memory_space<vmem>>
          %dma_wait3A_257 = arith.constant 0 : i32
          %dma_wait3A_258 = arith.constant 0 : i32
          %dma_wait3A_259 = tpu.memref_slice %arg22[%dma_wait3A_257, %dma_wait3A_258] : memref<5120x128xf32, #tpu.memory_space<vmem_shared>> -> memref<5120x128xf32, #tpu.memory_space<vmem_shared>>
          tpu.wait_indirect_dma semaphore(%run_scoped3A_247 : memref<!tpu.dma_semaphore, #tpu.memory_space<semaphore_mem>>) src(%arg19 : memref<128x128xf32, #tpu.memory_space<vmem>>) dst(%dma_wait3A_259 : memref<5120x128xf32, #tpu.memory_space<vmem_shared>>)
          tpu.yield
        }) : () -> ()
        %add3A_232 = arith.constant 1 : i32
        %add3A_233 = arith.addi %add3A_199, %add3A_232 : i32
        %dma_start3A_234 = arith.constant 0 : i32
        %dma_start3A_235 = arith.constant 0 : i32
        %dma_start3A_236 = tpu.memref_slice %arg4[%dma_start3A_234, %arg1, %add3A_233, %dma_start3A_235] : memref<2x16x82x128xi32, #tpu.memory_space<hbm>> -> memref<1x1x1x128xi32, #tpu.memory_space<hbm>>
        %dma_start3A_237 = tpu.memref_squeeze %dma_start3A_236 : memref<1x1x1x128xi32, #tpu.memory_space<hbm>> -> memref<1x128xi32, #tpu.memory_space<hbm>>
        %dma_start3A_238 = arith.constant 0 : i32
        %dma_start3A_239 = tpu.memref_slice %arg4[%dma_start3A_234, %arg1, %add3A_233, %dma_start3A_238] : memref<2x16x82x128xi32, #tpu.memory_space<hbm>> -> memref<1x1x1x128xi32, #tpu.memory_space<hbm>>
        %dma_start3A_240 = tpu.memref_squeeze %dma_start3A_239 : memref<1x1x1x128xi32, #tpu.memory_space<hbm>> -> memref<1x128xi32, #tpu.memory_space<hbm>>
        tpu.enqueue_dma source(%dma_start3A_240 : memref<1x128xi32, #tpu.memory_space<hbm>>) target(%arg16 : memref<1x128xi32, #tpu.memory_space<vmem>>) target_semaphore(%arg27 : memref<!tpu.dma_semaphore, #tpu.memory_space<semaphore_mem>>)
        %dma_start3A_241 = arith.constant 0 : i32
        %dma_start3A_242 = tpu.memref_slice %arg5[%arg1, %add3A_233, %dma_start3A_241] : memref<16x82x128xi32, #tpu.memory_space<hbm>> -> memref<1x1x128xi32, #tpu.memory_space<hbm>>
        %dma_start3A_243 = tpu.memref_squeeze %dma_start3A_242 : memref<1x1x128xi32, #tpu.memory_space<hbm>> -> memref<1x128xi32, #tpu.memory_space<hbm>>
        %dma_start3A_244 = arith.constant 0 : i32
        %dma_start3A_245 = tpu.memref_slice %arg5[%arg1, %add3A_233, %dma_start3A_244] : memref<16x82x128xi32, #tpu.memory_space<hbm>> -> memref<1x1x128xi32, #tpu.memory_space<hbm>>
        %dma_start3A_246 = tpu.memref_squeeze %dma_start3A_245 : memref<1x1x128xi32, #tpu.memory_space<hbm>> -> memref<1x128xi32, #tpu.memory_space<hbm>>
        tpu.enqueue_dma source(%dma_start3A_246 : memref<1x128xi32, #tpu.memory_space<hbm>>) target(%arg17 : memref<1x128xi32, #tpu.memory_space<vmem>>) target_semaphore(%arg27 : memref<!tpu.dma_semaphore, #tpu.memory_space<semaphore_mem>>)
      }
      %scan3A_48 = arith.constant 40 : i32
      %dma_wait3A = arith.constant 0 : i32
      %dma_wait3A_49 = arith.constant 0 : i32
      %dma_wait3A_50 = arith.constant 0 : i32
      %dma_wait3A_51 = tpu.memref_slice %arg4[%dma_wait3A, %arg1, %dma_wait3A_49, %dma_wait3A_50] : memref<2x16x82x128xi32, #tpu.memory_space<hbm>> -> memref<1x1x1x128xi32, #tpu.memory_space<hbm>>
      %dma_wait3A_52 = tpu.memref_squeeze %dma_wait3A_51 : memref<1x1x1x128xi32, #tpu.memory_space<hbm>> -> memref<1x128xi32, #tpu.memory_space<hbm>>
      %dma_wait3A_53 = arith.constant 0 : i32
      %dma_wait3A_54 = arith.constant 0 : i32
      %dma_wait3A_55 = tpu.memref_slice %arg4[%dma_wait3A, %arg1, %dma_wait3A_53, %dma_wait3A_54] : memref<2x16x82x128xi32, #tpu.memory_space<hbm>> -> memref<1x1x1x128xi32, #tpu.memory_space<hbm>>
      %dma_wait3A_56 = tpu.memref_squeeze %dma_wait3A_55 : memref<1x1x1x128xi32, #tpu.memory_space<hbm>> -> memref<1x128xi32, #tpu.memory_space<hbm>>
      tpu.wait_dma2 semaphore(%arg27 : memref<!tpu.dma_semaphore, #tpu.memory_space<semaphore_mem>>) src(%dma_wait3A_56 : memref<1x128xi32, #tpu.memory_space<hbm>>) dst(%arg16 : memref<1x128xi32, #tpu.memory_space<vmem>>)
      %dma_wait3A_57 = arith.constant 0 : i32
      %dma_wait3A_58 = arith.constant 0 : i32
      %dma_wait3A_59 = tpu.memref_slice %arg5[%arg1, %dma_wait3A_57, %dma_wait3A_58] : memref<16x82x128xi32, #tpu.memory_space<hbm>> -> memref<1x1x128xi32, #tpu.memory_space<hbm>>
      %dma_wait3A_60 = tpu.memref_squeeze %dma_wait3A_59 : memref<1x1x128xi32, #tpu.memory_space<hbm>> -> memref<1x128xi32, #tpu.memory_space<hbm>>
      %dma_wait3A_61 = arith.constant 0 : i32
      %dma_wait3A_62 = arith.constant 0 : i32
      %dma_wait3A_63 = tpu.memref_slice %arg5[%arg1, %dma_wait3A_61, %dma_wait3A_62] : memref<16x82x128xi32, #tpu.memory_space<hbm>> -> memref<1x1x128xi32, #tpu.memory_space<hbm>>
      %dma_wait3A_64 = tpu.memref_squeeze %dma_wait3A_63 : memref<1x1x128xi32, #tpu.memory_space<hbm>> -> memref<1x128xi32, #tpu.memory_space<hbm>>
      tpu.wait_dma2 semaphore(%arg27 : memref<!tpu.dma_semaphore, #tpu.memory_space<semaphore_mem>>) src(%dma_wait3A_64 : memref<1x128xi32, #tpu.memory_space<hbm>>) dst(%arg17 : memref<1x128xi32, #tpu.memory_space<vmem>>)
      %dma_wait3A_65 = arith.constant 0 : i32
      %dma_wait3A_66 = arith.constant 0 : i32
      %dma_wait3A_67 = tpu.memref_slice %arg15[%dma_wait3A_65, %dma_wait3A_66] : memref<1x128xi32, #tpu.memory_space<vmem>> -> memref<1x128xi32, #tpu.memory_space<vmem>>
      %dma_wait3A_68 = tpu.memref_squeeze %dma_wait3A_67 : memref<1x128xi32, #tpu.memory_space<vmem>> -> memref<128xi32, #tpu.memory_space<vmem>>
      %dma_wait3A_69 = arith.constant 0 : i32
      %dma_wait3A_70 = arith.constant 0 : i32
      %dma_wait3A_71 = tpu.memref_slice %arg3[%dma_wait3A_69, %dma_wait3A_70] : memref<10112x128xf32, #tpu.memory_space<hbm>> -> memref<10112x128xf32, #tpu.memory_space<hbm>>
      tpu.wait_indirect_dma semaphore(%arg24 : memref<!tpu.dma_semaphore, #tpu.memory_space<semaphore_mem>>) src(%dma_wait3A_71 : memref<10112x128xf32, #tpu.memory_space<hbm>>) dst(%arg18 : memref<128x128xf32, #tpu.memory_space<vmem>>)
      %barrier3A_72 = arith.constant 0 : index
      tpu.barrier barrier_id(%barrier3A_72)
      %mul3A_73 = arith.constant 320 : i32
      %mul3A_74 = arith.muli %arg1, %mul3A_73 : i32
      %mul3A_75 = arith.constant 320 : i32
      %mul3A_76 = arith.muli %arg1, %mul3A_75 : i32
      "tpu.region"() ({
        %run_scoped3A_147 = tpu.sem_alloc : memref<!tpu.dma_semaphore, #tpu.memory_space<semaphore_mem>>
        %dma_start3A_148 = arith.constant 0 : i32
        %dma_start3A_149 = tpu.memref_slice %arg10[%mul3A_76, %dma_start3A_148] : memref<5120x128xf32, #tpu.memory_space<hbm>> -> memref<320x128xf32, #tpu.memory_space<hbm>>
        %dma_start3A_150 = arith.constant 0 : i32
        %dma_start3A_151 = tpu.memref_slice %arg22[%mul3A_74, %dma_start3A_150] : memref<5120x128xf32, #tpu.memory_space<vmem_shared>> -> memref<320x128xf32, #tpu.memory_space<vmem_shared>>
        tpu.enqueue_dma source(%dma_start3A_151 : memref<320x128xf32, #tpu.memory_space<vmem_shared>>) target(%dma_start3A_149 : memref<320x128xf32, #tpu.memory_space<hbm>>) target_semaphore(%run_scoped3A_147 : memref<!tpu.dma_semaphore, #tpu.memory_space<semaphore_mem>>)
        %dma_wait3A_152 = arith.constant 0 : i32
        %dma_wait3A_153 = tpu.memref_slice %arg10[%mul3A_76, %dma_wait3A_152] : memref<5120x128xf32, #tpu.memory_space<hbm>> -> memref<320x128xf32, #tpu.memory_space<hbm>>
        %dma_wait3A_154 = arith.constant 0 : i32
        %dma_wait3A_155 = tpu.memref_slice %arg22[%mul3A_74, %dma_wait3A_154] : memref<5120x128xf32, #tpu.memory_space<vmem_shared>> -> memref<320x128xf32, #tpu.memory_space<vmem_shared>>
        tpu.wait_dma2 semaphore(%run_scoped3A_147 : memref<!tpu.dma_semaphore, #tpu.memory_space<semaphore_mem>>) src(%dma_wait3A_155 : memref<320x128xf32, #tpu.memory_space<vmem_shared>>) dst(%dma_wait3A_153 : memref<320x128xf32, #tpu.memory_space<hbm>>)
        tpu.yield
      }) : () -> ()
      %mul3A_77 = arith.constant 320 : i32
      %mul3A_78 = arith.muli %arg1, %mul3A_77 : i32
      %mul3A_79 = arith.constant 320 : i32
      %mul3A_80 = arith.muli %arg1, %mul3A_79 : i32
      "tpu.region"() ({
        %run_scoped3A_147 = tpu.sem_alloc : memref<!tpu.dma_semaphore, #tpu.memory_space<semaphore_mem>>
        %dma_start3A_148 = arith.constant 0 : i32
        %dma_start3A_149 = tpu.memref_slice %arg22[%mul3A_80, %dma_start3A_148] : memref<5120x128xf32, #tpu.memory_space<vmem_shared>> -> memref<320x128xf32, #tpu.memory_space<vmem_shared>>
        %dma_start3A_150 = arith.constant 0 : i32
        %dma_start3A_151 = tpu.memref_slice %arg6[%mul3A_78, %dma_start3A_150] : memref<5120x128xf32, #tpu.memory_space<hbm>> -> memref<320x128xf32, #tpu.memory_space<hbm>>
        tpu.enqueue_dma source(%dma_start3A_151 : memref<320x128xf32, #tpu.memory_space<hbm>>) target(%dma_start3A_149 : memref<320x128xf32, #tpu.memory_space<vmem_shared>>) target_semaphore(%run_scoped3A_147 : memref<!tpu.dma_semaphore, #tpu.memory_space<semaphore_mem>>)
        %dma_wait3A_152 = arith.constant 0 : i32
        %dma_wait3A_153 = tpu.memref_slice %arg22[%mul3A_80, %dma_wait3A_152] : memref<5120x128xf32, #tpu.memory_space<vmem_shared>> -> memref<320x128xf32, #tpu.memory_space<vmem_shared>>
        %dma_wait3A_154 = arith.constant 0 : i32
        %dma_wait3A_155 = tpu.memref_slice %arg6[%mul3A_78, %dma_wait3A_154] : memref<5120x128xf32, #tpu.memory_space<hbm>> -> memref<320x128xf32, #tpu.memory_space<hbm>>
        tpu.wait_dma2 semaphore(%run_scoped3A_147 : memref<!tpu.dma_semaphore, #tpu.memory_space<semaphore_mem>>) src(%dma_wait3A_155 : memref<320x128xf32, #tpu.memory_space<hbm>>) dst(%dma_wait3A_153 : memref<320x128xf32, #tpu.memory_space<vmem_shared>>)
        tpu.yield
      }) : () -> ()
      %barrier3A_81 = arith.constant 0 : index
      tpu.barrier barrier_id(%barrier3A_81)
      %run_scoped3A_82 = arith.constant 1 : i32
      "tpu.region"() ({
        %run_scoped3A_147 = tpu.sem_alloc : memref<!tpu.dma_semaphore, #tpu.memory_space<semaphore_mem>>
        %dma_start3A_148 = arith.constant 0 : i32
        %dma_start3A_149 = arith.constant 0 : i32
        %dma_start3A_150 = tpu.memref_slice %arg4[%run_scoped3A_82, %arg1, %dma_start3A_148, %dma_start3A_149] : memref<2x16x82x128xi32, #tpu.memory_space<hbm>> -> memref<1x1x1x128xi32, #tpu.memory_space<hbm>>
        %dma_start3A_151 = tpu.memref_squeeze %dma_start3A_150 : memref<1x1x1x128xi32, #tpu.memory_space<hbm>> -> memref<1x128xi32, #tpu.memory_space<hbm>>
        %dma_start3A_152 = arith.constant 0 : i32
        %dma_start3A_153 = arith.constant 0 : i32
        %dma_start3A_154 = tpu.memref_slice %arg4[%run_scoped3A_82, %arg1, %dma_start3A_152, %dma_start3A_153] : memref<2x16x82x128xi32, #tpu.memory_space<hbm>> -> memref<1x1x1x128xi32, #tpu.memory_space<hbm>>
        %dma_start3A_155 = tpu.memref_squeeze %dma_start3A_154 : memref<1x1x1x128xi32, #tpu.memory_space<hbm>> -> memref<1x128xi32, #tpu.memory_space<hbm>>
        tpu.enqueue_dma source(%dma_start3A_155 : memref<1x128xi32, #tpu.memory_space<hbm>>) target(%arg14 : memref<1x128xi32, #tpu.memory_space<vmem>>) target_semaphore(%run_scoped3A_147 : memref<!tpu.dma_semaphore, #tpu.memory_space<semaphore_mem>>)
        %dma_wait3A_156 = arith.constant 0 : i32
        %dma_wait3A_157 = arith.constant 0 : i32
        %dma_wait3A_158 = tpu.memref_slice %arg4[%run_scoped3A_82, %arg1, %dma_wait3A_156, %dma_wait3A_157] : memref<2x16x82x128xi32, #tpu.memory_space<hbm>> -> memref<1x1x1x128xi32, #tpu.memory_space<hbm>>
        %dma_wait3A_159 = tpu.memref_squeeze %dma_wait3A_158 : memref<1x1x1x128xi32, #tpu.memory_space<hbm>> -> memref<1x128xi32, #tpu.memory_space<hbm>>
        %dma_wait3A_160 = arith.constant 0 : i32
        %dma_wait3A_161 = arith.constant 0 : i32
        %dma_wait3A_162 = tpu.memref_slice %arg4[%run_scoped3A_82, %arg1, %dma_wait3A_160, %dma_wait3A_161] : memref<2x16x82x128xi32, #tpu.memory_space<hbm>> -> memref<1x1x1x128xi32, #tpu.memory_space<hbm>>
        %dma_wait3A_163 = tpu.memref_squeeze %dma_wait3A_162 : memref<1x1x1x128xi32, #tpu.memory_space<hbm>> -> memref<1x128xi32, #tpu.memory_space<hbm>>
        tpu.wait_dma2 semaphore(%run_scoped3A_147 : memref<!tpu.dma_semaphore, #tpu.memory_space<semaphore_mem>>) src(%dma_wait3A_163 : memref<1x128xi32, #tpu.memory_space<hbm>>) dst(%arg14 : memref<1x128xi32, #tpu.memory_space<vmem>>)
        tpu.yield
      }) : () -> ()
      "tpu.region"() ({
        %run_scoped3A_147 = tpu.sem_alloc : memref<!tpu.dma_semaphore, #tpu.memory_space<semaphore_mem>>
        %dma_start3A_148 = arith.constant 0 : i32
        %dma_start3A_149 = arith.constant 0 : i32
        %dma_start3A_150 = tpu.memref_slice %arg5[%arg1, %dma_start3A_148, %dma_start3A_149] : memref<16x82x128xi32, #tpu.memory_space<hbm>> -> memref<1x1x128xi32, #tpu.memory_space<hbm>>
        %dma_start3A_151 = tpu.memref_squeeze %dma_start3A_150 : memref<1x1x128xi32, #tpu.memory_space<hbm>> -> memref<1x128xi32, #tpu.memory_space<hbm>>
        %dma_start3A_152 = arith.constant 0 : i32
        %dma_start3A_153 = arith.constant 0 : i32
        %dma_start3A_154 = tpu.memref_slice %arg5[%arg1, %dma_start3A_152, %dma_start3A_153] : memref<16x82x128xi32, #tpu.memory_space<hbm>> -> memref<1x1x128xi32, #tpu.memory_space<hbm>>
        %dma_start3A_155 = tpu.memref_squeeze %dma_start3A_154 : memref<1x1x128xi32, #tpu.memory_space<hbm>> -> memref<1x128xi32, #tpu.memory_space<hbm>>
        tpu.enqueue_dma source(%dma_start3A_155 : memref<1x128xi32, #tpu.memory_space<hbm>>) target(%arg15 : memref<1x128xi32, #tpu.memory_space<vmem>>) target_semaphore(%run_scoped3A_147 : memref<!tpu.dma_semaphore, #tpu.memory_space<semaphore_mem>>)
        %dma_wait3A_156 = arith.constant 0 : i32
        %dma_wait3A_157 = arith.constant 0 : i32
        %dma_wait3A_158 = tpu.memref_slice %arg5[%arg1, %dma_wait3A_156, %dma_wait3A_157] : memref<16x82x128xi32, #tpu.memory_space<hbm>> -> memref<1x1x128xi32, #tpu.memory_space<hbm>>
        %dma_wait3A_159 = tpu.memref_squeeze %dma_wait3A_158 : memref<1x1x128xi32, #tpu.memory_space<hbm>> -> memref<1x128xi32, #tpu.memory_space<hbm>>
        %dma_wait3A_160 = arith.constant 0 : i32
        %dma_wait3A_161 = arith.constant 0 : i32
        %dma_wait3A_162 = tpu.memref_slice %arg5[%arg1, %dma_wait3A_160, %dma_wait3A_161] : memref<16x82x128xi32, #tpu.memory_space<hbm>> -> memref<1x1x128xi32, #tpu.memory_space<hbm>>
        %dma_wait3A_163 = tpu.memref_squeeze %dma_wait3A_162 : memref<1x1x128xi32, #tpu.memory_space<hbm>> -> memref<1x128xi32, #tpu.memory_space<hbm>>
        tpu.wait_dma2 semaphore(%run_scoped3A_147 : memref<!tpu.dma_semaphore, #tpu.memory_space<semaphore_mem>>) src(%dma_wait3A_163 : memref<1x128xi32, #tpu.memory_space<hbm>>) dst(%arg15 : memref<1x128xi32, #tpu.memory_space<vmem>>)
        tpu.yield
      }) : () -> ()
      %dma_start3A_83 = arith.constant 0 : i32
      %dma_start3A_84 = arith.constant 0 : i32
      %dma_start3A_85 = tpu.memref_slice %arg15[%dma_start3A_83, %dma_start3A_84] : memref<1x128xi32, #tpu.memory_space<vmem>> -> memref<1x128xi32, #tpu.memory_space<vmem>>
      %dma_start3A_86 = tpu.memref_squeeze %dma_start3A_85 : memref<1x128xi32, #tpu.memory_space<vmem>> -> memref<128xi32, #tpu.memory_space<vmem>>
      %dma_start3A_87 = arith.constant 0 : i32
      %dma_start3A_88 = arith.constant 0 : i32
      %dma_start3A_89 = tpu.memref_slice %arg3[%dma_start3A_87, %dma_start3A_88] : memref<10112x128xf32, #tpu.memory_space<hbm>> -> memref<10112x128xf32, #tpu.memory_space<hbm>>
      tpu.enqueue_indirect_dma source(%dma_start3A_89 : memref<10112x128xf32, #tpu.memory_space<hbm>>) target(%arg18 : memref<128x128xf32, #tpu.memory_space<vmem>>) offsets(%dma_start3A_86 : memref<128xi32, #tpu.memory_space<vmem>>) semaphore(%arg24 : memref<!tpu.dma_semaphore, #tpu.memory_space<semaphore_mem>>)
      %dma_start3A_90 = arith.constant 1 : i32
      %dma_start3A_91 = arith.constant 1 : i32
      %dma_start3A_92 = arith.constant 0 : i32
      %dma_start3A_93 = tpu.memref_slice %arg4[%dma_start3A_90, %arg1, %dma_start3A_91, %dma_start3A_92] : memref<2x16x82x128xi32, #tpu.memory_space<hbm>> -> memref<1x1x1x128xi32, #tpu.memory_space<hbm>>
      %dma_start3A_94 = tpu.memref_squeeze %dma_start3A_93 : memref<1x1x1x128xi32, #tpu.memory_space<hbm>> -> memref<1x128xi32, #tpu.memory_space<hbm>>
      %dma_start3A_95 = arith.constant 1 : i32
      %dma_start3A_96 = arith.constant 0 : i32
      %dma_start3A_97 = tpu.memref_slice %arg4[%dma_start3A_90, %arg1, %dma_start3A_95, %dma_start3A_96] : memref<2x16x82x128xi32, #tpu.memory_space<hbm>> -> memref<1x1x1x128xi32, #tpu.memory_space<hbm>>
      %dma_start3A_98 = tpu.memref_squeeze %dma_start3A_97 : memref<1x1x1x128xi32, #tpu.memory_space<hbm>> -> memref<1x128xi32, #tpu.memory_space<hbm>>
      tpu.enqueue_dma source(%dma_start3A_98 : memref<1x128xi32, #tpu.memory_space<hbm>>) target(%arg16 : memref<1x128xi32, #tpu.memory_space<vmem>>) target_semaphore(%arg27 : memref<!tpu.dma_semaphore, #tpu.memory_space<semaphore_mem>>)
      %dma_start3A_99 = arith.constant 1 : i32
      %dma_start3A_100 = arith.constant 0 : i32
      %dma_start3A_101 = tpu.memref_slice %arg5[%arg1, %dma_start3A_99, %dma_start3A_100] : memref<16x82x128xi32, #tpu.memory_space<hbm>> -> memref<1x1x128xi32, #tpu.memory_space<hbm>>
      %dma_start3A_102 = tpu.memref_squeeze %dma_start3A_101 : memref<1x1x128xi32, #tpu.memory_space<hbm>> -> memref<1x128xi32, #tpu.memory_space<hbm>>
      %dma_start3A_103 = arith.constant 1 : i32
      %dma_start3A_104 = arith.constant 0 : i32
      %dma_start3A_105 = tpu.memref_slice %arg5[%arg1, %dma_start3A_103, %dma_start3A_104] : memref<16x82x128xi32, #tpu.memory_space<hbm>> -> memref<1x1x128xi32, #tpu.memory_space<hbm>>
      %dma_start3A_106 = tpu.memref_squeeze %dma_start3A_105 : memref<1x1x128xi32, #tpu.memory_space<hbm>> -> memref<1x128xi32, #tpu.memory_space<hbm>>
      tpu.enqueue_dma source(%dma_start3A_106 : memref<1x128xi32, #tpu.memory_space<hbm>>) target(%arg17 : memref<1x128xi32, #tpu.memory_space<vmem>>) target_semaphore(%arg27 : memref<!tpu.dma_semaphore, #tpu.memory_space<semaphore_mem>>)
      %scan3A_107 = arith.constant 0 : i32
      %scan3A_108 = arith.constant 0 : i32
      %scan3A_109 = arith.constant 40 : i32
      %scan3A_110 = arith.addi %scan3A_108, %scan3A_109 : i32
      %scan3A_111 = arith.constant 1 : i32
      scf.for %scan3A_147 = %scan3A_108 to %scan3A_110 step %scan3A_111  : i32 {
        %mul3A_148 = arith.constant 2 : i32
        %mul3A_149 = arith.muli %mul3A_148, %scan3A_147 : i32
        %add3A = arith.constant 1 : i32
        %add3A_150 = arith.addi %mul3A_149, %add3A : i32
        %dma_wait3A_151 = arith.constant 1 : i32
        %dma_wait3A_152 = arith.constant 0 : i32
        %dma_wait3A_153 = arith.constant 0 : i32
        %dma_wait3A_154 = tpu.memref_slice %arg4[%dma_wait3A_151, %arg1, %dma_wait3A_152, %dma_wait3A_153] : memref<2x16x82x128xi32, #tpu.memory_space<hbm>> -> memref<1x1x1x128xi32, #tpu.memory_space<hbm>>
        %dma_wait3A_155 = tpu.memref_squeeze %dma_wait3A_154 : memref<1x1x1x128xi32, #tpu.memory_space<hbm>> -> memref<1x128xi32, #tpu.memory_space<hbm>>
        %dma_wait3A_156 = arith.constant 0 : i32
        %dma_wait3A_157 = arith.constant 0 : i32
        %dma_wait3A_158 = tpu.memref_slice %arg4[%dma_wait3A_151, %arg1, %dma_wait3A_156, %dma_wait3A_157] : memref<2x16x82x128xi32, #tpu.memory_space<hbm>> -> memref<1x1x1x128xi32, #tpu.memory_space<hbm>>
        %dma_wait3A_159 = tpu.memref_squeeze %dma_wait3A_158 : memref<1x1x1x128xi32, #tpu.memory_space<hbm>> -> memref<1x128xi32, #tpu.memory_space<hbm>>
        tpu.wait_dma2 semaphore(%arg27 : memref<!tpu.dma_semaphore, #tpu.memory_space<semaphore_mem>>) src(%dma_wait3A_159 : memref<1x128xi32, #tpu.memory_space<hbm>>) dst(%arg16 : memref<1x128xi32, #tpu.memory_space<vmem>>)
        %dma_wait3A_160 = arith.constant 0 : i32
        %dma_wait3A_161 = arith.constant 0 : i32
        %dma_wait3A_162 = tpu.memref_slice %arg5[%arg1, %dma_wait3A_160, %dma_wait3A_161] : memref<16x82x128xi32, #tpu.memory_space<hbm>> -> memref<1x1x128xi32, #tpu.memory_space<hbm>>
        %dma_wait3A_163 = tpu.memref_squeeze %dma_wait3A_162 : memref<1x1x128xi32, #tpu.memory_space<hbm>> -> memref<1x128xi32, #tpu.memory_space<hbm>>
        %dma_wait3A_164 = arith.constant 0 : i32
        %dma_wait3A_165 = arith.constant 0 : i32
        %dma_wait3A_166 = tpu.memref_slice %arg5[%arg1, %dma_wait3A_164, %dma_wait3A_165] : memref<16x82x128xi32, #tpu.memory_space<hbm>> -> memref<1x1x128xi32, #tpu.memory_space<hbm>>
        %dma_wait3A_167 = tpu.memref_squeeze %dma_wait3A_166 : memref<1x1x128xi32, #tpu.memory_space<hbm>> -> memref<1x128xi32, #tpu.memory_space<hbm>>
        tpu.wait_dma2 semaphore(%arg27 : memref<!tpu.dma_semaphore, #tpu.memory_space<semaphore_mem>>) src(%dma_wait3A_167 : memref<1x128xi32, #tpu.memory_space<hbm>>) dst(%arg17 : memref<1x128xi32, #tpu.memory_space<vmem>>)
        %dma_wait3A_168 = arith.constant 0 : i32
        %dma_wait3A_169 = arith.constant 0 : i32
        %dma_wait3A_170 = tpu.memref_slice %arg15[%dma_wait3A_168, %dma_wait3A_169] : memref<1x128xi32, #tpu.memory_space<vmem>> -> memref<1x128xi32, #tpu.memory_space<vmem>>
        %dma_wait3A_171 = tpu.memref_squeeze %dma_wait3A_170 : memref<1x128xi32, #tpu.memory_space<vmem>> -> memref<128xi32, #tpu.memory_space<vmem>>
        %dma_wait3A_172 = arith.constant 0 : i32
        %dma_wait3A_173 = arith.constant 0 : i32
        %dma_wait3A_174 = tpu.memref_slice %arg3[%dma_wait3A_172, %dma_wait3A_173] : memref<10112x128xf32, #tpu.memory_space<hbm>> -> memref<10112x128xf32, #tpu.memory_space<hbm>>
        tpu.wait_indirect_dma semaphore(%arg24 : memref<!tpu.dma_semaphore, #tpu.memory_space<semaphore_mem>>) src(%dma_wait3A_174 : memref<10112x128xf32, #tpu.memory_space<hbm>>) dst(%arg18 : memref<128x128xf32, #tpu.memory_space<vmem>>)
        %dma_start3A_175 = arith.constant 0 : i32
        %dma_start3A_176 = arith.constant 0 : i32
        %dma_start3A_177 = tpu.memref_slice %arg17[%dma_start3A_175, %dma_start3A_176] : memref<1x128xi32, #tpu.memory_space<vmem>> -> memref<1x128xi32, #tpu.memory_space<vmem>>
        %dma_start3A_178 = tpu.memref_squeeze %dma_start3A_177 : memref<1x128xi32, #tpu.memory_space<vmem>> -> memref<128xi32, #tpu.memory_space<vmem>>
        %dma_start3A_179 = arith.constant 0 : i32
        %dma_start3A_180 = arith.constant 0 : i32
        %dma_start3A_181 = tpu.memref_slice %arg3[%dma_start3A_179, %dma_start3A_180] : memref<10112x128xf32, #tpu.memory_space<hbm>> -> memref<10112x128xf32, #tpu.memory_space<hbm>>
        tpu.enqueue_indirect_dma source(%dma_start3A_181 : memref<10112x128xf32, #tpu.memory_space<hbm>>) target(%arg19 : memref<128x128xf32, #tpu.memory_space<vmem>>) offsets(%dma_start3A_178 : memref<128xi32, #tpu.memory_space<vmem>>) semaphore(%arg25 : memref<!tpu.dma_semaphore, #tpu.memory_space<semaphore_mem>>)
        %run_scoped3A_182 = arith.constant 0 : i32
        "tpu.region"() ({
          %run_scoped3A_404 = tpu.sem_alloc : memref<!tpu.dma_semaphore, #tpu.memory_space<semaphore_mem>>
          %dma_start3A_405 = arith.constant 0 : i32
          %dma_start3A_406 = tpu.memref_slice %arg14[%run_scoped3A_182, %dma_start3A_405] : memref<1x128xi32, #tpu.memory_space<vmem>> -> memref<1x128xi32, #tpu.memory_space<vmem>>
          %dma_start3A_407 = tpu.memref_squeeze %dma_start3A_406 : memref<1x128xi32, #tpu.memory_space<vmem>> -> memref<128xi32, #tpu.memory_space<vmem>>
          %dma_start3A_408 = arith.constant 0 : i32
          %dma_start3A_409 = arith.constant 0 : i32
          %dma_start3A_410 = tpu.memref_slice %arg22[%dma_start3A_408, %dma_start3A_409] : memref<5120x128xf32, #tpu.memory_space<vmem_shared>> -> memref<5120x128xf32, #tpu.memory_space<vmem_shared>>
          tpu.enqueue_indirect_dma source(%arg18 : memref<128x128xf32, #tpu.memory_space<vmem>>) target(%dma_start3A_410 : memref<5120x128xf32, #tpu.memory_space<vmem_shared>>) offsets(%dma_start3A_407 : memref<128xi32, #tpu.memory_space<vmem>>) semaphore(%run_scoped3A_404 : memref<!tpu.dma_semaphore, #tpu.memory_space<semaphore_mem>>) {add = true}
          %dma_wait3A_411 = arith.constant 0 : i32
          %dma_wait3A_412 = tpu.memref_slice %arg14[%run_scoped3A_182, %dma_wait3A_411] : memref<1x128xi32, #tpu.memory_space<vmem>> -> memref<1x128xi32, #tpu.memory_space<vmem>>
          %dma_wait3A_413 = tpu.memref_squeeze %dma_wait3A_412 : memref<1x128xi32, #tpu.memory_space<vmem>> -> memref<128xi32, #tpu.memory_space<vmem>>
          %dma_wait3A_414 = arith.constant 0 : i32
          %dma_wait3A_415 = arith.constant 0 : i32
          %dma_wait3A_416 = tpu.memref_slice %arg22[%dma_wait3A_414, %dma_wait3A_415] : memref<5120x128xf32, #tpu.memory_space<vmem_shared>> -> memref<5120x128xf32, #tpu.memory_space<vmem_shared>>
          tpu.wait_indirect_dma semaphore(%run_scoped3A_404 : memref<!tpu.dma_semaphore, #tpu.memory_space<semaphore_mem>>) src(%arg18 : memref<128x128xf32, #tpu.memory_space<vmem>>) dst(%dma_wait3A_416 : memref<5120x128xf32, #tpu.memory_space<vmem_shared>>)
          tpu.yield
        }) : () -> ()
        %get3A = arith.constant 0 : i32
        %get3A_183 = arith.index_cast %get3A : i32 to index
        %get3A_184 = arith.constant 0 : index
        %get3A_185 = tpu.vector_load %arg14[%get3A_183, %get3A_184] {strides = array<i32>} : memref<1x128xi32, #tpu.memory_space<vmem>>, vector<16xi32>,
        %shift_right_logical3A = arith.constant 7 : i32
        %shift_right_logical3A_186 = vector.broadcast %shift_right_logical3A : i32 to vector<16xi32>
        %shift_right_logical3A_187 = arith.shrui %get3A_185, %shift_right_logical3A_186 : vector<16xi32>
        %and3A = arith.constant 127 : i32
        %and3A_188 = vector.broadcast %and3A : i32 to vector<16xi32>
        %and3A_189 = arith.andi %get3A_185, %and3A_188 : vector<16xi32>
        tpu.vector_store_idx %arg20[%shift_right_logical3A_187, %and3A_189], %broadcast_in_dim3A_0 {add = true} : memref<128x128xf32, #tpu.memory_space<vmem>>[vector<16xi32>, vector<16xi32>], vector<16xf32>,
        %get3A_190 = arith.constant 0 : i32
        %get3A_191 = arith.index_cast %get3A_190 : i32 to index
        %get3A_192 = arith.constant 16 : index
        %get3A_193 = tpu.vector_load %arg14[%get3A_191, %get3A_192] {strides = array<i32>} : memref<1x128xi32, #tpu.memory_space<vmem>>, vector<16xi32>,
        %shift_right_logical3A_194 = arith.constant 7 : i32
        %shift_right_logical3A_195 = vector.broadcast %shift_right_logical3A_194 : i32 to vector<16xi32>
        %shift_right_logical3A_196 = arith.shrui %get3A_193, %shift_right_logical3A_195 : vector<16xi32>
        %and3A_197 = arith.constant 127 : i32
        %and3A_198 = vector.broadcast %and3A_197 : i32 to vector<16xi32>
        %and3A_199 = arith.andi %get3A_193, %and3A_198 : vector<16xi32>
        tpu.vector_store_idx %arg20[%shift_right_logical3A_196, %and3A_199], %broadcast_in_dim3A_0 {add = true} : memref<128x128xf32, #tpu.memory_space<vmem>>[vector<16xi32>, vector<16xi32>], vector<16xf32>,
        %get3A_200 = arith.constant 0 : i32
        %get3A_201 = arith.index_cast %get3A_200 : i32 to index
        %get3A_202 = arith.constant 32 : index
        %get3A_203 = tpu.vector_load %arg14[%get3A_201, %get3A_202] {strides = array<i32>} : memref<1x128xi32, #tpu.memory_space<vmem>>, vector<16xi32>,
        %shift_right_logical3A_204 = arith.constant 7 : i32
        %shift_right_logical3A_205 = vector.broadcast %shift_right_logical3A_204 : i32 to vector<16xi32>
        %shift_right_logical3A_206 = arith.shrui %get3A_203, %shift_right_logical3A_205 : vector<16xi32>
        %and3A_207 = arith.constant 127 : i32
        %and3A_208 = vector.broadcast %and3A_207 : i32 to vector<16xi32>
        %and3A_209 = arith.andi %get3A_203, %and3A_208 : vector<16xi32>
        tpu.vector_store_idx %arg20[%shift_right_logical3A_206, %and3A_209], %broadcast_in_dim3A_0 {add = true} : memref<128x128xf32, #tpu.memory_space<vmem>>[vector<16xi32>, vector<16xi32>], vector<16xf32>,
        %get3A_210 = arith.constant 0 : i32
        %get3A_211 = arith.index_cast %get3A_210 : i32 to index
        %get3A_212 = arith.constant 48 : index
        %get3A_213 = tpu.vector_load %arg14[%get3A_211, %get3A_212] {strides = array<i32>} : memref<1x128xi32, #tpu.memory_space<vmem>>, vector<16xi32>,
        %shift_right_logical3A_214 = arith.constant 7 : i32
        %shift_right_logical3A_215 = vector.broadcast %shift_right_logical3A_214 : i32 to vector<16xi32>
        %shift_right_logical3A_216 = arith.shrui %get3A_213, %shift_right_logical3A_215 : vector<16xi32>
        %and3A_217 = arith.constant 127 : i32
        %and3A_218 = vector.broadcast %and3A_217 : i32 to vector<16xi32>
        %and3A_219 = arith.andi %get3A_213, %and3A_218 : vector<16xi32>
        tpu.vector_store_idx %arg20[%shift_right_logical3A_216, %and3A_219], %broadcast_in_dim3A_0 {add = true} : memref<128x128xf32, #tpu.memory_space<vmem>>[vector<16xi32>, vector<16xi32>], vector<16xf32>,
        %get3A_220 = arith.constant 0 : i32
        %get3A_221 = arith.index_cast %get3A_220 : i32 to index
        %get3A_222 = arith.constant 64 : index
        %get3A_223 = tpu.vector_load %arg14[%get3A_221, %get3A_222] {strides = array<i32>} : memref<1x128xi32, #tpu.memory_space<vmem>>, vector<16xi32>,
        %shift_right_logical3A_224 = arith.constant 7 : i32
        %shift_right_logical3A_225 = vector.broadcast %shift_right_logical3A_224 : i32 to vector<16xi32>
        %shift_right_logical3A_226 = arith.shrui %get3A_223, %shift_right_logical3A_225 : vector<16xi32>
        %and3A_227 = arith.constant 127 : i32
        %and3A_228 = vector.broadcast %and3A_227 : i32 to vector<16xi32>
        %and3A_229 = arith.andi %get3A_223, %and3A_228 : vector<16xi32>
        tpu.vector_store_idx %arg20[%shift_right_logical3A_226, %and3A_229], %broadcast_in_dim3A_0 {add = true} : memref<128x128xf32, #tpu.memory_space<vmem>>[vector<16xi32>, vector<16xi32>], vector<16xf32>,
        %get3A_230 = arith.constant 0 : i32
        %get3A_231 = arith.index_cast %get3A_230 : i32 to index
        %get3A_232 = arith.constant 80 : index
        %get3A_233 = tpu.vector_load %arg14[%get3A_231, %get3A_232] {strides = array<i32>} : memref<1x128xi32, #tpu.memory_space<vmem>>, vector<16xi32>,
        %shift_right_logical3A_234 = arith.constant 7 : i32
        %shift_right_logical3A_235 = vector.broadcast %shift_right_logical3A_234 : i32 to vector<16xi32>
        %shift_right_logical3A_236 = arith.shrui %get3A_233, %shift_right_logical3A_235 : vector<16xi32>
        %and3A_237 = arith.constant 127 : i32
        %and3A_238 = vector.broadcast %and3A_237 : i32 to vector<16xi32>
        %and3A_239 = arith.andi %get3A_233, %and3A_238 : vector<16xi32>
        tpu.vector_store_idx %arg20[%shift_right_logical3A_236, %and3A_239], %broadcast_in_dim3A_0 {add = true} : memref<128x128xf32, #tpu.memory_space<vmem>>[vector<16xi32>, vector<16xi32>], vector<16xf32>,
        %get3A_240 = arith.constant 0 : i32
        %get3A_241 = arith.index_cast %get3A_240 : i32 to index
        %get3A_242 = arith.constant 96 : index
        %get3A_243 = tpu.vector_load %arg14[%get3A_241, %get3A_242] {strides = array<i32>} : memref<1x128xi32, #tpu.memory_space<vmem>>, vector<16xi32>,
        %shift_right_logical3A_244 = arith.constant 7 : i32
        %shift_right_logical3A_245 = vector.broadcast %shift_right_logical3A_244 : i32 to vector<16xi32>
        %shift_right_logical3A_246 = arith.shrui %get3A_243, %shift_right_logical3A_245 : vector<16xi32>
        %and3A_247 = arith.constant 127 : i32
        %and3A_248 = vector.broadcast %and3A_247 : i32 to vector<16xi32>
        %and3A_249 = arith.andi %get3A_243, %and3A_248 : vector<16xi32>
        tpu.vector_store_idx %arg20[%shift_right_logical3A_246, %and3A_249], %broadcast_in_dim3A_0 {add = true} : memref<128x128xf32, #tpu.memory_space<vmem>>[vector<16xi32>, vector<16xi32>], vector<16xf32>,
        %get3A_250 = arith.constant 0 : i32
        %get3A_251 = arith.index_cast %get3A_250 : i32 to index
        %get3A_252 = arith.constant 112 : index
        %get3A_253 = tpu.vector_load %arg14[%get3A_251, %get3A_252] {strides = array<i32>} : memref<1x128xi32, #tpu.memory_space<vmem>>, vector<16xi32>,
        %shift_right_logical3A_254 = arith.constant 7 : i32
        %shift_right_logical3A_255 = vector.broadcast %shift_right_logical3A_254 : i32 to vector<16xi32>
        %shift_right_logical3A_256 = arith.shrui %get3A_253, %shift_right_logical3A_255 : vector<16xi32>
        %and3A_257 = arith.constant 127 : i32
        %and3A_258 = vector.broadcast %and3A_257 : i32 to vector<16xi32>
        %and3A_259 = arith.andi %get3A_253, %and3A_258 : vector<16xi32>
        tpu.vector_store_idx %arg20[%shift_right_logical3A_256, %and3A_259], %broadcast_in_dim3A_0 {add = true} : memref<128x128xf32, #tpu.memory_space<vmem>>[vector<16xi32>, vector<16xi32>], vector<16xf32>,
        %add3A_260 = arith.constant 1 : i32
        %add3A_261 = arith.addi %add3A_150, %add3A_260 : i32
        %dma_start3A_262 = arith.constant 1 : i32
        %dma_start3A_263 = arith.constant 0 : i32
        %dma_start3A_264 = tpu.memref_slice %arg4[%dma_start3A_262, %arg1, %add3A_261, %dma_start3A_263] : memref<2x16x82x128xi32, #tpu.memory_space<hbm>> -> memref<1x1x1x128xi32, #tpu.memory_space<hbm>>
        %dma_start3A_265 = tpu.memref_squeeze %dma_start3A_264 : memref<1x1x1x128xi32, #tpu.memory_space<hbm>> -> memref<1x128xi32, #tpu.memory_space<hbm>>
        %dma_start3A_266 = arith.constant 0 : i32
        %dma_start3A_267 = tpu.memref_slice %arg4[%dma_start3A_262, %arg1, %add3A_261, %dma_start3A_266] : memref<2x16x82x128xi32, #tpu.memory_space<hbm>> -> memref<1x1x1x128xi32, #tpu.memory_space<hbm>>
        %dma_start3A_268 = tpu.memref_squeeze %dma_start3A_267 : memref<1x1x1x128xi32, #tpu.memory_space<hbm>> -> memref<1x128xi32, #tpu.memory_space<hbm>>
        tpu.enqueue_dma source(%dma_start3A_268 : memref<1x128xi32, #tpu.memory_space<hbm>>) target(%arg14 : memref<1x128xi32, #tpu.memory_space<vmem>>) target_semaphore(%arg26 : memref<!tpu.dma_semaphore, #tpu.memory_space<semaphore_mem>>)
        %dma_start3A_269 = arith.constant 0 : i32
        %dma_start3A_270 = tpu.memref_slice %arg5[%arg1, %add3A_261, %dma_start3A_269] : memref<16x82x128xi32, #tpu.memory_space<hbm>> -> memref<1x1x128xi32, #tpu.memory_space<hbm>>
        %dma_start3A_271 = tpu.memref_squeeze %dma_start3A_270 : memref<1x1x128xi32, #tpu.memory_space<hbm>> -> memref<1x128xi32, #tpu.memory_space<hbm>>
        %dma_start3A_272 = arith.constant 0 : i32
        %dma_start3A_273 = tpu.memref_slice %arg5[%arg1, %add3A_261, %dma_start3A_272] : memref<16x82x128xi32, #tpu.memory_space<hbm>> -> memref<1x1x128xi32, #tpu.memory_space<hbm>>
        %dma_start3A_274 = tpu.memref_squeeze %dma_start3A_273 : memref<1x1x128xi32, #tpu.memory_space<hbm>> -> memref<1x128xi32, #tpu.memory_space<hbm>>
        tpu.enqueue_dma source(%dma_start3A_274 : memref<1x128xi32, #tpu.memory_space<hbm>>) target(%arg15 : memref<1x128xi32, #tpu.memory_space<vmem>>) target_semaphore(%arg26 : memref<!tpu.dma_semaphore, #tpu.memory_space<semaphore_mem>>)
        %add3A_275 = arith.constant 2 : i32
        %add3A_276 = arith.addi %mul3A_149, %add3A_275 : i32
        %dma_wait3A_277 = arith.constant 1 : i32
        %dma_wait3A_278 = arith.constant 0 : i32
        %dma_wait3A_279 = arith.constant 0 : i32
        %dma_wait3A_280 = tpu.memref_slice %arg4[%dma_wait3A_277, %arg1, %dma_wait3A_278, %dma_wait3A_279] : memref<2x16x82x128xi32, #tpu.memory_space<hbm>> -> memref<1x1x1x128xi32, #tpu.memory_space<hbm>>
        %dma_wait3A_281 = tpu.memref_squeeze %dma_wait3A_280 : memref<1x1x1x128xi32, #tpu.memory_space<hbm>> -> memref<1x128xi32, #tpu.memory_space<hbm>>
        %dma_wait3A_282 = arith.constant 0 : i32
        %dma_wait3A_283 = arith.constant 0 : i32
        %dma_wait3A_284 = tpu.memref_slice %arg4[%dma_wait3A_277, %arg1, %dma_wait3A_282, %dma_wait3A_283] : memref<2x16x82x128xi32, #tpu.memory_space<hbm>> -> memref<1x1x1x128xi32, #tpu.memory_space<hbm>>
        %dma_wait3A_285 = tpu.memref_squeeze %dma_wait3A_284 : memref<1x1x1x128xi32, #tpu.memory_space<hbm>> -> memref<1x128xi32, #tpu.memory_space<hbm>>
        tpu.wait_dma2 semaphore(%arg26 : memref<!tpu.dma_semaphore, #tpu.memory_space<semaphore_mem>>) src(%dma_wait3A_285 : memref<1x128xi32, #tpu.memory_space<hbm>>) dst(%arg14 : memref<1x128xi32, #tpu.memory_space<vmem>>)
        %dma_wait3A_286 = arith.constant 0 : i32
        %dma_wait3A_287 = arith.constant 0 : i32
        %dma_wait3A_288 = tpu.memref_slice %arg5[%arg1, %dma_wait3A_286, %dma_wait3A_287] : memref<16x82x128xi32, #tpu.memory_space<hbm>> -> memref<1x1x128xi32, #tpu.memory_space<hbm>>
        %dma_wait3A_289 = tpu.memref_squeeze %dma_wait3A_288 : memref<1x1x128xi32, #tpu.memory_space<hbm>> -> memref<1x128xi32, #tpu.memory_space<hbm>>
        %dma_wait3A_290 = arith.constant 0 : i32
        %dma_wait3A_291 = arith.constant 0 : i32
        %dma_wait3A_292 = tpu.memref_slice %arg5[%arg1, %dma_wait3A_290, %dma_wait3A_291] : memref<16x82x128xi32, #tpu.memory_space<hbm>> -> memref<1x1x128xi32, #tpu.memory_space<hbm>>
        %dma_wait3A_293 = tpu.memref_squeeze %dma_wait3A_292 : memref<1x1x128xi32, #tpu.memory_space<hbm>> -> memref<1x128xi32, #tpu.memory_space<hbm>>
        tpu.wait_dma2 semaphore(%arg26 : memref<!tpu.dma_semaphore, #tpu.memory_space<semaphore_mem>>) src(%dma_wait3A_293 : memref<1x128xi32, #tpu.memory_space<hbm>>) dst(%arg15 : memref<1x128xi32, #tpu.memory_space<vmem>>)
        %dma_wait3A_294 = arith.constant 0 : i32
        %dma_wait3A_295 = arith.constant 0 : i32
        %dma_wait3A_296 = tpu.memref_slice %arg17[%dma_wait3A_294, %dma_wait3A_295] : memref<1x128xi32, #tpu.memory_space<vmem>> -> memref<1x128xi32, #tpu.memory_space<vmem>>
        %dma_wait3A_297 = tpu.memref_squeeze %dma_wait3A_296 : memref<1x128xi32, #tpu.memory_space<vmem>> -> memref<128xi32, #tpu.memory_space<vmem>>
        %dma_wait3A_298 = arith.constant 0 : i32
        %dma_wait3A_299 = arith.constant 0 : i32
        %dma_wait3A_300 = tpu.memref_slice %arg3[%dma_wait3A_298, %dma_wait3A_299] : memref<10112x128xf32, #tpu.memory_space<hbm>> -> memref<10112x128xf32, #tpu.memory_space<hbm>>
        tpu.wait_indirect_dma semaphore(%arg25 : memref<!tpu.dma_semaphore, #tpu.memory_space<semaphore_mem>>) src(%dma_wait3A_300 : memref<10112x128xf32, #tpu.memory_space<hbm>>) dst(%arg19 : memref<128x128xf32, #tpu.memory_space<vmem>>)
        %dma_start3A_301 = arith.constant 0 : i32
        %dma_start3A_302 = arith.constant 0 : i32
        %dma_start3A_303 = tpu.memref_slice %arg15[%dma_start3A_301, %dma_start3A_302] : memref<1x128xi32, #tpu.memory_space<vmem>> -> memref<1x128xi32, #tpu.memory_space<vmem>>
        %dma_start3A_304 = tpu.memref_squeeze %dma_start3A_303 : memref<1x128xi32, #tpu.memory_space<vmem>> -> memref<128xi32, #tpu.memory_space<vmem>>
        %dma_start3A_305 = arith.constant 0 : i32
        %dma_start3A_306 = arith.constant 0 : i32
        %dma_start3A_307 = tpu.memref_slice %arg3[%dma_start3A_305, %dma_start3A_306] : memref<10112x128xf32, #tpu.memory_space<hbm>> -> memref<10112x128xf32, #tpu.memory_space<hbm>>
        tpu.enqueue_indirect_dma source(%dma_start3A_307 : memref<10112x128xf32, #tpu.memory_space<hbm>>) target(%arg18 : memref<128x128xf32, #tpu.memory_space<vmem>>) offsets(%dma_start3A_304 : memref<128xi32, #tpu.memory_space<vmem>>) semaphore(%arg24 : memref<!tpu.dma_semaphore, #tpu.memory_space<semaphore_mem>>)
        %run_scoped3A_308 = arith.constant 0 : i32
        "tpu.region"() ({
          %run_scoped3A_404 = tpu.sem_alloc : memref<!tpu.dma_semaphore, #tpu.memory_space<semaphore_mem>>
          %dma_start3A_405 = arith.constant 0 : i32
          %dma_start3A_406 = tpu.memref_slice %arg16[%run_scoped3A_308, %dma_start3A_405] : memref<1x128xi32, #tpu.memory_space<vmem>> -> memref<1x128xi32, #tpu.memory_space<vmem>>
          %dma_start3A_407 = tpu.memref_squeeze %dma_start3A_406 : memref<1x128xi32, #tpu.memory_space<vmem>> -> memref<128xi32, #tpu.memory_space<vmem>>
          %dma_start3A_408 = arith.constant 0 : i32
          %dma_start3A_409 = arith.constant 0 : i32
          %dma_start3A_410 = tpu.memref_slice %arg22[%dma_start3A_408, %dma_start3A_409] : memref<5120x128xf32, #tpu.memory_space<vmem_shared>> -> memref<5120x128xf32, #tpu.memory_space<vmem_shared>>
          tpu.enqueue_indirect_dma source(%arg19 : memref<128x128xf32, #tpu.memory_space<vmem>>) target(%dma_start3A_410 : memref<5120x128xf32, #tpu.memory_space<vmem_shared>>) offsets(%dma_start3A_407 : memref<128xi32, #tpu.memory_space<vmem>>) semaphore(%run_scoped3A_404 : memref<!tpu.dma_semaphore, #tpu.memory_space<semaphore_mem>>) {add = true}
          %dma_wait3A_411 = arith.constant 0 : i32
          %dma_wait3A_412 = tpu.memref_slice %arg16[%run_scoped3A_308, %dma_wait3A_411] : memref<1x128xi32, #tpu.memory_space<vmem>> -> memref<1x128xi32, #tpu.memory_space<vmem>>
          %dma_wait3A_413 = tpu.memref_squeeze %dma_wait3A_412 : memref<1x128xi32, #tpu.memory_space<vmem>> -> memref<128xi32, #tpu.memory_space<vmem>>
          %dma_wait3A_414 = arith.constant 0 : i32
          %dma_wait3A_415 = arith.constant 0 : i32
          %dma_wait3A_416 = tpu.memref_slice %arg22[%dma_wait3A_414, %dma_wait3A_415] : memref<5120x128xf32, #tpu.memory_space<vmem_shared>> -> memref<5120x128xf32, #tpu.memory_space<vmem_shared>>
          tpu.wait_indirect_dma semaphore(%run_scoped3A_404 : memref<!tpu.dma_semaphore, #tpu.memory_space<semaphore_mem>>) src(%arg19 : memref<128x128xf32, #tpu.memory_space<vmem>>) dst(%dma_wait3A_416 : memref<5120x128xf32, #tpu.memory_space<vmem_shared>>)
          tpu.yield
        }) : () -> ()
        %get3A_309 = arith.constant 0 : i32
        %get3A_310 = arith.index_cast %get3A_309 : i32 to index
        %get3A_311 = arith.constant 0 : index
        %get3A_312 = tpu.vector_load %arg16[%get3A_310, %get3A_311] {strides = array<i32>} : memref<1x128xi32, #tpu.memory_space<vmem>>, vector<16xi32>,
        %shift_right_logical3A_313 = arith.constant 7 : i32
        %shift_right_logical3A_314 = vector.broadcast %shift_right_logical3A_313 : i32 to vector<16xi32>
        %shift_right_logical3A_315 = arith.shrui %get3A_312, %shift_right_logical3A_314 : vector<16xi32>
        %and3A_316 = arith.constant 127 : i32
        %and3A_317 = vector.broadcast %and3A_316 : i32 to vector<16xi32>
        %and3A_318 = arith.andi %get3A_312, %and3A_317 : vector<16xi32>
        tpu.vector_store_idx %arg20[%shift_right_logical3A_315, %and3A_318], %broadcast_in_dim3A_0 {add = true} : memref<128x128xf32, #tpu.memory_space<vmem>>[vector<16xi32>, vector<16xi32>], vector<16xf32>,
        %get3A_319 = arith.constant 0 : i32
        %get3A_320 = arith.index_cast %get3A_319 : i32 to index
        %get3A_321 = arith.constant 16 : index
        %get3A_322 = tpu.vector_load %arg16[%get3A_320, %get3A_321] {strides = array<i32>} : memref<1x128xi32, #tpu.memory_space<vmem>>, vector<16xi32>,
        %shift_right_logical3A_323 = arith.constant 7 : i32
        %shift_right_logical3A_324 = vector.broadcast %shift_right_logical3A_323 : i32 to vector<16xi32>
        %shift_right_logical3A_325 = arith.shrui %get3A_322, %shift_right_logical3A_324 : vector<16xi32>
        %and3A_326 = arith.constant 127 : i32
        %and3A_327 = vector.broadcast %and3A_326 : i32 to vector<16xi32>
        %and3A_328 = arith.andi %get3A_322, %and3A_327 : vector<16xi32>
        tpu.vector_store_idx %arg20[%shift_right_logical3A_325, %and3A_328], %broadcast_in_dim3A_0 {add = true} : memref<128x128xf32, #tpu.memory_space<vmem>>[vector<16xi32>, vector<16xi32>], vector<16xf32>,
        %get3A_329 = arith.constant 0 : i32
        %get3A_330 = arith.index_cast %get3A_329 : i32 to index
        %get3A_331 = arith.constant 32 : index
        %get3A_332 = tpu.vector_load %arg16[%get3A_330, %get3A_331] {strides = array<i32>} : memref<1x128xi32, #tpu.memory_space<vmem>>, vector<16xi32>,
        %shift_right_logical3A_333 = arith.constant 7 : i32
        %shift_right_logical3A_334 = vector.broadcast %shift_right_logical3A_333 : i32 to vector<16xi32>
        %shift_right_logical3A_335 = arith.shrui %get3A_332, %shift_right_logical3A_334 : vector<16xi32>
        %and3A_336 = arith.constant 127 : i32
        %and3A_337 = vector.broadcast %and3A_336 : i32 to vector<16xi32>
        %and3A_338 = arith.andi %get3A_332, %and3A_337 : vector<16xi32>
        tpu.vector_store_idx %arg20[%shift_right_logical3A_335, %and3A_338], %broadcast_in_dim3A_0 {add = true} : memref<128x128xf32, #tpu.memory_space<vmem>>[vector<16xi32>, vector<16xi32>], vector<16xf32>,
        %get3A_339 = arith.constant 0 : i32
        %get3A_340 = arith.index_cast %get3A_339 : i32 to index
        %get3A_341 = arith.constant 48 : index
        %get3A_342 = tpu.vector_load %arg16[%get3A_340, %get3A_341] {strides = array<i32>} : memref<1x128xi32, #tpu.memory_space<vmem>>, vector<16xi32>,
        %shift_right_logical3A_343 = arith.constant 7 : i32
        %shift_right_logical3A_344 = vector.broadcast %shift_right_logical3A_343 : i32 to vector<16xi32>
        %shift_right_logical3A_345 = arith.shrui %get3A_342, %shift_right_logical3A_344 : vector<16xi32>
        %and3A_346 = arith.constant 127 : i32
        %and3A_347 = vector.broadcast %and3A_346 : i32 to vector<16xi32>
        %and3A_348 = arith.andi %get3A_342, %and3A_347 : vector<16xi32>
        tpu.vector_store_idx %arg20[%shift_right_logical3A_345, %and3A_348], %broadcast_in_dim3A_0 {add = true} : memref<128x128xf32, #tpu.memory_space<vmem>>[vector<16xi32>, vector<16xi32>], vector<16xf32>,
        %get3A_349 = arith.constant 0 : i32
        %get3A_350 = arith.index_cast %get3A_349 : i32 to index
        %get3A_351 = arith.constant 64 : index
        %get3A_352 = tpu.vector_load %arg16[%get3A_350, %get3A_351] {strides = array<i32>} : memref<1x128xi32, #tpu.memory_space<vmem>>, vector<16xi32>,
        %shift_right_logical3A_353 = arith.constant 7 : i32
        %shift_right_logical3A_354 = vector.broadcast %shift_right_logical3A_353 : i32 to vector<16xi32>
        %shift_right_logical3A_355 = arith.shrui %get3A_352, %shift_right_logical3A_354 : vector<16xi32>
        %and3A_356 = arith.constant 127 : i32
        %and3A_357 = vector.broadcast %and3A_356 : i32 to vector<16xi32>
        %and3A_358 = arith.andi %get3A_352, %and3A_357 : vector<16xi32>
        tpu.vector_store_idx %arg20[%shift_right_logical3A_355, %and3A_358], %broadcast_in_dim3A_0 {add = true} : memref<128x128xf32, #tpu.memory_space<vmem>>[vector<16xi32>, vector<16xi32>], vector<16xf32>,
        %get3A_359 = arith.constant 0 : i32
        %get3A_360 = arith.index_cast %get3A_359 : i32 to index
        %get3A_361 = arith.constant 80 : index
        %get3A_362 = tpu.vector_load %arg16[%get3A_360, %get3A_361] {strides = array<i32>} : memref<1x128xi32, #tpu.memory_space<vmem>>, vector<16xi32>,
        %shift_right_logical3A_363 = arith.constant 7 : i32
        %shift_right_logical3A_364 = vector.broadcast %shift_right_logical3A_363 : i32 to vector<16xi32>
        %shift_right_logical3A_365 = arith.shrui %get3A_362, %shift_right_logical3A_364 : vector<16xi32>
        %and3A_366 = arith.constant 127 : i32
        %and3A_367 = vector.broadcast %and3A_366 : i32 to vector<16xi32>
        %and3A_368 = arith.andi %get3A_362, %and3A_367 : vector<16xi32>
        tpu.vector_store_idx %arg20[%shift_right_logical3A_365, %and3A_368], %broadcast_in_dim3A_0 {add = true} : memref<128x128xf32, #tpu.memory_space<vmem>>[vector<16xi32>, vector<16xi32>], vector<16xf32>,
        %get3A_369 = arith.constant 0 : i32
        %get3A_370 = arith.index_cast %get3A_369 : i32 to index
        %get3A_371 = arith.constant 96 : index
        %get3A_372 = tpu.vector_load %arg16[%get3A_370, %get3A_371] {strides = array<i32>} : memref<1x128xi32, #tpu.memory_space<vmem>>, vector<16xi32>,
        %shift_right_logical3A_373 = arith.constant 7 : i32
        %shift_right_logical3A_374 = vector.broadcast %shift_right_logical3A_373 : i32 to vector<16xi32>
        %shift_right_logical3A_375 = arith.shrui %get3A_372, %shift_right_logical3A_374 : vector<16xi32>
        %and3A_376 = arith.constant 127 : i32
        %and3A_377 = vector.broadcast %and3A_376 : i32 to vector<16xi32>
        %and3A_378 = arith.andi %get3A_372, %and3A_377 : vector<16xi32>
        tpu.vector_store_idx %arg20[%shift_right_logical3A_375, %and3A_378], %broadcast_in_dim3A_0 {add = true} : memref<128x128xf32, #tpu.memory_space<vmem>>[vector<16xi32>, vector<16xi32>], vector<16xf32>,
        %get3A_379 = arith.constant 0 : i32
        %get3A_380 = arith.index_cast %get3A_379 : i32 to index
        %get3A_381 = arith.constant 112 : index
        %get3A_382 = tpu.vector_load %arg16[%get3A_380, %get3A_381] {strides = array<i32>} : memref<1x128xi32, #tpu.memory_space<vmem>>, vector<16xi32>,
        %shift_right_logical3A_383 = arith.constant 7 : i32
        %shift_right_logical3A_384 = vector.broadcast %shift_right_logical3A_383 : i32 to vector<16xi32>
        %shift_right_logical3A_385 = arith.shrui %get3A_382, %shift_right_logical3A_384 : vector<16xi32>
        %and3A_386 = arith.constant 127 : i32
        %and3A_387 = vector.broadcast %and3A_386 : i32 to vector<16xi32>
        %and3A_388 = arith.andi %get3A_382, %and3A_387 : vector<16xi32>
        tpu.vector_store_idx %arg20[%shift_right_logical3A_385, %and3A_388], %broadcast_in_dim3A_0 {add = true} : memref<128x128xf32, #tpu.memory_space<vmem>>[vector<16xi32>, vector<16xi32>], vector<16xf32>,
        %add3A_389 = arith.constant 1 : i32
        %add3A_390 = arith.addi %add3A_276, %add3A_389 : i32
        %dma_start3A_391 = arith.constant 1 : i32
        %dma_start3A_392 = arith.constant 0 : i32
        %dma_start3A_393 = tpu.memref_slice %arg4[%dma_start3A_391, %arg1, %add3A_390, %dma_start3A_392] : memref<2x16x82x128xi32, #tpu.memory_space<hbm>> -> memref<1x1x1x128xi32, #tpu.memory_space<hbm>>
        %dma_start3A_394 = tpu.memref_squeeze %dma_start3A_393 : memref<1x1x1x128xi32, #tpu.memory_space<hbm>> -> memref<1x128xi32, #tpu.memory_space<hbm>>
        %dma_start3A_395 = arith.constant 0 : i32
        %dma_start3A_396 = tpu.memref_slice %arg4[%dma_start3A_391, %arg1, %add3A_390, %dma_start3A_395] : memref<2x16x82x128xi32, #tpu.memory_space<hbm>> -> memref<1x1x1x128xi32, #tpu.memory_space<hbm>>
        %dma_start3A_397 = tpu.memref_squeeze %dma_start3A_396 : memref<1x1x1x128xi32, #tpu.memory_space<hbm>> -> memref<1x128xi32, #tpu.memory_space<hbm>>
        tpu.enqueue_dma source(%dma_start3A_397 : memref<1x128xi32, #tpu.memory_space<hbm>>) target(%arg16 : memref<1x128xi32, #tpu.memory_space<vmem>>) target_semaphore(%arg27 : memref<!tpu.dma_semaphore, #tpu.memory_space<semaphore_mem>>)
        %dma_start3A_398 = arith.constant 0 : i32
        %dma_start3A_399 = tpu.memref_slice %arg5[%arg1, %add3A_390, %dma_start3A_398] : memref<16x82x128xi32, #tpu.memory_space<hbm>> -> memref<1x1x128xi32, #tpu.memory_space<hbm>>
        %dma_start3A_400 = tpu.memref_squeeze %dma_start3A_399 : memref<1x1x128xi32, #tpu.memory_space<hbm>> -> memref<1x128xi32, #tpu.memory_space<hbm>>
        %dma_start3A_401 = arith.constant 0 : i32
        %dma_start3A_402 = tpu.memref_slice %arg5[%arg1, %add3A_390, %dma_start3A_401] : memref<16x82x128xi32, #tpu.memory_space<hbm>> -> memref<1x1x128xi32, #tpu.memory_space<hbm>>
        %dma_start3A_403 = tpu.memref_squeeze %dma_start3A_402 : memref<1x1x128xi32, #tpu.memory_space<hbm>> -> memref<1x128xi32, #tpu.memory_space<hbm>>
        tpu.enqueue_dma source(%dma_start3A_403 : memref<1x128xi32, #tpu.memory_space<hbm>>) target(%arg17 : memref<1x128xi32, #tpu.memory_space<vmem>>) target_semaphore(%arg27 : memref<!tpu.dma_semaphore, #tpu.memory_space<semaphore_mem>>)
      }
      %scan3A_112 = arith.constant 40 : i32
      %dma_wait3A_113 = arith.constant 1 : i32
      %dma_wait3A_114 = arith.constant 0 : i32
      %dma_wait3A_115 = arith.constant 0 : i32
      %dma_wait3A_116 = tpu.memref_slice %arg4[%dma_wait3A_113, %arg1, %dma_wait3A_114, %dma_wait3A_115] : memref<2x16x82x128xi32, #tpu.memory_space<hbm>> -> memref<1x1x1x128xi32, #tpu.memory_space<hbm>>
      %dma_wait3A_117 = tpu.memref_squeeze %dma_wait3A_116 : memref<1x1x1x128xi32, #tpu.memory_space<hbm>> -> memref<1x128xi32, #tpu.memory_space<hbm>>
      %dma_wait3A_118 = arith.constant 0 : i32
      %dma_wait3A_119 = arith.constant 0 : i32
      %dma_wait3A_120 = tpu.memref_slice %arg4[%dma_wait3A_113, %arg1, %dma_wait3A_118, %dma_wait3A_119] : memref<2x16x82x128xi32, #tpu.memory_space<hbm>> -> memref<1x1x1x128xi32, #tpu.memory_space<hbm>>
      %dma_wait3A_121 = tpu.memref_squeeze %dma_wait3A_120 : memref<1x1x1x128xi32, #tpu.memory_space<hbm>> -> memref<1x128xi32, #tpu.memory_space<hbm>>
      tpu.wait_dma2 semaphore(%arg27 : memref<!tpu.dma_semaphore, #tpu.memory_space<semaphore_mem>>) src(%dma_wait3A_121 : memref<1x128xi32, #tpu.memory_space<hbm>>) dst(%arg16 : memref<1x128xi32, #tpu.memory_space<vmem>>)
      %dma_wait3A_122 = arith.constant 0 : i32
      %dma_wait3A_123 = arith.constant 0 : i32
      %dma_wait3A_124 = tpu.memref_slice %arg5[%arg1, %dma_wait3A_122, %dma_wait3A_123] : memref<16x82x128xi32, #tpu.memory_space<hbm>> -> memref<1x1x128xi32, #tpu.memory_space<hbm>>
      %dma_wait3A_125 = tpu.memref_squeeze %dma_wait3A_124 : memref<1x1x128xi32, #tpu.memory_space<hbm>> -> memref<1x128xi32, #tpu.memory_space<hbm>>
      %dma_wait3A_126 = arith.constant 0 : i32
      %dma_wait3A_127 = arith.constant 0 : i32
      %dma_wait3A_128 = tpu.memref_slice %arg5[%arg1, %dma_wait3A_126, %dma_wait3A_127] : memref<16x82x128xi32, #tpu.memory_space<hbm>> -> memref<1x1x128xi32, #tpu.memory_space<hbm>>
      %dma_wait3A_129 = tpu.memref_squeeze %dma_wait3A_128 : memref<1x1x128xi32, #tpu.memory_space<hbm>> -> memref<1x128xi32, #tpu.memory_space<hbm>>
      tpu.wait_dma2 semaphore(%arg27 : memref<!tpu.dma_semaphore, #tpu.memory_space<semaphore_mem>>) src(%dma_wait3A_129 : memref<1x128xi32, #tpu.memory_space<hbm>>) dst(%arg17 : memref<1x128xi32, #tpu.memory_space<vmem>>)
      %dma_wait3A_130 = arith.constant 0 : i32
      %dma_wait3A_131 = arith.constant 0 : i32
      %dma_wait3A_132 = tpu.memref_slice %arg15[%dma_wait3A_130, %dma_wait3A_131] : memref<1x128xi32, #tpu.memory_space<vmem>> -> memref<1x128xi32, #tpu.memory_space<vmem>>
      %dma_wait3A_133 = tpu.memref_squeeze %dma_wait3A_132 : memref<1x128xi32, #tpu.memory_space<vmem>> -> memref<128xi32, #tpu.memory_space<vmem>>
      %dma_wait3A_134 = arith.constant 0 : i32
      %dma_wait3A_135 = arith.constant 0 : i32
      %dma_wait3A_136 = tpu.memref_slice %arg3[%dma_wait3A_134, %dma_wait3A_135] : memref<10112x128xf32, #tpu.memory_space<hbm>> -> memref<10112x128xf32, #tpu.memory_space<hbm>>
      tpu.wait_indirect_dma semaphore(%arg24 : memref<!tpu.dma_semaphore, #tpu.memory_space<semaphore_mem>>) src(%dma_wait3A_136 : memref<10112x128xf32, #tpu.memory_space<hbm>>) dst(%arg18 : memref<128x128xf32, #tpu.memory_space<vmem>>)
      %run_scoped3A_137 = arith.constant 0 : i32
      "tpu.region"() ({
        %run_scoped3A_147 = tpu.sem_alloc : memref<!tpu.dma_semaphore, #tpu.memory_space<semaphore_mem>>
        %dma_start3A_148 = arith.constant 0 : i32
        %dma_start3A_149 = tpu.memref_slice %arg21[%run_scoped3A_137, %dma_start3A_148] : memref<1x128xi32, #tpu.memory_space<vmem>> -> memref<1x128xi32, #tpu.memory_space<vmem>>
        %dma_start3A_150 = tpu.memref_squeeze %dma_start3A_149 : memref<1x128xi32, #tpu.memory_space<vmem>> -> memref<128xi32, #tpu.memory_space<vmem>>
        %dma_start3A_151 = arith.constant 0 : i32
        %dma_start3A_152 = arith.constant 0 : i32
        %dma_start3A_153 = tpu.memref_slice %arg23[%dma_start3A_151, %dma_start3A_152] : memref<128x128xf32, #tpu.memory_space<vmem_shared>> -> memref<128x128xf32, #tpu.memory_space<vmem_shared>>
        tpu.enqueue_indirect_dma source(%arg20 : memref<128x128xf32, #tpu.memory_space<vmem>>) target(%dma_start3A_153 : memref<128x128xf32, #tpu.memory_space<vmem_shared>>) offsets(%dma_start3A_150 : memref<128xi32, #tpu.memory_space<vmem>>) semaphore(%run_scoped3A_147 : memref<!tpu.dma_semaphore, #tpu.memory_space<semaphore_mem>>) {add = true}
        %dma_wait3A_154 = arith.constant 0 : i32
        %dma_wait3A_155 = tpu.memref_slice %arg21[%run_scoped3A_137, %dma_wait3A_154] : memref<1x128xi32, #tpu.memory_space<vmem>> -> memref<1x128xi32, #tpu.memory_space<vmem>>
        %dma_wait3A_156 = tpu.memref_squeeze %dma_wait3A_155 : memref<1x128xi32, #tpu.memory_space<vmem>> -> memref<128xi32, #tpu.memory_space<vmem>>
        %dma_wait3A_157 = arith.constant 0 : i32
        %dma_wait3A_158 = arith.constant 0 : i32
        %dma_wait3A_159 = tpu.memref_slice %arg23[%dma_wait3A_157, %dma_wait3A_158] : memref<128x128xf32, #tpu.memory_space<vmem_shared>> -> memref<128x128xf32, #tpu.memory_space<vmem_shared>>
        tpu.wait_indirect_dma semaphore(%run_scoped3A_147 : memref<!tpu.dma_semaphore, #tpu.memory_space<semaphore_mem>>) src(%arg20 : memref<128x128xf32, #tpu.memory_space<vmem>>) dst(%dma_wait3A_159 : memref<128x128xf32, #tpu.memory_space<vmem_shared>>)
        tpu.yield
      }) : () -> ()
      %barrier3A_138 = arith.constant 0 : index
      tpu.barrier barrier_id(%barrier3A_138)
      %mul3A_139 = arith.constant 320 : i32
      %mul3A_140 = arith.muli %arg1, %mul3A_139 : i32
      %mul3A_141 = arith.constant 320 : i32
      %mul3A_142 = arith.muli %arg1, %mul3A_141 : i32
      "tpu.region"() ({
        %run_scoped3A_147 = tpu.sem_alloc : memref<!tpu.dma_semaphore, #tpu.memory_space<semaphore_mem>>
        %dma_start3A_148 = arith.constant 0 : i32
        %dma_start3A_149 = tpu.memref_slice %arg11[%mul3A_142, %dma_start3A_148] : memref<5120x128xf32, #tpu.memory_space<hbm>> -> memref<320x128xf32, #tpu.memory_space<hbm>>
        %dma_start3A_150 = arith.constant 0 : i32
        %dma_start3A_151 = tpu.memref_slice %arg22[%mul3A_140, %dma_start3A_150] : memref<5120x128xf32, #tpu.memory_space<vmem_shared>> -> memref<320x128xf32, #tpu.memory_space<vmem_shared>>
        tpu.enqueue_dma source(%dma_start3A_151 : memref<320x128xf32, #tpu.memory_space<vmem_shared>>) target(%dma_start3A_149 : memref<320x128xf32, #tpu.memory_space<hbm>>) target_semaphore(%run_scoped3A_147 : memref<!tpu.dma_semaphore, #tpu.memory_space<semaphore_mem>>)
        %dma_wait3A_152 = arith.constant 0 : i32
        %dma_wait3A_153 = tpu.memref_slice %arg11[%mul3A_142, %dma_wait3A_152] : memref<5120x128xf32, #tpu.memory_space<hbm>> -> memref<320x128xf32, #tpu.memory_space<hbm>>
        %dma_wait3A_154 = arith.constant 0 : i32
        %dma_wait3A_155 = tpu.memref_slice %arg22[%mul3A_140, %dma_wait3A_154] : memref<5120x128xf32, #tpu.memory_space<vmem_shared>> -> memref<320x128xf32, #tpu.memory_space<vmem_shared>>
        tpu.wait_dma2 semaphore(%run_scoped3A_147 : memref<!tpu.dma_semaphore, #tpu.memory_space<semaphore_mem>>) src(%dma_wait3A_155 : memref<320x128xf32, #tpu.memory_space<vmem_shared>>) dst(%dma_wait3A_153 : memref<320x128xf32, #tpu.memory_space<hbm>>)
        tpu.yield
      }) : () -> ()
      %mul3A_143 = arith.constant 8 : i32
      %mul3A_144 = arith.muli %arg1, %mul3A_143 : i32
      %mul3A_145 = arith.constant 8 : i32
      %mul3A_146 = arith.muli %arg1, %mul3A_145 : i32
      "tpu.region"() ({
        %run_scoped3A_147 = tpu.sem_alloc : memref<!tpu.dma_semaphore, #tpu.memory_space<semaphore_mem>>
        %dma_start3A_148 = arith.constant 0 : i32
        %dma_start3A_149 = tpu.memref_slice %arg13[%mul3A_146, %dma_start3A_148] : memref<128x128xf32, #tpu.memory_space<hbm>> -> memref<8x128xf32, #tpu.memory_space<hbm>>
        %dma_start3A_150 = arith.constant 0 : i32
        %dma_start3A_151 = tpu.memref_slice %arg23[%mul3A_144, %dma_start3A_150] : memref<128x128xf32, #tpu.memory_space<vmem_shared>> -> memref<8x128xf32, #tpu.memory_space<vmem_shared>>
        tpu.enqueue_dma source(%dma_start3A_151 : memref<8x128xf32, #tpu.memory_space<vmem_shared>>) target(%dma_start3A_149 : memref<8x128xf32, #tpu.memory_space<hbm>>) target_semaphore(%run_scoped3A_147 : memref<!tpu.dma_semaphore, #tpu.memory_space<semaphore_mem>>)
        %dma_wait3A_152 = arith.constant 0 : i32
        %dma_wait3A_153 = tpu.memref_slice %arg13[%mul3A_146, %dma_wait3A_152] : memref<128x128xf32, #tpu.memory_space<hbm>> -> memref<8x128xf32, #tpu.memory_space<hbm>>
        %dma_wait3A_154 = arith.constant 0 : i32
        %dma_wait3A_155 = tpu.memref_slice %arg23[%mul3A_144, %dma_wait3A_154] : memref<128x128xf32, #tpu.memory_space<vmem_shared>> -> memref<8x128xf32, #tpu.memory_space<vmem_shared>>
        tpu.wait_dma2 semaphore(%run_scoped3A_147 : memref<!tpu.dma_semaphore, #tpu.memory_space<semaphore_mem>>) src(%dma_wait3A_155 : memref<8x128xf32, #tpu.memory_space<vmem_shared>>) dst(%dma_wait3A_153 : memref<8x128xf32, #tpu.memory_space<hbm>>)
        tpu.yield
      }) : () -> ()
    } else {
    }
    return
  }
}

module attributes {stable_mosaic.version = 14 : i64} {
  func.func @_dense(%arg0: i32, %arg1: memref<1264x256xf32, #tpu.memory_space<vmem>>, %arg2: memref<1264x128xf32, #tpu.memory_space<vmem>>, %arg3: memref<1264x128xf32, #tpu.memory_space<vmem>>, %arg4: memref<1264x1xf32, #tpu.memory_space<vmem>>, %arg5: memref<256x256xf32, #tpu.memory_space<vmem>>, %arg6: memref<128x256xf32, #tpu.memory_space<vmem>>, %arg7: memref<128x256xf32, #tpu.memory_space<vmem>>, %arg8: memref<1264x256xf32, #tpu.memory_space<vmem>>) attributes {dimension_semantics = [#tpu.dimension_semantics<arbitrary>], iteration_bounds = array<i64: 8>, scalar_prefetch = 0 : i64, scratch_operands = 0 : i64, tpu.core_type = #tpu.core_type<tc>, window_params = [{transform_indices = @transform_0, window_bounds = array<i64: 1264, 256>}, {transform_indices = @transform_1, window_bounds = array<i64: 1264, 128>}, {transform_indices = @transform_2, window_bounds = array<i64: 1264, 128>}, {transform_indices = @transform_3, window_bounds = array<i64: 1264, 1>}, {pipeline_mode = #tpu.pipeline_mode<synchronous>, transform_indices = @transform_4, window_bounds = array<i64: 256, 256>}, {pipeline_mode = #tpu.pipeline_mode<synchronous>, transform_indices = @transform_5, window_bounds = array<i64: 128, 256>}, {pipeline_mode = #tpu.pipeline_mode<synchronous>, transform_indices = @transform_6, window_bounds = array<i64: 128, 256>}, {transform_indices = @transform_7, window_bounds = array<i64: 1264, 256>}]} {
    %get3A = arith.constant 0 : index
    %get3A_0 = arith.constant 0 : index
    %get3A_1 = vector.load %arg4[%get3A, %get3A_0] : memref<1264x1xf32, #tpu.memory_space<vmem>>, vector<1264x1xf32>
    %max3A = arith.constant 1.000000e+00 : f32
    %max3A_2 = vector.broadcast %max3A : f32 to vector<1264x1xf32>
    %max3A_3 = arith.maximumf %get3A_1, %max3A_2 : vector<1264x1xf32>
    %div3A = arith.constant 1.000000e+00 : f32
    %div3A_4 = vector.broadcast %div3A : f32 to vector<1264x1xf32>
    %div3A_5 = arith.divf %div3A_4, %max3A_3 : vector<1264x1xf32>
    %get3A_6 = arith.constant 0 : index
    %get3A_7 = arith.constant 0 : index
    %get3A_8 = vector.load %arg1[%get3A_6, %get3A_7] : memref<1264x256xf32, #tpu.memory_space<vmem>>, vector<1264x256xf32>
    %get3A_9 = arith.constant 0 : index
    %get3A_10 = arith.constant 0 : index
    %get3A_11 = vector.load %arg5[%get3A_9, %get3A_10] : memref<256x256xf32, #tpu.memory_space<vmem>>, vector<256x256xf32>
    %dot_general3A = arith.constant dense<0.000000e+00> : vector<1264x256xf32>
    %dot_general3A_12 = tpu.matmul %get3A_8, %get3A_11, %dot_general3A {dimension_numbers = #tpu.dot_dimension_numbers<[1], [0], [0], [1], [0, 0, 1, 1], [], []>, transpose_lhs_hint = false} : vector<1264x256xf32>, vector<256x256xf32>, vector<1264x256xf32> -> vector<1264x256xf32>
    %get3A_13 = arith.constant 0 : index
    %get3A_14 = arith.constant 0 : index
    %get3A_15 = vector.load %arg2[%get3A_13, %get3A_14] : memref<1264x128xf32, #tpu.memory_space<vmem>>, vector<1264x128xf32>
    %get3A_16 = arith.constant 0 : index
    %get3A_17 = arith.constant 0 : index
    %get3A_18 = vector.load %arg6[%get3A_16, %get3A_17] : memref<128x256xf32, #tpu.memory_space<vmem>>, vector<128x256xf32>
    %dot_general3A_19 = arith.constant dense<0.000000e+00> : vector<1264x256xf32>
    %dot_general3A_20 = tpu.matmul %get3A_15, %get3A_18, %dot_general3A_19 {dimension_numbers = #tpu.dot_dimension_numbers<[1], [0], [0], [1], [0, 0, 1, 1], [], []>, transpose_lhs_hint = false} : vector<1264x128xf32>, vector<128x256xf32>, vector<1264x256xf32> -> vector<1264x256xf32>
    %get3A_21 = arith.constant 0 : index
    %get3A_22 = arith.constant 0 : index
    %get3A_23 = vector.load %arg3[%get3A_21, %get3A_22] : memref<1264x128xf32, #tpu.memory_space<vmem>>, vector<1264x128xf32>
    %get3A_24 = arith.constant 0 : index
    %get3A_25 = arith.constant 0 : index
    %get3A_26 = vector.load %arg7[%get3A_24, %get3A_25] : memref<128x256xf32, #tpu.memory_space<vmem>>, vector<128x256xf32>
    %dot_general3A_27 = arith.constant dense<0.000000e+00> : vector<1264x256xf32>
    %dot_general3A_28 = tpu.matmul %get3A_23, %get3A_26, %dot_general3A_27 {dimension_numbers = #tpu.dot_dimension_numbers<[1], [0], [0], [1], [0, 0, 1, 1], [], []>, transpose_lhs_hint = false} : vector<1264x128xf32>, vector<128x256xf32>, vector<1264x256xf32> -> vector<1264x256xf32>
    %add3A = arith.addf %dot_general3A_20, %dot_general3A_28 : vector<1264x256xf32>
    %mul3A = vector.broadcast %div3A_5 : vector<1264x1xf32> to vector<1264x256xf32>
    %mul3A_29 = arith.mulf %add3A, %mul3A : vector<1264x256xf32>
    %add3A_30 = arith.addf %dot_general3A_12, %mul3A_29 : vector<1264x256xf32>
    %mul3A_31 = arith.mulf %add3A_30, %add3A_30 : vector<1264x256xf32>
    %reduce_sum3A = arith.constant dense<0.000000e+00> : vector<1264xf32>
    %reduce_sum3A_32 = vector.multi_reduction <add>, %mul3A_31, %reduce_sum3A [1] : vector<1264x256xf32> to vector<1264xf32>
    %broadcast_in_dim3A = vector.shape_cast %reduce_sum3A_32 : vector<1264xf32> to vector<1264x1xf32>
    %rsqrt3A = math.rsqrt %broadcast_in_dim3A : vector<1264x1xf32>
    %mul3A_33 = vector.broadcast %rsqrt3A : vector<1264x1xf32> to vector<1264x256xf32>
    %mul3A_34 = arith.mulf %add3A_30, %mul3A_33 : vector<1264x256xf32>
    %swap3A = arith.constant 0 : index
    %swap3A_35 = arith.constant 0 : index
    %swap3A_36 = vector.load %arg8[%swap3A, %swap3A_35] : memref<1264x256xf32, #tpu.memory_space<vmem>>, vector<1264x256xf32>
    tpu.vector_store %arg8[%swap3A, %swap3A_35], %mul3A_34 {strides = array<i32>} : memref<1264x256xf32, #tpu.memory_space<vmem>>, vector<1264x256xf32>,
    return
  }
  func.func @transform_0(%arg0: i32) -> (i32, i32) {
    %c0_i32 = arith.constant 0 : i32
    %c0_i32_0 = arith.constant 0 : i32
    return %arg0, %c0_i32 : i32, i32
  }
  func.func @transform_1(%arg0: i32) -> (i32, i32) {
    %c0_i32 = arith.constant 0 : i32
    %c0_i32_0 = arith.constant 0 : i32
    return %arg0, %c0_i32 : i32, i32
  }
  func.func @transform_2(%arg0: i32) -> (i32, i32) {
    %c0_i32 = arith.constant 0 : i32
    %c0_i32_0 = arith.constant 0 : i32
    return %arg0, %c0_i32 : i32, i32
  }
  func.func @transform_3(%arg0: i32) -> (i32, i32) {
    %c0_i32 = arith.constant 0 : i32
    %c0_i32_0 = arith.constant 0 : i32
    return %arg0, %c0_i32 : i32, i32
  }
  func.func @transform_4(%arg0: i32) -> (i32, i32) {
    %c0_i32 = arith.constant 0 : i32
    %c0_i32_0 = arith.constant 0 : i32
    %c0_i32_1 = arith.constant 0 : i32
    return %c0_i32, %c0_i32_0 : i32, i32
  }
  func.func @transform_5(%arg0: i32) -> (i32, i32) {
    %c0_i32 = arith.constant 0 : i32
    %c0_i32_0 = arith.constant 0 : i32
    %c0_i32_1 = arith.constant 0 : i32
    return %c0_i32, %c0_i32_0 : i32, i32
  }
  func.func @transform_6(%arg0: i32) -> (i32, i32) {
    %c0_i32 = arith.constant 0 : i32
    %c0_i32_0 = arith.constant 0 : i32
    %c0_i32_1 = arith.constant 0 : i32
    return %c0_i32, %c0_i32_0 : i32, i32
  }
  func.func @transform_7(%arg0: i32) -> (i32, i32) {
    %c0_i32 = arith.constant 0 : i32
    %c0_i32_0 = arith.constant 0 : i32
    return %arg0, %c0_i32 : i32, i32
  }
}

</mosaic_0001>

<sc_bundles>
// kernel: kernel.4.cloned.1.call-start
scs
__scs_entry_jumppad:
0x0: {  	(pc) =	sbr.rel $0x88, $3  }
0x1: {  	(tag) =	ssettag $0x0;
	lr =	simm.s32 $0x1  }
0x2: {  	[smem:$0x3F9D] =	sst lr;
	_ =	strace $0xD0000000  }
0x3: {  	_ = 	snop  }
0x4: {  	_ = 	snop  }
0x5: {  	_ = 	snop  }
0x6: {  	_ = 	snop  }
0x7: {  	_ = 	snop  }
__scs_overlays_trampoline_lowered:
0x8: {  	[smem:$0x3FAC] =	sst s0  }
0x9: {  	[smem:$0x3FAD] =	sst s1  }
0xa: {  	[smem:$0x3FAE] =	sst s2  }
0xb: {  	[smem:$0x3FAF] =	sst s3  }
0xc: {  	[smem:$0x3FB0] =	sst s4  }
0xd: {  	[smem:$0x3FB1] =	sst s5  }
0xe: {  	[smem:$0x3FB2] =	sst s6  }
0xf: {  	[smem:$0x3FB3] =	sst s7  }
0x10: {  	[smem:$0x3FB4] =	sst s8  }
0x11: {  	[smem:$0x3FB5] =	sst s9;
	s0 =	simm.s32 @!p0 $0x0  }
0x12: {  	s1 =	sld [smem:$0x3F9B];
	s0 =	simm.s32 @p0 $0x1  }
0x13: {  	[smem:$0x3FB6] =	sst s0;
	s0 =	simm.s32 @!p1 $0x0  }
0x14: {  	s2 =	sld [smem:$0x3F9A];
	s0 =	simm.s32 @p1 $0x1  }
0x15: {  	[smem:$0x3FB7] =	sst s0;
	s0 =	simm.s32 @!p2 $0x0  }
0x16: {  	s3 =	sld [smem:$0x3FDB];
	s0 =	simm.s32 @p2 $0x1  }
0x17: {  	s4 =	simm.s32 $0x1BF5;
	[smem:$0x3FB9] =	sst s0  }
0x18: {  	s0 =	sld [smem:$0x3F9C];
	_ =	swait.ge [sflag:s4], $0x0  }
0x19: {  	s7 =	sld [smem:$0x3F9D]  }
0x1a: {  	s8 =	sadd.s32 $0xFFFFE003, lr  }
0x1b: {  	s9 =	sadd.s32 $0xFFFFFEF7, lr;
	s5 =	simm.s32 $0xFFFFFFFF;
	p2 =	slt.u32 s8, $0xFFFFF086  }
0x1c: {  	p1 =	slt.u32 s9, $0xF7A;
	s5 =	simm.s32 @!p2 $0x0  }
0x1d: {  	s5 =	simm.s32 @p1 $0x1;
	p0 =	seq.s32 s7, s2  }
0x1e: {  	s7 =	smul.u32 @!p0 $0xF7A, s2;
	p2 =	seq.s32 @!p0 s5, $0x0  }
0x1f: {  	s9 =	smul.u32 $0xF7A, s1;
	s8 =	simm.s32 @!p0 $0x1BF5;
	p2 =	por !p2, p0  }
0x20: {  	[sflag:s8] =	ssyncset.s32 @!p0 $0xFFFFF086;
	s6 =	sadd.s32 @!p0 s3, s7;
	s7 =	simm.s32 @!p0 $0x108  }
0x21: {  	s3 =	sadd.s32 s3, s9;
	s6 =	sadd.s32 @!p0 $0x88, s6;
	s7 =	simm.s32 @p2 $0x1082  }
0x22: {  	[simem:s7], [sflag:s8] =	dma.local @!p0 [hbm:s6], $0xF7A  }
0x23: {  	s9 =	sor.u32 $0xD0000000, s2;
	s6 =	simm.s32 $0x108;
	_ =	swait.ge @!p0 [sflag:s8], $0x0  }
0x24: {  	s3 =	sadd.s32 $0x88, s3;
	s6 =	simm.s32 @!p1 $0x1082;
	[sflag:s4] =	ssyncset.s32 $0xFFFFF086  }
0x25: {  	[simem:s6], [sflag:s4] =	dma.local [hbm:s3], $0xF7A  }
0x26: {  	[smem:$0x3F9D] =	sst s1;
	(tag) =	ssettag s2;
	_ =	strace s9  }
0x27: {  	s1 =	sld [smem:$0x3FAD]  }
0x28: {  	s2 =	sld [smem:$0x3FAE]  }
0x29: {  	s4 =	sld [smem:$0x3FB0]  }
0x2a: {  	p0 =	seq.s32 s5, $0x0;
	s5 =	sld [smem:$0x3FB1]  }
0x2b: {  	s6 =	sld [smem:$0x3FB2]  }
0x2c: {  	s7 =	sld [smem:$0x3FB3]  }
0x2d: {  	s3 =	simm.s32 $0x108;
	s8 =	sld [smem:$0x3FB4]  }
0x2e: {  	s3 =	simm.s32 @!p0 $0x1082;
	s9 =	sld [smem:$0x3FB5]  }
0x2f: {  	lr =	sadd.s32 s0, s3;
	s0 =	sld [smem:$0x3FAC]  }
0x30: {  	s3 =	sld [smem:$0x3FAF]  }
0x31: {  	[smem:$0x3FB8] =	sst s10  }
0x32: {  	s10 =	sld [smem:$0x3FB6];
	_ =	sdelay $0x3  }
0x33: {  	p0 =	seq.s32 s10, $0x1;
	s10 =	sld [smem:$0x3FB8];
	_ =	sdelay $0x3  }
0x34: {  	[smem:$0x3FB8] =	sst s10  }
0x35: {  	s10 =	sld [smem:$0x3FB7];
	_ =	sdelay $0x3  }
0x36: {  	p1 =	seq.s32 s10, $0x1;
	s10 =	sld [smem:$0x3FB8];
	_ =	sdelay $0x3  }
0x37: {  	[smem:$0x3FB8] =	sst s10  }
0x38: {  	s10 =	sld [smem:$0x3FB9]  }
0x39: {  	_ = 	snop;
	(pc) =	sbr.ind lr, $3  }
0x3a: {  	_ = 	snop  }
0x3b: {  	_ = 	snop  }
0x3c: {  	p2 =	seq.s32 s10, $0x1;
	s10 =	sld [smem:$0x3FB8]  }
0x3d: {  	_ =	shalt  }
0x3e: {  	_ =	shalt  }
0x3f: {  	_ =	shalt  }
0x40: {  	_ =	shalt  }
0x41: {  	_ =	shalt  }
0x42: {  	_ =	shalt  }
0x43: {  	_ =	shalt  }
0x44: {  	_ =	shalt  }
0x45: {  	_ =	shalt  }
0x46: {  	_ =	shalt  }
0x47: {  	_ =	shalt  }
0x48: {  	_ =	shalt  }
0x49: {  	_ =	shalt  }
0x4a: {  	_ =	shalt  }
0x4b: {  	_ =	shalt  }
0x4c: {  	_ =	shalt  }
0x4d: {  	_ =	shalt  }
0x4e: {  	_ =	shalt  }
0x4f: {  	_ =	shalt  }
0x50: {  	_ =	shalt  }
0x51: {  	_ =	shalt  }
0x52: {  	_ =	shalt  }
0x53: {  	_ =	shalt  }
0x54: {  	_ =	shalt  }
0x55: {  	_ =	shalt  }
0x56: {  	_ =	shalt  }
0x57: {  	_ =	shalt  }
0x58: {  	_ =	shalt  }
0x59: {  	_ =	shalt  }
0x5a: {  	_ =	shalt  }
0x5b: {  	_ =	shalt  }
0x5c: {  	_ =	shalt  }
0x5d: {  	_ =	shalt  }
0x5e: {  	_ =	shalt  }
0x5f: {  	_ =	shalt  }
0x60: {  	_ =	shalt  }
0x61: {  	_ =	shalt  }
0x62: {  	_ =	shalt  }
0x63: {  	_ =	shalt  }
0x64: {  	_ =	shalt  }
0x65: {  	_ =	shalt  }
0x66: {  	_ =	shalt  }
0x67: {  	_ =	shalt  }
0x68: {  	_ =	shalt  }
0x69: {  	_ =	shalt  }
0x6a: {  	_ =	shalt  }
0x6b: {  	_ =	shalt  }
0x6c: {  	_ =	shalt  }
0x6d: {  	_ =	shalt  }
0x6e: {  	_ =	shalt  }
0x6f: {  	_ =	shalt  }
0x70: {  	_ =	shalt  }
0x71: {  	_ =	shalt  }
0x72: {  	_ =	shalt  }
0x73: {  	_ =	shalt  }
0x74: {  	_ =	shalt  }
0x75: {  	_ =	shalt  }
0x76: {  	_ =	shalt  }
0x77: {  	_ =	shalt  }
0x78: {  	_ =	shalt  }
0x79: {  	_ =	shalt  }
0x7a: {  	_ =	shalt  }
0x7b: {  	_ =	shalt  }
0x7c: {  	_ =	shalt  }
0x7d: {  	_ =	shalt  }
0x7e: {  	_ =	shalt  }
0x7f: {  	_ =	shalt  }
0x80: {  	_ =	shalt  }
0x81: {  	_ =	shalt  }
0x82: {  	_ =	shalt  }
0x83: {  	_ =	shalt  }
0x84: {  	_ =	shalt  }
0x85: {  	_ =	shalt  }
0x86: {  	_ =	shalt  }
0x87: {  	_ =	shalt  }
.Lfunc_end0:
.L_simem_size_0:
called_computation_lowered:
.L_overlay_start_0:
0x88: {  	s2 =	sld [smem:$0x3FD9]  }
0x89: {  	s3 =	sld [smem:$0x3FFE];
	_ =	sdelay $0x1  }
0x8a: {  	s1 =	srdreg.scid  }
0x8b: {  	s0 =	sand.u32 $0x1, s1  }
0x8c: {  	s17 =	sshll.u32 s0, $0xA;
	s2 =	sadd.s32 s3, s2  }
0x8d: {  	s2 =	sadd.s32 s2, s17  }
0x8e: {  	[smem:$0x3FC4] =	sst s2  }
0x8f: {  	_ = 	snop  }
0x90: {  	s2 =	sld [smem:$0x3FD0];
	(tm) =	ssettm $0x1  }
0x91: {  	s18 =	sld [smem:$0x3FFB];
	_ =	sdelay $0x3  }
0x92: {  	_ =	strace s18  }
0x93: {  	s3 =	sld [smem:$0x3FFC];
	_ =	sdelay $0x3  }
0x94: {  	_ =	strace s3  }
0x95: {  	s3 =	sld [smem:$0x3FFD];
	_ =	sdelay $0x3  }
0x96: {  	_ =	strace s3  }
0x97: {  	_ =	strace $0x8FFFFFFF  }
0x98: {  	s19 =	sld [smem:$0x3FDB];
	_ =	sdelay $0x1  }
0x99: {  	s4 =	simm.s32 $_scs_section_size  }
0x9a: {  	s5 =	simm.s32 $_size__tile_overlayer_lowered;
	s6 =	simm.s32 $_tile_overlayer_lowered  }
0x9b: {  	s22 =	simm.s32 $0x1BFF;
	s21 =	sshll.u32 s6, $0x1;
	s3 =	sadd.s32 s4, s19  }
0x9c: {  	s7 =	simm.s32 $0x0;
	s20 =	sshll.u32 s5, $0x1;
	s5 =	sadd.s32 s21, s3  }
0x9d: {  	[timem:s7], [sflag:s22] =	dma.local [hbm:s5], s20  }
0x9e: {  	_ =	swait.ge [sflag:s22], s20  }
0x9f: {  	s4 =	ssub.s32 $0x0, s20;
	[sflag:s22] =	ssyncset.done $0x0  }
0xa0: {  	[sflag:s22] =	ssyncadd.s32 s4;
	_ =	sdelay $0x1  }
0xa1: {  	s23 =	simm.s32 $0x1B8B  }
0xa2: {  	_ =	swait.ge [sflag:s23], $0x1  }
0xa3: {  	[sflag:s23] =	ssyncset.done $0x0  }
0xa4: {  	s25 =	simm.s32 $0x1B8E;
	s24 =	sld [smem:$0x3FFE];
	[sflag:s23] =	ssyncadd.s32 $0xFFFFFFFF  }
0xa5: {  	s26 =	simm.s32 $execute0_lowered;
	[smem:$0x3FD2] =	sst s25  }
0xa6: {  	s5 =	sshll.u32 s26, $0x1;
	_ =	strace $0x80000046;
	[dreg:$0x1] =	wrdreg $0xFFFFFFFF  }
0xa7: {  	s28 =	simm.s32 $_size_execute0_lowered;
	s3 =	sadd.s32 s3, s5;
	[dreg:$0x0] =	wrdreg $0x0  }
0xa8: {  	s5 =	sshll.u32 s28, $0x1;
	[dreg:$0x2] =	wrdreg s3  }
0xa9: {  	[dreg:$0x3] =	wrdreg s5  }
0xaa: {  	[dreg:$0x4] =	wrdreg $0xC0  }
0xab: {  	_ =	task [dreg:s7], $0x5FFFF  }
0xac: {  	[dreg:$0x1] =	wrdreg $0xFFFFFFFF  }
0xad: {  	[dreg:$0x0] =	wrdreg $0x60  }
0xae: {  	[dreg:$0x2] =	wrdreg s24  }
0xaf: {  	[dreg:$0x3] =	wrdreg s2  }
0xb0: {  	[dreg:$0x4] =	wrdreg $0xC2800  }
0xb1: {  	[dreg:$0x5] =	wrdreg $0x162800  }
0xb2: {  	[dreg:$0x6] =	wrdreg $0x9  }
0xb3: {  	_ =	task.clear_ibuf [dreg:s7], $0x7FFFF;
	_ =	strace $0x90000046  }
0xb4: {  	s29 =	simm.s32 $0x9;
	_ =	strace $0x80000048  }
0xb5: {  	_ =	swait.ge [sflag:s29], $0x1  }
0xb6: {  	[sflag:s29] =	ssyncadd.s32 $0xFFFFFFFF  }
0xb7: {  	_ =	strace $0x90000048  }
0xb8: {  	_ =	sfence  }
0xb9: {  	s30 =	sld [smem:$0x0];
	_ =	sdelay $0x2  }
0xba: {  	s31 =	sshll.u32 s1, $0xD;
	s1 =	sshrl.u32 s1, $0x2  }
0xbb: {  	s3 =	sand.u32 $0x4000, s31;
	s1 =	sadd.s32 s1, s30  }
0xbc: {  	s0 =	sor.u32 s3, s0;
	s1 =	sshll.u32 s1, $0x11  }
0xbd: {  	s0 =	sor.u32 s1, s0  }
0xbe: {  	s0 =	sadd.s32 $0x8F2B, s0  }
0xbf: {  	[sflag:s0] =	ssyncadd.remote.s32 $0x1  }
0xc0: {  	_ =	sfence.sel $0xFFFF  }
0xc1: {  	[dreg:$0x0] =	wrdreg $0xFFFFFFFF;
	(pc) =	sbr.abs _section_cstart, $3  }
0xc2: {  	[dreg:$0x1] =	wrdreg $0xFFFFFFFF  }
0xc3: {  	_ =	task.clear_ibuf [dreg:s7], $0x2FFFF;
	_ =	strace $0x9FFFFFFF  }
0xc4: {  	(tm) =	ssettm $0x7FFFFFFF  }
0xc5: {  	_ =	shalt  }
tec
execute0_lowered:
.L_overlay_start_1:
0x0: {  	(tag) =	ssettag $0x1  }
0x1: {  	s0 =	rddreg [dreg:$0x0]  }
0x2: {  	s1 =	rddreg [dreg:$0x1]  }
0x3: {  	s2 =	rddreg [dreg:$0x2]  }
0x4: {  	s16 =	rddreg [dreg:$0x3]  }
0x5: {  	s4 =	simm.s32 $0x0;
	s17 =	stileid.u32;
	s5 =	srdreg.scid  }
0x6: {  	s29 =	simm.s32 $0xC200;
	s31 =	simm.s32 $0x5;
	[smem:$0x7FF] =	sst s4  }
0x7: {  	s6 =	sadd.s32 $0x11C00, s0;
	s7 =	sadd.s32 $0x6C00, s0;
	s8 =	sadd.s32 $0x1400, s0  }
0x8: {  	s3 =	smul.u32 $0x1400, s17;
	s9 =	sadd.s32 $0x39600, s0;
	s10 =	sadd.s32 $0x39400, s0  }
0x9: {  	s5 =	sand.u32 $0x1, s5;
	s12 =	sshll.u32 s17, $0x7;
	s14 =	smul.u32 $0x28000, s17  }
0xa: {  	_ =	strace $0x80000047;
	[dreg:$0x5] =	wrdreg s10;
	s15 =	ssub.s32 $0x2, s5  }
0xb: {  	s10 =	smul.u32 $0x2C00, s17;
	p0 =	seq.s32 s5, $0x1;
	s5 =	simm.s32 $0x2  }
0xc: {  	s11 =	sadd.s32 s3, s0;
	s0 =	sadd.s32 s12, s0;
	s13 =	sshrl.u32 s15, $0x1  }
0xd: {  	s12 =	sadd.s32 s9, s12;
	s13 =	ssub.s32 s15, s13;
	s15 =	sshll.u32 s17, $0xA  }
0xe: {  	[dreg:$0x7] =	wrdreg s12;
	s18 =	sshrl.u32 s10, $0x3;
	s21 =	sadd.s32 $0x4D600, s11  }
0xf: {  	s23 =	sadd.s32 $0x62600, s11;
	s24 =	sadd.s32 $0x76600, s11;
	[dreg:$0xa] =	wrdreg s21  }
0x10: {  	s25 =	sadd.s32 $0x8A600, s11;
	s26 =	sadd.s32 $0x61600, s0;
	[dreg:$0xc] =	wrdreg s23  }
0x11: {  	s0 =	sadd.s32 $0x61E00, s0;
	s11 =	simm.s32 $0x0;
	[dreg:$0xd] =	wrdreg s24  }
0x12: {  	s15 =	sadd.s32 s15, s16;
	s16 =	sshrl.u32 s14, $0x2;
	[dreg:$0xe] =	wrdreg s25  }
0x13: {  	s14 =	sadd.s32 s9, s3;
	s19 =	sor.u32 $0x10, s18;
	[dreg:$0xf] =	wrdreg s26  }
0x14: {  	[dreg:$0x10] =	wrdreg s0;
	s28 =	smax.u32 s13, $0x1;
	s0 =	simm.s32 $0x80  }
0x15: {  	s23 =	simm.s32 $0x1;
	s24 =	simm.s32 $0x180;
	s25 =	simm.s32 $0x4200  }
0x16: {  	s26 =	simm.s32 $0x3;
	s9 =	simm.s32 $0x8200;
	[dreg:$0x6] =	wrdreg s15  }
0x17: {  	s17 =	sadd.s32 s16, s2;
	s15 =	sadd.s32 s7, s18;
	s16 =	sadd.s32 s8, s18  }
.Ltmp0:
0x18: {  	s20 =	sadd.s32 s7, s19;
	[dreg:$0x11] =	wrdreg s28;
	(pc) =	sbr.rel .LBB2_1-.Ltmp0, $4  }
0x19: {  	s18 =	sadd.s32 $0x2C000, s10;
	s19 =	sadd.s32 s8, s19;
	[dreg:$0x8] =	wrdreg s17  }
0x1a: {  	[dreg:$0x9] =	wrdreg s20;
	s22 =	sshrl.u32 s18, $0x3;
	s30 =	sadd.s32 $0x5810, s15  }
0x1b: {  	s20 =	simm.s32 $0x100;
	s3 =	sadd.s32 s7, s22;
	[dreg:$0x12] =	wrdreg s30  }
0x1c: {  	v0 =	vimm.f32 $0.0e+00;
	v1 =	vimm.f32 $1.000000000e+00;
	s22 =	simm.s32 $0x4;
	[dreg:$0xb] =	wrdreg s3;
	s3 =	simm.s32 $0x200  }
.LBB2_8:
0x1d: {  	[tilespmem:s24], [sflag:$0x4] =	stream.linear.gather [hbm4b:s21+s4], $0x80, $0x38;
	[tilespmem:$0x16680] =	vst v63  }
0x1e: {  	_ =	swait.ge [sflag:s22], $0x80  }
0x1f: {  	[sflag:s22] =	ssyncset.done $0x0  }
0x20: {  	[sflag:s22] =	ssyncadd.s32 $0xFFFFFF80  }
0x21: {  	_ =	swait.ge [sflag:s22], $0x80  }
0x22: {  	[sflag:s22] =	ssyncset.done $0x0  }
0x23: {  	[sflag:s22] =	ssyncadd.s32 $0xFFFFFF80  }
0x24: {  	_ =	swait.ge [sflag:s23], $0x4000  }
0x25: {  	[sflag:s23] =	ssyncset.done $0x0  }
0x26: {  	[sflag:s23] =	ssyncadd.s32 $0xFFFFC000  }
0x27: {  	[bflag:$0x0] =	sbarrier.arrive $0xFFFF  }
0x28: {  	s17 =	rddreg [dreg:$0xc]  }
0x29: {  	[hbm:s17], [sflag:s12] =	dma.local [spmem:s13], $0x1400  }
0x2a: {  	_ =	swait.ge [sflag:s31], $0x1400  }
0x2b: {  	[sflag:s31] =	ssyncset.done $0x0  }
0x2c: {  	s29 =	simm.s32 $0xC200;
	[sflag:s31] =	ssyncadd.s32 $0xFFFFEC00  }
.LBB2_14:
0x2d: {  	s11 =	sadd.s32 $0x1, s11;
	s12 =	rddreg [dreg:$0x11]  }
0x2e: {  	p1 =	sne.s32 s11, s12  }
.Ltmp1:
0x2f: {  	_ = 	snop;
	(pc) =	sbr.rel @!p1 .LBB2_15-.Ltmp1, $1  }
0x30: {  	_ =	sdelay $0x3  }
.LBB2_1:
0x31: {  	s12 =	rddreg [dreg:$0x5]  }
0x32: {  	[tilespmem:s29], [sflag:$0x5] =	stream.linear.gather [hbm4b:s12+s4], $0x80, $0x38;
	[tilespmem:$0x16680] =	vst v63  }
0x33: {  	_ =	swait.ge [sflag:s31], $0x80  }
0x34: {  	[sflag:s31] =	ssyncset.done $0x0  }
0x35: {  	s13 =	simm.s32 $0x200;
	s12 =	simm.s32 $0x0;
	[sflag:s31] =	ssyncadd.s32 $0xFFFFFF80  }
.LBB2_2:
0x36: {  	p1 =	sne.s32 s13, $0xFE00;
	[tilespmem:s12+$0x8270] =	vst v0  }
0x37: {  	[tilespmem:s12+$0x8200] =	vst v0  }
0x38: {  	[tilespmem:s12+$0x8210] =	vst v0  }
.Ltmp2:
0x39: {  	[tilespmem:s12+$0x8220] =	vst v0;
	(pc) =	sbr.rel @p1 .LBB2_2-.Ltmp2, $4  }
0x3a: {  	[tilespmem:s12+$0x8230] =	vst v0  }
0x3b: {  	[tilespmem:s12+$0x8240] =	vst v0  }
0x3c: {  	[tilespmem:s12+$0x8250] =	vst v0  }
0x3d: {  	[tilespmem:s12+$0x8260] =	vst v0;
	s12 =	sshra.s32 s13, $0x2;
	s13 =	sadd.s32 $0x200, s13  }
0x3e: {  	[tilespmem:s12+$0x8270] =	vst v0  }
0x3f: {  	[tilespmem:s12+$0x8200] =	vst v0  }
0x40: {  	[tilespmem:s12+$0x8210] =	vst v0  }
0x41: {  	[tilespmem:s12+$0x8220] =	vst v0  }
0x42: {  	[tilespmem:s12+$0x8230] =	vst v0  }
0x43: {  	[tilespmem:s12+$0x8240] =	vst v0;
	s13 =	stileid.u32  }
0x44: {  	[tilespmem:s12+$0x8250] =	vst v0;
	s21 =	rddreg [dreg:$0x6];
	s13 =	sshll.u32 s13, $0x6  }
0x45: {  	[tilespmem:s12+$0x8260] =	vst v0;
	s28 =	rddreg [dreg:$0x7];
	s17 =	sshrl.u32 s21, $0x3;
	s12 =	sor.u32 $0x1C05, s13  }
0x46: {  	[spmem:s17], [sflag:s12] =	dma.local [hbm:s28], $0x80  }
0x47: {  	_ =	swait.ge [sflag:s31], $0x80  }
0x48: {  	[sflag:s31] =	ssyncset.done $0x0;
	s30 =	rddreg [dreg:$0x8]  }
0x49: {  	[sflag:s31] =	ssyncadd.s32 $0xFFFFFF80;
	s13 =	sshrl.u32 s30, $0x3  }
0x4a: {  	[spmem:s13], [sflag:s12] =	dma.local [hbm:s14], $0x1400  }
0x4b: {  	_ =	swait.ge [sflag:s31], $0x1400  }
0x4c: {  	[sflag:s31] =	ssyncset.done $0x0  }
0x4d: {  	[sflag:s31] =	ssyncadd.s32 $0xFFFFEC00  }
0x4e: {  	[bflag:$0x0] =	sbarrier.arrive $0xFFFF  }
0x4f: {  	[tilespmem:s4], [sflag:$0x5] =	stream.linear.gather [hbm4b:s15+s4], $0x80, $0x38;
	[tilespmem:$0x16680] =	vst v63  }
0x50: {  	_ =	swait.ge [sflag:s31], $0x80  }
0x51: {  	[sflag:s31] =	ssyncset.done $0x0  }
.Ltmp3:
0x52: {  	[sflag:s31] =	ssyncadd.s32 $0xFFFFFF80;
	(pc) =	sbr.rel @!p0 .LBB2_4-.Ltmp3, $4  }
0x53: {  	[tilespmem:s0], [sflag:$0x5] =	stream.linear.gather [hbm4b:s16+s4], $0x80, $0x38;
	[tilespmem:$0x16680] =	vst v63  }
0x54: {  	_ =	swait.ge [sflag:s31], $0x80  }
0x55: {  	[sflag:s31] =	ssyncset.done $0x0  }
0x56: {  	[sflag:s31] =	ssyncadd.s32 $0xFFFFFF80  }
0x57: {  	[tilespmem:s3], [sflag:$0x1] =	stream.indirect.gather [hbm4b:s1+s0], $0x80, s0, s0, $0xb8;
	[tilespmem:$0x16680] =	vst v63  }
0x58: {  	s21 =	rddreg [dreg:$0x9]  }
0x59: {  	[tilespmem:s20], [sflag:$0x4] =	stream.linear.gather [hbm4b:s21+s4], $0x80, $0x38;
	[tilespmem:$0x16680] =	vst v63  }
0x5a: {  	s21 =	simm.s32 $0x180  }
0x5b: {  	[tilespmem:s21], [sflag:$0x4] =	stream.linear.gather [hbm4b:s19+s4], $0x80, $0x38;
	[tilespmem:$0x16680] =	vst v63  }
0x5c: {  	_ =	swait.ge [sflag:s22], $0x80  }
0x5d: {  	[sflag:s22] =	ssyncset.done $0x0  }
0x5e: {  	[sflag:s22] =	ssyncadd.s32 $0xFFFFFF80  }
0x5f: {  	_ =	swait.ge [sflag:s22], $0x80  }
0x60: {  	[sflag:s22] =	ssyncset.done $0x0  }
0x61: {  	[sflag:s22] =	ssyncadd.s32 $0xFFFFFF80  }
0x62: {  	_ =	swait.ge [sflag:s23], $0x4000  }
0x63: {  	s28 =	simm.s32 $0x100;
	[sflag:s23] =	ssyncset.done $0x0  }
0x64: {  	s29 =	sand.u32 $0x7C00, s28;
	[sflag:s23] =	ssyncadd.s32 $0xFFFFC000  }
0x65: {  	[tilespmem:s25], [sflag:$0x2] =	stream.indirect.gather [hbm4b:s1+s0], $0x80, s24, s0, $0xb8;
	[tilespmem:$0x16680] =	vst v63  }
0x66: {  	s28 =	sand.u32 $0x300, s28;
	s29 =	sadd.s32 s10, s29  }
0x67: {  	[spmem:s2] =	stream.indirect.scatter.add.f32 [tilespmem:s3], [sflag:$0x5], $0x80, s4, s0, $0xb8;
	[tilespmem:$0x16680] =	vst v63  }
0x68: {  	s28 =	sor.u32 s28, s29;
	_ =	swait.ge [sflag:s31], $0x4000  }
0x69: {  	s28 =	sshrl.u32 s28, $0x3;
	[sflag:s31] =	ssyncset.done $0x0  }
0x6a: {  	s29 =	sadd.s32 s7, s28;
	[sflag:s31] =	ssyncadd.s32 $0xFFFFC000  }
0x6b: {  	[tilespmem:s4], [sflag:$0x3] =	stream.linear.gather [hbm4b:s29+s4], $0x80, $0x38;
	[tilespmem:$0x16680] =	vst v63  }
0x6c: {  	s28 =	sadd.s32 s8, s28  }
0x6d: {  	[tilespmem:s0], [sflag:$0x3] =	stream.linear.gather [hbm4b:s28+s4], $0x80, $0x38;
	[tilespmem:$0x16680] =	vst v63  }
0x6e: {  	_ =	swait.ge [sflag:s26], $0x80  }
0x6f: {  	[sflag:s26] =	ssyncset.done $0x0  }
0x70: {  	[sflag:s26] =	ssyncadd.s32 $0xFFFFFF80  }
0x71: {  	_ =	swait.ge [sflag:s26], $0x80  }
0x72: {  	[sflag:s26] =	ssyncset.done $0x0  }
0x73: {  	[sflag:s26] =	ssyncadd.s32 $0xFFFFFF80  }
0x74: {  	_ =	swait.ge [sflag:s5], $0x4000  }
0x75: {  	[sflag:s5] =	ssyncset.done $0x0  }
0x76: {  	s28 =	sand.u32 $0x7C00, s21;
	[sflag:s5] =	ssyncadd.s32 $0xFFFFC000  }
0x77: {  	[tilespmem:s3], [sflag:$0x1] =	stream.indirect.gather [hbm4b:s1+s0], $0x80, s0, s0, $0xb8;
	[tilespmem:$0x16680] =	vst v63  }
0x78: {  	s21 =	sand.u32 $0x380, s21;
	s28 =	sadd.s32 s10, s28  }
0x79: {  	[spmem:s2] =	stream.indirect.scatter.add.f32 [tilespmem:s25], [sflag:$0x5], $0x80, s20, s0, $0xb8;
	[tilespmem:$0x16680] =	vst v63  }
0x7a: {  	s21 =	sor.u32 s21, s28;
	_ =	swait.ge [sflag:s31], $0x4000  }
0x7b: {  	s21 =	sshrl.u32 s21, $0x3;
	[sflag:s31] =	ssyncset.done $0x0  }
0x7c: {  	s28 =	sadd.s32 s7, s21;
	[sflag:s31] =	ssyncadd.s32 $0xFFFFC000  }
0x7d: {  	[tilespmem:s20], [sflag:$0x4] =	stream.linear.gather [hbm4b:s28+s4], $0x80, $0x38;
	[tilespmem:$0x16680] =	vst v63  }
0x7e: {  	s30 =	simm.s32 $0x280;
	s28 =	sadd.s32 s8, s21  }
.LBB2_10:
0x7f: {  	p1 =	sne.s32 s30, $0x2880;
	s21 =	smov.u32 s30;
	s30 =	sadd.s32 $0x100, s30  }
0x80: {  	[tilespmem:s24], [sflag:$0x4] =	stream.linear.gather [hbm4b:s28+s4], $0x80, $0x38;
	[tilespmem:$0x16680] =	vst v63  }
0x81: {  	_ =	swait.ge [sflag:s22], $0x80  }
0x82: {  	[sflag:s22] =	ssyncset.done $0x0  }
0x83: {  	[sflag:s22] =	ssyncadd.s32 $0xFFFFFF80  }
0x84: {  	_ =	swait.ge [sflag:s22], $0x80  }
0x85: {  	[sflag:s22] =	ssyncset.done $0x0  }
0x86: {  	[sflag:s22] =	ssyncadd.s32 $0xFFFFFF80  }
0x87: {  	_ =	swait.ge [sflag:s23], $0x4000  }
0x88: {  	[sflag:s23] =	ssyncset.done $0x0  }
0x89: {  	s28 =	sadd.s32 $0xFFFFFF80, s21;
	[sflag:s23] =	ssyncadd.s32 $0xFFFFC000  }
0x8a: {  	[tilespmem:s25], [sflag:$0x2] =	stream.indirect.gather [hbm4b:s1+s0], $0x80, s24, s0, $0xb8;
	[tilespmem:$0x16680] =	vst v63  }
0x8b: {  	s29 =	sand.u32 $0x7C00, s28;
	s28 =	sand.u32 $0x300, s28  }
0x8c: {  	[spmem:s2] =	stream.indirect.scatter.add.f32 [tilespmem:s3], [sflag:$0x5], $0x80, s4, s0, $0xb8;
	[tilespmem:$0x16680] =	vst v63  }
0x8d: {  	s29 =	sadd.s32 s10, s29;
	_ =	swait.ge [sflag:s31], $0x4000  }
0x8e: {  	s28 =	sor.u32 s28, s29;
	[sflag:s31] =	ssyncset.done $0x0  }
0x8f: {  	s28 =	sshrl.u32 s28, $0x3;
	[sflag:s31] =	ssyncadd.s32 $0xFFFFC000  }
0x90: {  	s29 =	sadd.s32 s7, s28;
	s28 =	sadd.s32 s8, s28  }
0x91: {  	[tilespmem:s4], [sflag:$0x3] =	stream.linear.gather [hbm4b:s29+s4], $0x80, $0x38;
	[tilespmem:$0x16680] =	vst v63  }
0x92: {  	_ = 	snop  }
0x93: {  	[tilespmem:s0], [sflag:$0x3] =	stream.linear.gather [hbm4b:s28+s4], $0x80, $0x38;
	[tilespmem:$0x16680] =	vst v63  }
0x94: {  	_ =	swait.ge [sflag:s26], $0x80  }
0x95: {  	[sflag:s26] =	ssyncset.done $0x0  }
0x96: {  	[sflag:s26] =	ssyncadd.s32 $0xFFFFFF80  }
0x97: {  	_ =	swait.ge [sflag:s26], $0x80  }
0x98: {  	[sflag:s26] =	ssyncset.done $0x0  }
0x99: {  	[sflag:s26] =	ssyncadd.s32 $0xFFFFFF80  }
0x9a: {  	_ =	swait.ge [sflag:s5], $0x4000  }
0x9b: {  	[sflag:s5] =	ssyncset.done $0x0  }
0x9c: {  	s28 =	sand.u32 $0x7C00, s21;
	[sflag:s5] =	ssyncadd.s32 $0xFFFFC000  }
0x9d: {  	[tilespmem:s3], [sflag:$0x1] =	stream.indirect.gather [hbm4b:s1+s0], $0x80, s0, s0, $0xb8;
	[tilespmem:$0x16680] =	vst v63  }
0x9e: {  	s21 =	sand.u32 $0x380, s21;
	s28 =	sadd.s32 s10, s28  }
0x9f: {  	[spmem:s2] =	stream.indirect.scatter.add.f32 [tilespmem:s25], [sflag:$0x5], $0x80, s20, s0, $0xb8;
	[tilespmem:$0x16680] =	vst v63  }
.Ltmp4:
0xa0: {  	_ = 	snop;
	(pc) =	sbr.rel @p1 .LBB2_10-.Ltmp4, $4  }
0xa1: {  	s21 =	sor.u32 s21, s28;
	_ =	swait.ge [sflag:s31], $0x4000  }
0xa2: {  	s21 =	sshrl.u32 s21, $0x3;
	[sflag:s31] =	ssyncset.done $0x0  }
0xa3: {  	s29 =	sadd.s32 s7, s21;
	s28 =	sadd.s32 s8, s21;
	[sflag:s31] =	ssyncadd.s32 $0xFFFFC000  }
0xa4: {  	[tilespmem:s20], [sflag:$0x4] =	stream.linear.gather [hbm4b:s29+s4], $0x80, $0x38;
	[tilespmem:$0x16680] =	vst v63  }
0xa5: {  	[tilespmem:s24], [sflag:$0x4] =	stream.linear.gather [hbm4b:s28+s4], $0x80, $0x38;
	[tilespmem:$0x16680] =	vst v63  }
0xa6: {  	_ =	swait.ge [sflag:s22], $0x80  }
0xa7: {  	[sflag:s22] =	ssyncset.done $0x0  }
0xa8: {  	[sflag:s22] =	ssyncadd.s32 $0xFFFFFF80  }
0xa9: {  	_ =	swait.ge [sflag:s22], $0x80  }
0xaa: {  	[sflag:s22] =	ssyncset.done $0x0  }
0xab: {  	[sflag:s22] =	ssyncadd.s32 $0xFFFFFF80  }
0xac: {  	_ =	swait.ge [sflag:s23], $0x4000  }
0xad: {  	[sflag:s23] =	ssyncset.done $0x0  }
0xae: {  	[sflag:s23] =	ssyncadd.s32 $0xFFFFC000  }
0xaf: {  	[bflag:$0x0] =	sbarrier.arrive $0xFFFF  }
0xb0: {  	s21 =	rddreg [dreg:$0xd]  }
0xb1: {  	[hbm:s21], [sflag:s12] =	dma.local [spmem:s13], $0x1400  }
0xb2: {  	_ =	swait.ge [sflag:s31], $0x1400  }
0xb3: {  	[sflag:s31] =	ssyncset.done $0x0  }
0xb4: {  	[sflag:s31] =	ssyncadd.s32 $0xFFFFEC00  }
0xb5: {  	[spmem:s13], [sflag:s12] =	dma.local [hbm:s14], $0x1400  }
0xb6: {  	_ =	swait.ge [sflag:s31], $0x1400  }
0xb7: {  	[sflag:s31] =	ssyncset.done $0x0  }
0xb8: {  	[sflag:s31] =	ssyncadd.s32 $0xFFFFEC00  }
0xb9: {  	[bflag:$0x0] =	sbarrier.arrive $0xFFFF  }
0xba: {  	s28 =	rddreg [dreg:$0xb]  }
0xbb: {  	[tilespmem:s4], [sflag:$0x5] =	stream.linear.gather [hbm4b:s28+s4], $0x80, $0x38;
	[tilespmem:$0x16680] =	vst v63  }
0xbc: {  	_ =	swait.ge [sflag:s31], $0x80  }
0xbd: {  	[sflag:s31] =	ssyncset.done $0x0  }
0xbe: {  	[sflag:s31] =	ssyncadd.s32 $0xFFFFFF80  }
0xbf: {  	[tilespmem:s0], [sflag:$0x5] =	stream.linear.gather [hbm4b:s16+s4], $0x80, $0x38;
	[tilespmem:$0x16680] =	vst v63  }
0xc0: {  	_ =	swait.ge [sflag:s31], $0x80  }
0xc1: {  	[sflag:s31] =	ssyncset.done $0x0  }
0xc2: {  	[sflag:s31] =	ssyncadd.s32 $0xFFFFFF80  }
0xc3: {  	[tilespmem:s3], [sflag:$0x1] =	stream.indirect.gather [hbm4b:s1+s0], $0x80, s0, s0, $0xb8;
	[tilespmem:$0x16680] =	vst v63  }
0xc4: {  	s29 =	rddreg [dreg:$0x12]  }
0xc5: {  	[tilespmem:s20], [sflag:$0x4] =	stream.linear.gather [hbm4b:s29+s4], $0x80, $0x38;
	[tilespmem:$0x16680] =	vst v63  }
0xc6: {  	s30 =	simm.s32 $0x180  }
0xc7: {  	[tilespmem:s30], [sflag:$0x4] =	stream.linear.gather [hbm4b:s19+s4], $0x80, $0x38;
	[tilespmem:$0x16680] =	vst v63  }
.LBB2_12:
0xc8: {  	_ =	swait.ge [sflag:s22], $0x80  }
0xc9: {  	[sflag:s22] =	ssyncset.done $0x0  }
0xca: {  	[sflag:s22] =	ssyncadd.s32 $0xFFFFFF80  }
0xcb: {  	_ =	swait.ge [sflag:s22], $0x80  }
0xcc: {  	[sflag:s22] =	ssyncset.done $0x0  }
0xcd: {  	[sflag:s22] =	ssyncadd.s32 $0xFFFFFF80  }
0xce: {  	_ =	swait.ge [sflag:s23], $0x4000  }
0xcf: {  	[sflag:s23] =	ssyncset.done $0x0  }
0xd0: {  	[sflag:s23] =	ssyncadd.s32 $0xFFFFC000  }
0xd1: {  	[tilespmem:s25], [sflag:$0x2] =	stream.indirect.gather [hbm4b:s1+s0], $0x80, s24, s0, $0xb8;
	[tilespmem:$0x16680] =	vst v63  }
0xd2: {  	_ = 	snop  }
0xd3: {  	[spmem:s2] =	stream.indirect.scatter.add.f32 [tilespmem:s3], [sflag:$0x5], $0x80, s4, s0, $0xb8;
	[tilespmem:$0x16680] =	vst v63  }
0xd4: {  	_ =	swait.ge [sflag:s31], $0x4000  }
0xd5: {  	[sflag:s31] =	ssyncset.done $0x0  }
0xd6: {  	[sflag:s31] =	ssyncadd.s32 $0xFFFFC000  }
0xd7: {  	v2 =	vld [tilespmem:$0x0];
	_ =	sdelay $0x7  }
0xd8: {  	[tilespmem:v2+s9+$0x0] =	vst.idx.add.f32.msk $0xffff, v1  }
0xd9: {  	v2 =	vld [tilespmem:$0x10];
	_ =	sdelay $0x7  }
0xda: {  	[tilespmem:v2+s9+$0x0] =	vst.idx.add.f32.msk $0xffff, v1  }
0xdb: {  	v2 =	vld [tilespmem:$0x20];
	_ =	sdelay $0x7  }
0xdc: {  	[tilespmem:v2+s9+$0x0] =	vst.idx.add.f32.msk $0xffff, v1  }
0xdd: {  	v2 =	vld [tilespmem:$0x30];
	_ =	sdelay $0x7  }
0xde: {  	[tilespmem:v2+s9+$0x0] =	vst.idx.add.f32.msk $0xffff, v1  }
0xdf: {  	v2 =	vld [tilespmem:$0x40];
	_ =	sdelay $0x7  }
0xe0: {  	[tilespmem:v2+s9+$0x0] =	vst.idx.add.f32.msk $0xffff, v1  }
0xe1: {  	v2 =	vld [tilespmem:$0x50];
	_ =	sdelay $0x7  }
0xe2: {  	[tilespmem:v2+s9+$0x0] =	vst.idx.add.f32.msk $0xffff, v1  }
0xe3: {  	v2 =	vld [tilespmem:$0x60];
	_ =	sdelay $0x7  }
0xe4: {  	[tilespmem:v2+s9+$0x0] =	vst.idx.add.f32.msk $0xffff, v1  }
0xe5: {  	v2 =	vld [tilespmem:$0x70];
	_ =	sdelay $0x2  }
0xe6: {  	s21 =	sadd.s32 $0xFFFFFF80, s30  }
0xe7: {  	s28 =	sand.u32 $0x7C00, s21  }
0xe8: {  	s21 =	sand.u32 $0x300, s21;
	s29 =	sadd.s32 s18, s28  }
0xe9: {  	s28 =	sadd.s32 s10, s28;
	s29 =	sor.u32 s21, s29  }
0xea: {  	s21 =	sor.u32 s21, s28;
	s29 =	sshrl.u32 s29, $0x3  }
0xeb: {  	s21 =	sshrl.u32 s21, $0x3;
	s29 =	sadd.s32 s7, s29;
	[tilespmem:v2+s9+$0x0] =	vst.idx.add.f32.msk $0xffff, v1  }
0xec: {  	[tilespmem:s4], [sflag:$0x3] =	stream.linear.gather [hbm4b:s29+s4], $0x80, $0x38;
	[tilespmem:$0x16680] =	vst v63  }
0xed: {  	s21 =	sadd.s32 s8, s21  }
0xee: {  	[tilespmem:s0], [sflag:$0x3] =	stream.linear.gather [hbm4b:s21+s4], $0x80, $0x38;
	[tilespmem:$0x16680] =	vst v63  }
0xef: {  	_ =	swait.ge [sflag:s26], $0x80  }
0xf0: {  	[sflag:s26] =	ssyncset.done $0x0  }
0xf1: {  	[sflag:s26] =	ssyncadd.s32 $0xFFFFFF80  }
0xf2: {  	_ =	swait.ge [sflag:s26], $0x80  }
0xf3: {  	[sflag:s26] =	ssyncset.done $0x0  }
0xf4: {  	[sflag:s26] =	ssyncadd.s32 $0xFFFFFF80  }
0xf5: {  	_ =	swait.ge [sflag:s5], $0x4000  }
0xf6: {  	[sflag:s5] =	ssyncset.done $0x0  }
0xf7: {  	[sflag:s5] =	ssyncadd.s32 $0xFFFFC000  }
0xf8: {  	[tilespmem:s3], [sflag:$0x1] =	stream.indirect.gather [hbm4b:s1+s0], $0x80, s0, s0, $0xb8;
	[tilespmem:$0x16680] =	vst v63  }
0xf9: {  	_ = 	snop  }
0xfa: {  	[spmem:s2] =	stream.indirect.scatter.add.f32 [tilespmem:s25], [sflag:$0x5], $0x80, s20, s0, $0xb8;
	[tilespmem:$0x16680] =	vst v63  }
0xfb: {  	_ =	swait.ge [sflag:s31], $0x4000  }
0xfc: {  	[sflag:s31] =	ssyncset.done $0x0  }
0xfd: {  	[sflag:s31] =	ssyncadd.s32 $0xFFFFC000  }
0xfe: {  	v2 =	vld [tilespmem:$0x100];
	_ =	sdelay $0x7  }
0xff: {  	[tilespmem:v2+s9+$0x0] =	vst.idx.add.f32.msk $0xffff, v1  }
0x100: {  	v2 =	vld [tilespmem:$0x110];
	_ =	sdelay $0x7  }
0x101: {  	[tilespmem:v2+s9+$0x0] =	vst.idx.add.f32.msk $0xffff, v1  }
0x102: {  	v2 =	vld [tilespmem:$0x120];
	_ =	sdelay $0x7  }
0x103: {  	[tilespmem:v2+s9+$0x0] =	vst.idx.add.f32.msk $0xffff, v1  }
0x104: {  	v2 =	vld [tilespmem:$0x130];
	_ =	sdelay $0x7  }
0x105: {  	[tilespmem:v2+s9+$0x0] =	vst.idx.add.f32.msk $0xffff, v1  }
0x106: {  	v2 =	vld [tilespmem:$0x140];
	_ =	sdelay $0x7  }
0x107: {  	[tilespmem:v2+s9+$0x0] =	vst.idx.add.f32.msk $0xffff, v1  }
0x108: {  	v2 =	vld [tilespmem:$0x150];
	_ =	sdelay $0x7  }
0x109: {  	[tilespmem:v2+s9+$0x0] =	vst.idx.add.f32.msk $0xffff, v1  }
0x10a: {  	v2 =	vld [tilespmem:$0x160];
	_ =	sdelay $0x7  }
0x10b: {  	[tilespmem:v2+s9+$0x0] =	vst.idx.add.f32.msk $0xffff, v1  }
0x10c: {  	v2 =	vld [tilespmem:$0x170];
	_ =	sdelay $0x3  }
0x10d: {  	s21 =	sand.u32 $0x7C00, s30  }
0x10e: {  	s29 =	sand.u32 $0x380, s30;
	s28 =	sadd.s32 s18, s21  }
0x10f: {  	p1 =	sne.s32 s30, $0x2880;
	s21 =	sadd.s32 s10, s21;
	s28 =	sor.u32 s29, s28  }
.Ltmp5:
0x110: {  	s21 =	sor.u32 s29, s21;
	s28 =	sshrl.u32 s28, $0x3;
	(pc) =	sbr.rel @p1 .LBB2_12-.Ltmp5, $4  }
0x111: {  	s21 =	sshrl.u32 s21, $0x3;
	s28 =	sadd.s32 s7, s28;
	[tilespmem:v2+s9+$0x0] =	vst.idx.add.f32.msk $0xffff, v1  }
0x112: {  	[tilespmem:s20], [sflag:$0x4] =	stream.linear.gather [hbm4b:s28+s4], $0x80, $0x38;
	[tilespmem:$0x16680] =	vst v63  }
0x113: {  	s30 =	sadd.s32 $0x100, s30;
	s21 =	sadd.s32 s8, s21  }
0x114: {  	[tilespmem:s24], [sflag:$0x4] =	stream.linear.gather [hbm4b:s21+s4], $0x80, $0x38;
	[tilespmem:$0x16680] =	vst v63  }
0x115: {  	_ =	swait.ge [sflag:s22], $0x80  }
0x116: {  	[sflag:s22] =	ssyncset.done $0x0  }
0x117: {  	[sflag:s22] =	ssyncadd.s32 $0xFFFFFF80  }
0x118: {  	_ =	swait.ge [sflag:s22], $0x80  }
0x119: {  	[sflag:s22] =	ssyncset.done $0x0  }
0x11a: {  	[sflag:s22] =	ssyncadd.s32 $0xFFFFFF80  }
0x11b: {  	_ =	swait.ge [sflag:s23], $0x4000  }
0x11c: {  	[sflag:s23] =	ssyncset.done $0x0  }
0x11d: {  	[sflag:s23] =	ssyncadd.s32 $0xFFFFC000  }
0x11e: {  	s29 =	simm.s32 $0xC200;
	s21 =	rddreg [dreg:$0x3]  }
0x11f: {  	[spmem:s21] =	stream.indirect.scatter.add.f32 [tilespmem:s9], [sflag:$0x5], $0x80, s29, s0, $0xb8;
	[tilespmem:$0x16680] =	vst v63  }
0x120: {  	_ =	swait.ge [sflag:s31], $0x4000  }
0x121: {  	[sflag:s31] =	ssyncset.done $0x0  }
0x122: {  	[sflag:s31] =	ssyncadd.s32 $0xFFFFC000  }
0x123: {  	[bflag:$0x0] =	sbarrier.arrive $0xFFFF  }
0x124: {  	s28 =	rddreg [dreg:$0xe]  }
0x125: {  	[hbm:s28], [sflag:s12] =	dma.local [spmem:s13], $0x1400  }
0x126: {  	_ =	swait.ge [sflag:s31], $0x1400  }
0x127: {  	[sflag:s31] =	ssyncset.done $0x0  }
.Ltmp6:
0x128: {  	s30 =	rddreg [dreg:$0x10];
	[sflag:s31] =	ssyncadd.s32 $0xFFFFEC00;
	(pc) =	sbr.rel .LBB2_14-.Ltmp6, $4  }
0x129: {  	[hbm:s30], [sflag:s12] =	dma.local [spmem:s17], $0x80  }
0x12a: {  	_ =	swait.ge [sflag:s31], $0x80  }
0x12b: {  	[sflag:s31] =	ssyncset.done $0x0  }
0x12c: {  	[sflag:s31] =	ssyncadd.s32 $0xFFFFFF80  }
.LBB2_4:
0x12d: {  	[tilespmem:s3], [sflag:$0x1] =	stream.indirect.gather [hbm4b:s6+s0], $0x80, s0, s0, $0xb8;
	[tilespmem:$0x16680] =	vst v63  }
0x12e: {  	s21 =	rddreg [dreg:$0x9]  }
0x12f: {  	[tilespmem:s20], [sflag:$0x4] =	stream.linear.gather [hbm4b:s21+s4], $0x80, $0x38;
	[tilespmem:$0x16680] =	vst v63  }
0x130: {  	s30 =	simm.s32 $0x180  }
0x131: {  	[tilespmem:s30], [sflag:$0x4] =	stream.linear.gather [hbm4b:s19+s4], $0x80, $0x38;
	[tilespmem:$0x16680] =	vst v63  }
.LBB2_5:
0x132: {  	_ =	swait.ge [sflag:s22], $0x80  }
0x133: {  	[sflag:s22] =	ssyncset.done $0x0  }
0x134: {  	[sflag:s22] =	ssyncadd.s32 $0xFFFFFF80  }
0x135: {  	_ =	swait.ge [sflag:s22], $0x80  }
0x136: {  	[sflag:s22] =	ssyncset.done $0x0  }
0x137: {  	[sflag:s22] =	ssyncadd.s32 $0xFFFFFF80  }
0x138: {  	_ =	swait.ge [sflag:s23], $0x4000  }
0x139: {  	[sflag:s23] =	ssyncset.done $0x0  }
0x13a: {  	[sflag:s23] =	ssyncadd.s32 $0xFFFFC000  }
0x13b: {  	[tilespmem:s25], [sflag:$0x2] =	stream.indirect.gather [hbm4b:s6+s0], $0x80, s24, s0, $0xb8;
	[tilespmem:$0x16680] =	vst v63  }
0x13c: {  	_ = 	snop  }
0x13d: {  	[spmem:s2] =	stream.indirect.scatter.add.f32 [tilespmem:s3], [sflag:$0x5], $0x80, s4, s0, $0xb8;
	[tilespmem:$0x16680] =	vst v63  }
0x13e: {  	_ =	swait.ge [sflag:s31], $0x4000  }
0x13f: {  	[sflag:s31] =	ssyncset.done $0x0  }
0x140: {  	[sflag:s31] =	ssyncadd.s32 $0xFFFFC000  }
0x141: {  	v2 =	vld [tilespmem:$0x0];
	_ =	sdelay $0x7  }
0x142: {  	[tilespmem:v2+s9+$0x0] =	vst.idx.add.f32.msk $0xffff, v1  }
0x143: {  	v2 =	vld [tilespmem:$0x10];
	_ =	sdelay $0x7  }
0x144: {  	[tilespmem:v2+s9+$0x0] =	vst.idx.add.f32.msk $0xffff, v1  }
0x145: {  	v2 =	vld [tilespmem:$0x20];
	_ =	sdelay $0x7  }
0x146: {  	[tilespmem:v2+s9+$0x0] =	vst.idx.add.f32.msk $0xffff, v1  }
0x147: {  	v2 =	vld [tilespmem:$0x30];
	_ =	sdelay $0x7  }
0x148: {  	[tilespmem:v2+s9+$0x0] =	vst.idx.add.f32.msk $0xffff, v1  }
0x149: {  	v2 =	vld [tilespmem:$0x40];
	_ =	sdelay $0x7  }
0x14a: {  	[tilespmem:v2+s9+$0x0] =	vst.idx.add.f32.msk $0xffff, v1  }
0x14b: {  	v2 =	vld [tilespmem:$0x50];
	_ =	sdelay $0x7  }
0x14c: {  	[tilespmem:v2+s9+$0x0] =	vst.idx.add.f32.msk $0xffff, v1  }
0x14d: {  	v2 =	vld [tilespmem:$0x60];
	_ =	sdelay $0x7  }
0x14e: {  	[tilespmem:v2+s9+$0x0] =	vst.idx.add.f32.msk $0xffff, v1  }
0x14f: {  	v2 =	vld [tilespmem:$0x70];
	_ =	sdelay $0x2  }
0x150: {  	s21 =	sadd.s32 $0xFFFFFF80, s30  }
0x151: {  	s28 =	sand.u32 $0x7C00, s21  }
0x152: {  	s21 =	sand.u32 $0x300, s21;
	s28 =	sadd.s32 s10, s28  }
0x153: {  	s21 =	sor.u32 s21, s28  }
0x154: {  	s21 =	sshrl.u32 s21, $0x3  }
0x155: {  	s28 =	sadd.s32 s7, s21;
	[tilespmem:v2+s9+$0x0] =	vst.idx.add.f32.msk $0xffff, v1  }
0x156: {  	[tilespmem:s4], [sflag:$0x3] =	stream.linear.gather [hbm4b:s28+s4], $0x80, $0x38;
	[tilespmem:$0x16680] =	vst v63  }
0x157: {  	s21 =	sadd.s32 s8, s21  }
0x158: {  	[tilespmem:s0], [sflag:$0x3] =	stream.linear.gather [hbm4b:s21+s4], $0x80, $0x38;
	[tilespmem:$0x16680] =	vst v63  }
0x159: {  	_ =	swait.ge [sflag:s26], $0x80  }
0x15a: {  	[sflag:s26] =	ssyncset.done $0x0  }
0x15b: {  	[sflag:s26] =	ssyncadd.s32 $0xFFFFFF80  }
0x15c: {  	_ =	swait.ge [sflag:s26], $0x80  }
0x15d: {  	[sflag:s26] =	ssyncset.done $0x0  }
0x15e: {  	[sflag:s26] =	ssyncadd.s32 $0xFFFFFF80  }
0x15f: {  	_ =	swait.ge [sflag:s5], $0x4000  }
0x160: {  	[sflag:s5] =	ssyncset.done $0x0  }
0x161: {  	[sflag:s5] =	ssyncadd.s32 $0xFFFFC000  }
0x162: {  	[tilespmem:s3], [sflag:$0x1] =	stream.indirect.gather [hbm4b:s6+s0], $0x80, s0, s0, $0xb8;
	[tilespmem:$0x16680] =	vst v63  }
0x163: {  	_ = 	snop  }
0x164: {  	[spmem:s2] =	stream.indirect.scatter.add.f32 [tilespmem:s25], [sflag:$0x5], $0x80, s20, s0, $0xb8;
	[tilespmem:$0x16680] =	vst v63  }
0x165: {  	_ =	swait.ge [sflag:s31], $0x4000  }
0x166: {  	[sflag:s31] =	ssyncset.done $0x0  }
0x167: {  	[sflag:s31] =	ssyncadd.s32 $0xFFFFC000  }
0x168: {  	v2 =	vld [tilespmem:$0x100];
	_ =	sdelay $0x7  }
0x169: {  	[tilespmem:v2+s9+$0x0] =	vst.idx.add.f32.msk $0xffff, v1  }
0x16a: {  	v2 =	vld [tilespmem:$0x110];
	_ =	sdelay $0x7  }
0x16b: {  	[tilespmem:v2+s9+$0x0] =	vst.idx.add.f32.msk $0xffff, v1  }
0x16c: {  	v2 =	vld [tilespmem:$0x120];
	_ =	sdelay $0x7  }
0x16d: {  	[tilespmem:v2+s9+$0x0] =	vst.idx.add.f32.msk $0xffff, v1  }
0x16e: {  	v2 =	vld [tilespmem:$0x130];
	_ =	sdelay $0x7  }
0x16f: {  	[tilespmem:v2+s9+$0x0] =	vst.idx.add.f32.msk $0xffff, v1  }
0x170: {  	v2 =	vld [tilespmem:$0x140];
	_ =	sdelay $0x7  }
0x171: {  	[tilespmem:v2+s9+$0x0] =	vst.idx.add.f32.msk $0xffff, v1  }
0x172: {  	v2 =	vld [tilespmem:$0x150];
	_ =	sdelay $0x7  }
0x173: {  	[tilespmem:v2+s9+$0x0] =	vst.idx.add.f32.msk $0xffff, v1  }
0x174: {  	v2 =	vld [tilespmem:$0x160];
	_ =	sdelay $0x7  }
0x175: {  	[tilespmem:v2+s9+$0x0] =	vst.idx.add.f32.msk $0xffff, v1  }
0x176: {  	v2 =	vld [tilespmem:$0x170];
	_ =	sdelay $0x3  }
0x177: {  	s28 =	sand.u32 $0x7C00, s30  }
0x178: {  	s21 =	sadd.s32 s10, s28;
	s28 =	sand.u32 $0x380, s30  }
0x179: {  	p1 =	sne.s32 s30, $0x2880;
	s21 =	sor.u32 s28, s21  }
.Ltmp7:
0x17a: {  	s21 =	sshrl.u32 s21, $0x3;
	(pc) =	sbr.rel @p1 .LBB2_5-.Ltmp7, $4  }
0x17b: {  	s28 =	sadd.s32 s7, s21;
	[tilespmem:v2+s9+$0x0] =	vst.idx.add.f32.msk $0xffff, v1  }
0x17c: {  	[tilespmem:s20], [sflag:$0x4] =	stream.linear.gather [hbm4b:s28+s4], $0x80, $0x38;
	[tilespmem:$0x16680] =	vst v63  }
0x17d: {  	s30 =	sadd.s32 $0x100, s30;
	s21 =	sadd.s32 s8, s21  }
0x17e: {  	[tilespmem:s24], [sflag:$0x4] =	stream.linear.gather [hbm4b:s21+s4], $0x80, $0x38;
	[tilespmem:$0x16680] =	vst v63  }
0x17f: {  	_ =	swait.ge [sflag:s22], $0x80  }
0x180: {  	[sflag:s22] =	ssyncset.done $0x0  }
0x181: {  	[sflag:s22] =	ssyncadd.s32 $0xFFFFFF80  }
0x182: {  	_ =	swait.ge [sflag:s22], $0x80  }
0x183: {  	[sflag:s22] =	ssyncset.done $0x0  }
0x184: {  	[sflag:s22] =	ssyncadd.s32 $0xFFFFFF80  }
0x185: {  	_ =	swait.ge [sflag:s23], $0x4000  }
0x186: {  	[sflag:s23] =	ssyncset.done $0x0  }
0x187: {  	[sflag:s23] =	ssyncadd.s32 $0xFFFFC000  }
0x188: {  	s21 =	rddreg [dreg:$0x3]  }
0x189: {  	[spmem:s21] =	stream.indirect.scatter.add.f32 [tilespmem:s9], [sflag:$0x5], $0x80, s29, s0, $0xb8;
	[tilespmem:$0x16680] =	vst v63  }
0x18a: {  	_ =	swait.ge [sflag:s31], $0x4000  }
0x18b: {  	[sflag:s31] =	ssyncset.done $0x0  }
0x18c: {  	[sflag:s31] =	ssyncadd.s32 $0xFFFFC000  }
0x18d: {  	[bflag:$0x0] =	sbarrier.arrive $0xFFFF  }
0x18e: {  	s29 =	rddreg [dreg:$0xa]  }
0x18f: {  	[hbm:s29], [sflag:s12] =	dma.local [spmem:s13], $0x1400  }
0x190: {  	_ =	swait.ge [sflag:s31], $0x1400  }
0x191: {  	[sflag:s31] =	ssyncset.done $0x0  }
0x192: {  	s30 =	rddreg [dreg:$0xf];
	[sflag:s31] =	ssyncadd.s32 $0xFFFFEC00  }
0x193: {  	[hbm:s30], [sflag:s12] =	dma.local [spmem:s17], $0x80  }
0x194: {  	_ =	swait.ge [sflag:s31], $0x80  }
0x195: {  	[sflag:s31] =	ssyncset.done $0x0  }
0x196: {  	[sflag:s31] =	ssyncadd.s32 $0xFFFFFF80  }
0x197: {  	[spmem:s13], [sflag:s12] =	dma.local [hbm:s14], $0x1400  }
0x198: {  	_ =	swait.ge [sflag:s31], $0x1400  }
0x199: {  	[sflag:s31] =	ssyncset.done $0x0  }
0x19a: {  	[sflag:s31] =	ssyncadd.s32 $0xFFFFEC00  }
0x19b: {  	[bflag:$0x0] =	sbarrier.arrive $0xFFFF  }
0x19c: {  	s21 =	rddreg [dreg:$0xb]  }
0x19d: {  	[tilespmem:s4], [sflag:$0x5] =	stream.linear.gather [hbm4b:s21+s4], $0x80, $0x38;
	[tilespmem:$0x16680] =	vst v63  }
0x19e: {  	_ =	swait.ge [sflag:s31], $0x80  }
0x19f: {  	[sflag:s31] =	ssyncset.done $0x0  }
0x1a0: {  	[sflag:s31] =	ssyncadd.s32 $0xFFFFFF80  }
0x1a1: {  	[tilespmem:s0], [sflag:$0x5] =	stream.linear.gather [hbm4b:s16+s4], $0x80, $0x38;
	[tilespmem:$0x16680] =	vst v63  }
0x1a2: {  	_ =	swait.ge [sflag:s31], $0x80  }
0x1a3: {  	[sflag:s31] =	ssyncset.done $0x0  }
0x1a4: {  	[sflag:s31] =	ssyncadd.s32 $0xFFFFFF80  }
0x1a5: {  	[tilespmem:s3], [sflag:$0x1] =	stream.indirect.gather [hbm4b:s6+s0], $0x80, s0, s0, $0xb8;
	[tilespmem:$0x16680] =	vst v63  }
0x1a6: {  	s28 =	rddreg [dreg:$0x12]  }
0x1a7: {  	[tilespmem:s20], [sflag:$0x4] =	stream.linear.gather [hbm4b:s28+s4], $0x80, $0x38;
	[tilespmem:$0x16680] =	vst v63  }
0x1a8: {  	s17 =	simm.s32 $0x180  }
0x1a9: {  	[tilespmem:s17], [sflag:$0x4] =	stream.linear.gather [hbm4b:s19+s4], $0x80, $0x38;
	[tilespmem:$0x16680] =	vst v63  }
0x1aa: {  	_ =	swait.ge [sflag:s22], $0x80  }
0x1ab: {  	[sflag:s22] =	ssyncset.done $0x0  }
0x1ac: {  	[sflag:s22] =	ssyncadd.s32 $0xFFFFFF80  }
0x1ad: {  	_ =	swait.ge [sflag:s22], $0x80  }
0x1ae: {  	[sflag:s22] =	ssyncset.done $0x0  }
0x1af: {  	[sflag:s22] =	ssyncadd.s32 $0xFFFFFF80  }
0x1b0: {  	_ =	swait.ge [sflag:s23], $0x4000  }
0x1b1: {  	s29 =	simm.s32 $0x100;
	[sflag:s23] =	ssyncset.done $0x0  }
0x1b2: {  	s28 =	sand.u32 $0x7C00, s29;
	[sflag:s23] =	ssyncadd.s32 $0xFFFFC000  }
0x1b3: {  	[tilespmem:s25], [sflag:$0x2] =	stream.indirect.gather [hbm4b:s6+s0], $0x80, s24, s0, $0xb8;
	[tilespmem:$0x16680] =	vst v63  }
0x1b4: {  	s21 =	sand.u32 $0x300, s29;
	s30 =	sadd.s32 s18, s28  }
0x1b5: {  	[spmem:s2] =	stream.indirect.scatter.add.f32 [tilespmem:s3], [sflag:$0x5], $0x80, s4, s0, $0xb8;
	[tilespmem:$0x16680] =	vst v63  }
0x1b6: {  	s28 =	sadd.s32 s10, s28;
	s30 =	sor.u32 s21, s30;
	_ =	swait.ge [sflag:s31], $0x4000  }
0x1b7: {  	s21 =	sor.u32 s21, s28;
	s30 =	sshrl.u32 s30, $0x3;
	[sflag:s31] =	ssyncset.done $0x0  }
0x1b8: {  	s21 =	sshrl.u32 s21, $0x3;
	s28 =	sadd.s32 s7, s30;
	[sflag:s31] =	ssyncadd.s32 $0xFFFFC000  }
0x1b9: {  	[tilespmem:s4], [sflag:$0x3] =	stream.linear.gather [hbm4b:s28+s4], $0x80, $0x38;
	[tilespmem:$0x16680] =	vst v63  }
0x1ba: {  	s21 =	sadd.s32 s8, s21  }
0x1bb: {  	[tilespmem:s0], [sflag:$0x3] =	stream.linear.gather [hbm4b:s21+s4], $0x80, $0x38;
	[tilespmem:$0x16680] =	vst v63  }
0x1bc: {  	_ =	swait.ge [sflag:s26], $0x80  }
0x1bd: {  	[sflag:s26] =	ssyncset.done $0x0  }
0x1be: {  	[sflag:s26] =	ssyncadd.s32 $0xFFFFFF80  }
0x1bf: {  	_ =	swait.ge [sflag:s26], $0x80  }
0x1c0: {  	[sflag:s26] =	ssyncset.done $0x0  }
0x1c1: {  	[sflag:s26] =	ssyncadd.s32 $0xFFFFFF80  }
0x1c2: {  	_ =	swait.ge [sflag:s5], $0x4000  }
0x1c3: {  	s29 =	sand.u32 $0x7C00, s17;
	[sflag:s5] =	ssyncset.done $0x0  }
0x1c4: {  	s17 =	sand.u32 $0x380, s17;
	s30 =	sadd.s32 s18, s29;
	[sflag:s5] =	ssyncadd.s32 $0xFFFFC000  }
0x1c5: {  	[tilespmem:s3], [sflag:$0x1] =	stream.indirect.gather [hbm4b:s6+s0], $0x80, s0, s0, $0xb8;
	[tilespmem:$0x16680] =	vst v63  }
0x1c6: {  	s28 =	sor.u32 s17, s30;
	s21 =	sadd.s32 s10, s29  }
0x1c7: {  	[spmem:s2] =	stream.indirect.scatter.add.f32 [tilespmem:s25], [sflag:$0x5], $0x80, s20, s0, $0xb8;
	[tilespmem:$0x16680] =	vst v63  }
0x1c8: {  	s28 =	sshrl.u32 s28, $0x3;
	s17 =	sor.u32 s17, s21;
	_ =	swait.ge [sflag:s31], $0x4000  }
0x1c9: {  	s29 =	sadd.s32 s7, s28;
	s30 =	sshrl.u32 s17, $0x3;
	[sflag:s31] =	ssyncset.done $0x0  }
0x1ca: {  	s17 =	simm.s32 $0x280;
	s21 =	sadd.s32 s8, s30;
	[sflag:s31] =	ssyncadd.s32 $0xFFFFC000  }
0x1cb: {  	[tilespmem:s20], [sflag:$0x4] =	stream.linear.gather [hbm4b:s29+s4], $0x80, $0x38;
	[tilespmem:$0x16680] =	vst v63  }
.LBB2_7:
0x1cc: {  	p1 =	sne.s32 s17, $0x2880;
	s30 =	smov.u32 s17;
	s17 =	sadd.s32 $0x100, s17  }
0x1cd: {  	[tilespmem:s24], [sflag:$0x4] =	stream.linear.gather [hbm4b:s21+s4], $0x80, $0x38;
	[tilespmem:$0x16680] =	vst v63  }
0x1ce: {  	_ =	swait.ge [sflag:s22], $0x80  }
0x1cf: {  	[sflag:s22] =	ssyncset.done $0x0  }
0x1d0: {  	[sflag:s22] =	ssyncadd.s32 $0xFFFFFF80  }
0x1d1: {  	_ =	swait.ge [sflag:s22], $0x80  }
0x1d2: {  	[sflag:s22] =	ssyncset.done $0x0  }
0x1d3: {  	[sflag:s22] =	ssyncadd.s32 $0xFFFFFF80  }
0x1d4: {  	_ =	swait.ge [sflag:s23], $0x4000  }
0x1d5: {  	[sflag:s23] =	ssyncset.done $0x0  }
0x1d6: {  	s21 =	sadd.s32 $0xFFFFFF80, s30;
	[sflag:s23] =	ssyncadd.s32 $0xFFFFC000  }
0x1d7: {  	[tilespmem:s25], [sflag:$0x2] =	stream.indirect.gather [hbm4b:s6+s0], $0x80, s24, s0, $0xb8;
	[tilespmem:$0x16680] =	vst v63  }
0x1d8: {  	s28 =	sand.u32 $0x7C00, s21;
	s21 =	sand.u32 $0x300, s21  }
0x1d9: {  	[spmem:s2] =	stream.indirect.scatter.add.f32 [tilespmem:s3], [sflag:$0x5], $0x80, s4, s0, $0xb8;
	[tilespmem:$0x16680] =	vst v63  }
0x1da: {  	s29 =	sadd.s32 s18, s28;
	s28 =	sadd.s32 s10, s28;
	_ =	swait.ge [sflag:s31], $0x4000  }
0x1db: {  	s29 =	sor.u32 s21, s29;
	s21 =	sor.u32 s21, s28;
	[sflag:s31] =	ssyncset.done $0x0  }
0x1dc: {  	s28 =	sshrl.u32 s29, $0x3;
	s21 =	sshrl.u32 s21, $0x3;
	[sflag:s31] =	ssyncadd.s32 $0xFFFFC000  }
0x1dd: {  	s28 =	sadd.s32 s7, s28;
	s21 =	sadd.s32 s8, s21  }
0x1de: {  	[tilespmem:s4], [sflag:$0x3] =	stream.linear.gather [hbm4b:s28+s4], $0x80, $0x38;
	[tilespmem:$0x16680] =	vst v63  }
0x1df: {  	_ = 	snop  }
0x1e0: {  	[tilespmem:s0], [sflag:$0x3] =	stream.linear.gather [hbm4b:s21+s4], $0x80, $0x38;
	[tilespmem:$0x16680] =	vst v63  }
0x1e1: {  	_ =	swait.ge [sflag:s26], $0x80  }
0x1e2: {  	[sflag:s26] =	ssyncset.done $0x0  }
0x1e3: {  	[sflag:s26] =	ssyncadd.s32 $0xFFFFFF80  }
0x1e4: {  	_ =	swait.ge [sflag:s26], $0x80  }
0x1e5: {  	[sflag:s26] =	ssyncset.done $0x0  }
0x1e6: {  	[sflag:s26] =	ssyncadd.s32 $0xFFFFFF80  }
0x1e7: {  	_ =	swait.ge [sflag:s5], $0x4000  }
0x1e8: {  	[sflag:s5] =	ssyncset.done $0x0  }
0x1e9: {  	s21 =	sand.u32 $0x7C00, s30;
	[sflag:s5] =	ssyncadd.s32 $0xFFFFC000  }
0x1ea: {  	[tilespmem:s3], [sflag:$0x1] =	stream.indirect.gather [hbm4b:s6+s0], $0x80, s0, s0, $0xb8;
	[tilespmem:$0x16680] =	vst v63  }
0x1eb: {  	s29 =	sand.u32 $0x380, s30;
	s28 =	sadd.s32 s18, s21;
	s21 =	sadd.s32 s10, s21  }
0x1ec: {  	[spmem:s2] =	stream.indirect.scatter.add.f32 [tilespmem:s25], [sflag:$0x5], $0x80, s20, s0, $0xb8;
	[tilespmem:$0x16680] =	vst v63  }
.Ltmp8:
0x1ed: {  	_ = 	snop;
	(pc) =	sbr.rel @p1 .LBB2_7-.Ltmp8, $4  }
0x1ee: {  	s28 =	sor.u32 s29, s28;
	s21 =	sor.u32 s29, s21;
	_ =	swait.ge [sflag:s31], $0x4000  }
0x1ef: {  	s28 =	sshrl.u32 s28, $0x3;
	s21 =	sshrl.u32 s21, $0x3;
	[sflag:s31] =	ssyncset.done $0x0  }
0x1f0: {  	s28 =	sadd.s32 s7, s28;
	s21 =	sadd.s32 s8, s21;
	[sflag:s31] =	ssyncadd.s32 $0xFFFFC000  }
0x1f1: {  	[tilespmem:s20], [sflag:$0x4] =	stream.linear.gather [hbm4b:s28+s4], $0x80, $0x38;
	[tilespmem:$0x16680] =	vst v63  }
.Ltmp9:
0x1f2: {  	_ = 	snop;
	(pc) =	sbr.rel .LBB2_8-.Ltmp9, $1  }
0x1f3: {  	_ =	sdelay $0x3  }
.LBB2_15:
0x1f4: {  	_ =	sfence.sel $0x180000  }
0x1f5: {  	[bflag:$0x0] =	sbarrier.arrive $0xFFFF  }
0x1f6: {  	_ =	strace $0x90000047  }
0x1f7: {  	s0 =	stileid.u32;
	[bflag:$0x2] =	sbarrier.arrive $0xFFFF  }
0x1f8: {  	p0 =	sne.s32 s0, $0x0;
	s0 =	rddreg [dreg:$0x4]  }
0x1f9: {  	s0 =	sadd.s32 @!p0 $0x100000, s0  }
0x1fa: {  	[sflag:s0] =	ssyncadd.tile.s32 @!p0 $0x1;
	_ =	shalt  }
.Lfunc_end2:
_tile_overlayer_lowered:
.L_overlay_start_2:
0x1fb: {  	(tag) =	ssettag $0x2  }
0x1fc: {  	s0 =	rddreg [dreg:$0x0];
	s2 =	stileid.u32  }
0x1fd: {  	s1 =	rddreg [dreg:$0x1];
	p0 =	sne.s32 s2, $0x0  }
0x1fe: {  	s3 =	rddreg [dreg:$0x2];
	[bflag:$0x3] =	sbarrier.arrive $0xFFFF;
	s2 =	simm.s32 @!p0 $0x1C05  }
0x1ff: {  	[timem:s3], [sflag:s2] =	dma.local @!p0 [hbm:s0], s1  }
0x200: {  	s0 =	simm.s32 @!p0 $0x5  }
0x201: {  	_ =	swait.ge @!p0 [sflag:s0], s1  }
0x202: {  	s1 =	ssub.s32 @!p0 $0x0, s1;
	[sflag:s0] =	ssyncset.done @!p0 $0x0  }
0x203: {  	[sflag:s0] =	ssyncadd.s32 @!p0 s1  }
0x204: {  	[bflag:$0x3] =	sbarrier.arrive $0xFFFF  }
0x205: {  	_ =	shalt  }

</sc_bundles>
